<compile_context>
chip_gen: v7x
topology: tpu7x:2x2x1
jax: 0.10.2.dev20260603
libtpu: 0.0.44.dev20260713+nightly
codegen_flags: <defaults>
</compile_context>

<pallas_src>
import functools
import math

import jax
import jax.numpy as jnp
from jax import lax
from jax.experimental import pallas as pl
from jax.experimental.pallas import tpu as pltpu
from jax.experimental.pallas import tpu_sc as plsc

_NUM_SLOTS = 8192
_D = 256
_RDIM = 48
_K = 8
_SEG = 128
_NSEG = _NUM_SLOTS // _SEG
_KSEL = 10
_KPAD = 16
_QB = 256
_INV_SQRT = 1.0 / math.sqrt(_RDIM)


def _stage_a_kernel(q_ref, ak_ref, mask_ref, maskt_ref, w_ref,
                    s_out, segid_out, rk_ref):
    @pl.when(pl.program_id(0) == 0)
    def _():
        rk_ref[...] = lax.dot_general(
            ak_ref[...], w_ref[...], (((1,), (1,)), ((), ())),
            preferred_element_type=jnp.float32)

    rq = lax.dot_general(
        q_ref[...], w_ref[...], (((1,), (1,)), ((), ())),
        preferred_element_type=jnp.float32)
    s = lax.dot_general(
        rq, rk_ref[...], (((1,), (1,)), ((), ())),
        preferred_element_type=jnp.float32)
    s = s * _INV_SQRT + mask_ref[...]
    s_out[...] = jnp.stack(
        [s[:, c * _SEG:(c + 1) * _SEG] for c in range(_NSEG)], axis=0)

    st = lax.dot_general(
        rk_ref[...], rq, (((1,), (1,)), ((), ())),
        preferred_element_type=jnp.float32)
    st = st * _INV_SQRT + maskt_ref[...]
    mt = jnp.concatenate(
        [jnp.max(st[c * _SEG:(c + 1) * _SEG, :], axis=0, keepdims=True)
         for c in range(_NSEG)], axis=0)

    segio = lax.broadcasted_iota(jnp.int32, mt.shape, 0).astype(jnp.float32)
    big = jnp.float32(2.0 * _NSEG)
    ids = []
    for _ in range(_KSEL):
        m = jnp.max(mt, axis=0, keepdims=True)
        cand = jnp.where(mt == m, segio, big)
        ix = jnp.min(cand, axis=0, keepdims=True)
        mt = jnp.where(segio == ix, -jnp.inf, mt)
        ids.append(ix)
    ids += [ids[-1]] * (_KPAD - _KSEL)
    segid_out[...] = jnp.concatenate(ids, axis=0).astype(jnp.int32)


def _stage_a(q2, aux_keys, mask_row, mask_col, W):
    rows = q2.shape[0]
    return pl.pallas_call(
        _stage_a_kernel,
        grid=(rows // _QB,),
        in_specs=[
            pl.BlockSpec((_QB, _D), lambda i: (i, 0)),
            pl.BlockSpec((_NUM_SLOTS, _D), lambda i: (0, 0)),
            pl.BlockSpec((1, _NUM_SLOTS), lambda i: (0, 0)),
            pl.BlockSpec((_NUM_SLOTS, 1), lambda i: (0, 0)),
            pl.BlockSpec((_RDIM, _D), lambda i: (0, 0)),
        ],
        out_specs=[
            pl.BlockSpec((_NSEG, _QB, _SEG), lambda i: (0, i, 0)),
            pl.BlockSpec((_KPAD, _QB), lambda i: (0, i)),
        ],
        out_shape=[
            jax.ShapeDtypeStruct((_NSEG, rows, _SEG), jnp.float32),
            jax.ShapeDtypeStruct((_KPAD, rows), jnp.int32),
        ],
        scratch_shapes=[pltpu.VMEM((_NUM_SLOTS, _RDIM), jnp.float32)],
    )(q2, aux_keys, mask_row, mask_col, W)


def _stage_b(table, idx):
    nw, ch = 32, 128
    nch = idx.shape[1]
    per_w = nch * ch
    n = nw * per_w
    info = plsc.get_sparse_core_info()
    mesh = plsc.VectorSubcoreMesh(core_axis_name="c", subcore_axis_name="s")

    nb = 6
    gap = 4

    @functools.partial(
        pl.kernel, mesh=mesh,
        out_type=jax.ShapeDtypeStruct((n, _SEG), jnp.float32),
        scratch_types=(
            [pltpu.VMEM((nch, ch), jnp.int32)]
            + [pltpu.VMEM((ch, _SEG), jnp.float32)] * nb
            + [pltpu.SemaphoreType.DMA] * (2 * nb)
        ),
    )
    def k(table_hbm, idx_hbm, out_hbm, idx_v, *rest):
        bufs = list(rest[:nb])
        gsems = list(rest[nb:2 * nb])
        wsems = list(rest[2 * nb:])
        wid = lax.axis_index("s") * info.num_cores + lax.axis_index("c")
        base = wid * per_w
        pltpu.sync_copy(idx_hbm.at[wid], idx_v)
        gh = [None] * nb
        wh = [None] * nb

        def drain(d):
            b = d % nb
            gh[b].wait()
            wh[b] = pltpu.async_copy(
                bufs[b], out_hbm.at[pl.ds(base + d * ch, ch)], wsems[b])

        for c in range(nch):
            b = c % nb
            if wh[b] is not None:
                wh[b].wait()
                wh[b] = None
            gh[b] = pltpu.async_copy(
                table_hbm.at[idx_v.at[c]], bufs[b], gsems[b])
            if c >= gap:
                drain(c - gap)
        for d in range(max(0, nch - gap), nch):
            drain(d)
        for b in range(nb):
            if wh[b] is not None:
                wh[b].wait()

    return k(table, idx)


def _stage_c_kernel(g_ref, segid_ref, idx_ref, val_ref):
    s = g_ref[...]
    iota = lax.broadcasted_iota(jnp.int32, s.shape, 1).astype(jnp.float32)
    big = jnp.float32(2.0 * _KSEL * _SEG)
    vals, ixs = [], []
    for _ in range(_K):
        m = jnp.max(s, axis=1, keepdims=True)
        cand = jnp.where(s == m, iota, big)
        ix = jnp.min(cand, axis=1, keepdims=True)
        s = jnp.where(iota == ix, -jnp.inf, s)
        vals.append(m)
        ixs.append(ix)
    val_ref[...] = jnp.concatenate(vals, axis=1)
    pos = jnp.concatenate(ixs, axis=1)
    j = jnp.floor(pos * (1.0 / _SEG))
    lane = pos - j * _SEG
    sid = jnp.zeros_like(pos)
    for jj in range(_KSEL):
        sj = segid_ref[:, jj:jj + 1].astype(jnp.float32)
        sid = jnp.where(j == jj, sj, sid)
    idx_ref[...] = (sid * _SEG + lane).astype(jnp.int32)


def _stage_c(g, segids):
    rows = g.shape[0]
    qb = 512
    return pl.pallas_call(
        _stage_c_kernel,
        grid=(rows // qb,),
        in_specs=[
            pl.BlockSpec((qb, _KSEL * _SEG), lambda i: (i, 0)),
            pl.BlockSpec((qb, _KSEL), lambda i: (i, 0)),
        ],
        out_specs=[
            pl.BlockSpec((qb, _K), lambda i: (i, 0)),
            pl.BlockSpec((qb, _K), lambda i: (i, 0)),
        ],
        out_shape=[
            jax.ShapeDtypeStruct((rows, _K), jnp.int32),
            jax.ShapeDtypeStruct((rows, _K), jnp.float32),
        ],
    )(g, segids)


def kernel(query, aux_keys, reliability_mask, W):
    b, sq, d = query.shape
    rows = b * sq
    q2 = query.reshape(rows, d)
    mask_row = reliability_mask.reshape(1, _NUM_SLOTS)
    mask_col = reliability_mask.reshape(_NUM_SLOTS, 1)
    scores, segids_t = _stage_a(q2, aux_keys, mask_row, mask_col, W)
    segids = segids_t.T[:, :_KSEL]
    gidx = (segids * rows + jnp.arange(rows, dtype=jnp.int32)[:, None]
            ).reshape(32, rows * _KSEL // (32 * 128), 128)
    table = scores.reshape(_NSEG * rows, _SEG)
    g = _stage_b(table, gidx).reshape(rows, _KSEL * _SEG)
    idx, val = _stage_c(g, segids)
    return idx.reshape(b, sq, _K), val.reshape(b, sq, _K)

# --- scband reference (transcript-rebuilt; emitter-appended) ---
"""Pipeline reference for scband-slot-router-55533927137804 (READ-ONLY COPY).

The authoritative reference and input builder live on the scoring server;
editing this copy changes nothing except your own understanding.
"""

import jax, jax.numpy as jnp
import numpy as np
import math

ROUTER_DIM = 48  # min(bottleneck_dim=256, 48)
TOP_K = 8

def setup_inputs(seed: int = 0) -> dict:
    key = jax.random.key(seed)
    k1, k2, k3, k4 = jax.random.split(key, 4)
    query = jax.random.normal(k1, (2, 4096, 256), dtype=jnp.float32)
    aux_keys = jax.random.normal(k2, (8192, 256), dtype=jnp.float32)
    reliability_mask = jax.random.normal(k3, (8192,), dtype=jnp.float32)
    # router_proj weight: torch Linear(bottleneck_dim=256 -> router_dim=48), weight shape [48, 256]
    W = jax.random.normal(k4, (48, 256), dtype=jnp.float32) * (1.0 / math.sqrt(256))
    return {"query": query, "aux_keys": aux_keys, "reliability_mask": reliability_mask, "W": W}

def reference(query, aux_keys, reliability_mask, W):
    # router_proj
    router_query = jnp.matmul(query, W.T)          # [B, S, router_dim]
    router_keys = jnp.matmul(aux_keys, W.T)         # [num_slots, router_dim]
    # scores: [B, S, num_slots]
    router_scores = jnp.matmul(router_query, router_keys.T)
    router_scores = router_scores / math.sqrt(ROUTER_DIM)
    router_scores = router_scores + reliability_mask[None, None, :]
    top_scores, top_indices = jax.lax.top_k(router_scores, TOP_K)
    return (top_indices, top_scores)

if __name__ == "__main__":
    import jax
    _d = setup_inputs()
    print(jax.jit(kernel)(*tuple(_d.values())))

</pallas_src>

<mosaic_0001>
#map = affine_map<(d0, d1) -> (0, 0)>
#map1 = affine_map<(d0, d1) -> (0, 0, 0)>
module attributes {stable_mosaic.version = 14 : i64} {
  func.func @k(%arg0: i32, %arg1: i32, %arg2: memref<524288x128xf32, #tpu.memory_space<hbm>>, %arg3: memref<32x20x128xi32, #tpu.memory_space<hbm>>, %arg4: memref<81920x128xf32, #tpu.memory_space<hbm>>, %arg5: memref<20x128xi32, #tpu.memory_space<vmem>>, %arg6: memref<128x128xf32, #tpu.memory_space<vmem>>, %arg7: memref<128x128xf32, #tpu.memory_space<vmem>>, %arg8: memref<128x128xf32, #tpu.memory_space<vmem>>, %arg9: memref<128x128xf32, #tpu.memory_space<vmem>>, %arg10: memref<128x128xf32, #tpu.memory_space<vmem>>, %arg11: memref<128x128xf32, #tpu.memory_space<vmem>>, %arg12: memref<!tpu.dma_semaphore, #tpu.memory_space<semaphore_mem>>, %arg13: memref<!tpu.dma_semaphore, #tpu.memory_space<semaphore_mem>>, %arg14: memref<!tpu.dma_semaphore, #tpu.memory_space<semaphore_mem>>, %arg15: memref<!tpu.dma_semaphore, #tpu.memory_space<semaphore_mem>>, %arg16: memref<!tpu.dma_semaphore, #tpu.memory_space<semaphore_mem>>, %arg17: memref<!tpu.dma_semaphore, #tpu.memory_space<semaphore_mem>>, %arg18: memref<!tpu.dma_semaphore, #tpu.memory_space<semaphore_mem>>, %arg19: memref<!tpu.dma_semaphore, #tpu.memory_space<semaphore_mem>>, %arg20: memref<!tpu.dma_semaphore, #tpu.memory_space<semaphore_mem>>, %arg21: memref<!tpu.dma_semaphore, #tpu.memory_space<semaphore_mem>>, %arg22: memref<!tpu.dma_semaphore, #tpu.memory_space<semaphore_mem>>, %arg23: memref<!tpu.dma_semaphore, #tpu.memory_space<semaphore_mem>>) attributes {dimension_semantics = [#tpu.dimension_semantics<core_parallel>, #tpu.dimension_semantics<subcore_parallel>], iteration_bounds = array<i64: 2, 16>, scalar_prefetch = 0 : i64, scratch_operands = 19 : i64, tpu.core_type = #tpu.core_type<sc_vector_subcore>, window_params = [{transform_indices = #map}, {transform_indices = #map1}, {transform_indices = #map}]} {
    %mul3A = arith.constant 2 : i32
    %mul3A_0 = arith.muli %arg1, %mul3A : i32
    %add3A = arith.addi %mul3A_0, %arg0 : i32
    %mul3A_1 = arith.constant 2560 : i32
    %mul3A_2 = arith.muli %add3A, %mul3A_1 : i32
    "tpu.region"() ({
      %run_scoped3A = tpu.sem_alloc : memref<!tpu.dma_semaphore, #tpu.memory_space<semaphore_mem>>
      %dma_start3A_481 = arith.constant 0 : i32
      %dma_start3A_482 = arith.constant 0 : i32
      %dma_start3A_483 = tpu.memref_slice %arg3[%add3A, %dma_start3A_481, %dma_start3A_482] : memref<32x20x128xi32, #tpu.memory_space<hbm>> -> memref<1x20x128xi32, #tpu.memory_space<hbm>>
      %dma_start3A_484 = tpu.memref_squeeze %dma_start3A_483 : memref<1x20x128xi32, #tpu.memory_space<hbm>> -> memref<20x128xi32, #tpu.memory_space<hbm>>
      %dma_start3A_485 = arith.constant 0 : i32
      %dma_start3A_486 = arith.constant 0 : i32
      %dma_start3A_487 = tpu.memref_slice %arg3[%add3A, %dma_start3A_485, %dma_start3A_486] : memref<32x20x128xi32, #tpu.memory_space<hbm>> -> memref<1x20x128xi32, #tpu.memory_space<hbm>>
      %dma_start3A_488 = tpu.memref_squeeze %dma_start3A_487 : memref<1x20x128xi32, #tpu.memory_space<hbm>> -> memref<20x128xi32, #tpu.memory_space<hbm>>
      tpu.enqueue_dma source(%dma_start3A_488 : memref<20x128xi32, #tpu.memory_space<hbm>>) target(%arg5 : memref<20x128xi32, #tpu.memory_space<vmem>>) target_semaphore(%run_scoped3A : memref<!tpu.dma_semaphore, #tpu.memory_space<semaphore_mem>>)
      %dma_wait3A_489 = arith.constant 0 : i32
      %dma_wait3A_490 = arith.constant 0 : i32
      %dma_wait3A_491 = tpu.memref_slice %arg3[%add3A, %dma_wait3A_489, %dma_wait3A_490] : memref<32x20x128xi32, #tpu.memory_space<hbm>> -> memref<1x20x128xi32, #tpu.memory_space<hbm>>
      %dma_wait3A_492 = tpu.memref_squeeze %dma_wait3A_491 : memref<1x20x128xi32, #tpu.memory_space<hbm>> -> memref<20x128xi32, #tpu.memory_space<hbm>>
      %dma_wait3A_493 = arith.constant 0 : i32
      %dma_wait3A_494 = arith.constant 0 : i32
      %dma_wait3A_495 = tpu.memref_slice %arg3[%add3A, %dma_wait3A_493, %dma_wait3A_494] : memref<32x20x128xi32, #tpu.memory_space<hbm>> -> memref<1x20x128xi32, #tpu.memory_space<hbm>>
      %dma_wait3A_496 = tpu.memref_squeeze %dma_wait3A_495 : memref<1x20x128xi32, #tpu.memory_space<hbm>> -> memref<20x128xi32, #tpu.memory_space<hbm>>
      tpu.wait_dma2 semaphore(%run_scoped3A : memref<!tpu.dma_semaphore, #tpu.memory_space<semaphore_mem>>) src(%dma_wait3A_496 : memref<20x128xi32, #tpu.memory_space<hbm>>) dst(%arg5 : memref<20x128xi32, #tpu.memory_space<vmem>>)
      tpu.yield
    }) : () -> ()
    %dma_start3A = arith.constant 0 : i32
    %dma_start3A_3 = arith.constant 0 : i32
    %dma_start3A_4 = tpu.memref_slice %arg5[%dma_start3A, %dma_start3A_3] : memref<20x128xi32, #tpu.memory_space<vmem>> -> memref<1x128xi32, #tpu.memory_space<vmem>>
    %dma_start3A_5 = tpu.memref_squeeze %dma_start3A_4 : memref<1x128xi32, #tpu.memory_space<vmem>> -> memref<128xi32, #tpu.memory_space<vmem>>
    %dma_start3A_6 = arith.constant 0 : i32
    %dma_start3A_7 = arith.constant 0 : i32
    %dma_start3A_8 = tpu.memref_slice %arg2[%dma_start3A_6, %dma_start3A_7] : memref<524288x128xf32, #tpu.memory_space<hbm>> -> memref<524288x128xf32, #tpu.memory_space<hbm>>
    tpu.enqueue_indirect_dma source(%dma_start3A_8 : memref<524288x128xf32, #tpu.memory_space<hbm>>) target(%arg6 : memref<128x128xf32, #tpu.memory_space<vmem>>) offsets(%dma_start3A_5 : memref<128xi32, #tpu.memory_space<vmem>>) semaphore(%arg12 : memref<!tpu.dma_semaphore, #tpu.memory_space<semaphore_mem>>)
    %dma_start3A_9 = arith.constant 1 : i32
    %dma_start3A_10 = arith.constant 0 : i32
    %dma_start3A_11 = tpu.memref_slice %arg5[%dma_start3A_9, %dma_start3A_10] : memref<20x128xi32, #tpu.memory_space<vmem>> -> memref<1x128xi32, #tpu.memory_space<vmem>>
    %dma_start3A_12 = tpu.memref_squeeze %dma_start3A_11 : memref<1x128xi32, #tpu.memory_space<vmem>> -> memref<128xi32, #tpu.memory_space<vmem>>
    %dma_start3A_13 = arith.constant 0 : i32
    %dma_start3A_14 = arith.constant 0 : i32
    %dma_start3A_15 = tpu.memref_slice %arg2[%dma_start3A_13, %dma_start3A_14] : memref<524288x128xf32, #tpu.memory_space<hbm>> -> memref<524288x128xf32, #tpu.memory_space<hbm>>
    tpu.enqueue_indirect_dma source(%dma_start3A_15 : memref<524288x128xf32, #tpu.memory_space<hbm>>) target(%arg7 : memref<128x128xf32, #tpu.memory_space<vmem>>) offsets(%dma_start3A_12 : memref<128xi32, #tpu.memory_space<vmem>>) semaphore(%arg13 : memref<!tpu.dma_semaphore, #tpu.memory_space<semaphore_mem>>)
    %dma_start3A_16 = arith.constant 2 : i32
    %dma_start3A_17 = arith.constant 0 : i32
    %dma_start3A_18 = tpu.memref_slice %arg5[%dma_start3A_16, %dma_start3A_17] : memref<20x128xi32, #tpu.memory_space<vmem>> -> memref<1x128xi32, #tpu.memory_space<vmem>>
    %dma_start3A_19 = tpu.memref_squeeze %dma_start3A_18 : memref<1x128xi32, #tpu.memory_space<vmem>> -> memref<128xi32, #tpu.memory_space<vmem>>
    %dma_start3A_20 = arith.constant 0 : i32
    %dma_start3A_21 = arith.constant 0 : i32
    %dma_start3A_22 = tpu.memref_slice %arg2[%dma_start3A_20, %dma_start3A_21] : memref<524288x128xf32, #tpu.memory_space<hbm>> -> memref<524288x128xf32, #tpu.memory_space<hbm>>
    tpu.enqueue_indirect_dma source(%dma_start3A_22 : memref<524288x128xf32, #tpu.memory_space<hbm>>) target(%arg8 : memref<128x128xf32, #tpu.memory_space<vmem>>) offsets(%dma_start3A_19 : memref<128xi32, #tpu.memory_space<vmem>>) semaphore(%arg14 : memref<!tpu.dma_semaphore, #tpu.memory_space<semaphore_mem>>)
    %dma_start3A_23 = arith.constant 3 : i32
    %dma_start3A_24 = arith.constant 0 : i32
    %dma_start3A_25 = tpu.memref_slice %arg5[%dma_start3A_23, %dma_start3A_24] : memref<20x128xi32, #tpu.memory_space<vmem>> -> memref<1x128xi32, #tpu.memory_space<vmem>>
    %dma_start3A_26 = tpu.memref_squeeze %dma_start3A_25 : memref<1x128xi32, #tpu.memory_space<vmem>> -> memref<128xi32, #tpu.memory_space<vmem>>
    %dma_start3A_27 = arith.constant 0 : i32
    %dma_start3A_28 = arith.constant 0 : i32
    %dma_start3A_29 = tpu.memref_slice %arg2[%dma_start3A_27, %dma_start3A_28] : memref<524288x128xf32, #tpu.memory_space<hbm>> -> memref<524288x128xf32, #tpu.memory_space<hbm>>
    tpu.enqueue_indirect_dma source(%dma_start3A_29 : memref<524288x128xf32, #tpu.memory_space<hbm>>) target(%arg9 : memref<128x128xf32, #tpu.memory_space<vmem>>) offsets(%dma_start3A_26 : memref<128xi32, #tpu.memory_space<vmem>>) semaphore(%arg15 : memref<!tpu.dma_semaphore, #tpu.memory_space<semaphore_mem>>)
    %dma_start3A_30 = arith.constant 4 : i32
    %dma_start3A_31 = arith.constant 0 : i32
    %dma_start3A_32 = tpu.memref_slice %arg5[%dma_start3A_30, %dma_start3A_31] : memref<20x128xi32, #tpu.memory_space<vmem>> -> memref<1x128xi32, #tpu.memory_space<vmem>>
    %dma_start3A_33 = tpu.memref_squeeze %dma_start3A_32 : memref<1x128xi32, #tpu.memory_space<vmem>> -> memref<128xi32, #tpu.memory_space<vmem>>
    %dma_start3A_34 = arith.constant 0 : i32
    %dma_start3A_35 = arith.constant 0 : i32
    %dma_start3A_36 = tpu.memref_slice %arg2[%dma_start3A_34, %dma_start3A_35] : memref<524288x128xf32, #tpu.memory_space<hbm>> -> memref<524288x128xf32, #tpu.memory_space<hbm>>
    tpu.enqueue_indirect_dma source(%dma_start3A_36 : memref<524288x128xf32, #tpu.memory_space<hbm>>) target(%arg10 : memref<128x128xf32, #tpu.memory_space<vmem>>) offsets(%dma_start3A_33 : memref<128xi32, #tpu.memory_space<vmem>>) semaphore(%arg16 : memref<!tpu.dma_semaphore, #tpu.memory_space<semaphore_mem>>)
    %dma_wait3A = arith.constant 0 : i32
    %dma_wait3A_37 = arith.constant 0 : i32
    %dma_wait3A_38 = tpu.memref_slice %arg5[%dma_wait3A, %dma_wait3A_37] : memref<20x128xi32, #tpu.memory_space<vmem>> -> memref<1x128xi32, #tpu.memory_space<vmem>>
    %dma_wait3A_39 = tpu.memref_squeeze %dma_wait3A_38 : memref<1x128xi32, #tpu.memory_space<vmem>> -> memref<128xi32, #tpu.memory_space<vmem>>
    %dma_wait3A_40 = arith.constant 0 : i32
    %dma_wait3A_41 = arith.constant 0 : i32
    %dma_wait3A_42 = tpu.memref_slice %arg2[%dma_wait3A_40, %dma_wait3A_41] : memref<524288x128xf32, #tpu.memory_space<hbm>> -> memref<524288x128xf32, #tpu.memory_space<hbm>>
    tpu.wait_indirect_dma semaphore(%arg12 : memref<!tpu.dma_semaphore, #tpu.memory_space<semaphore_mem>>) src(%dma_wait3A_42 : memref<524288x128xf32, #tpu.memory_space<hbm>>) dst(%arg6 : memref<128x128xf32, #tpu.memory_space<vmem>>)
    %add3A_43 = arith.constant 0 : i32
    %add3A_44 = arith.addi %mul3A_2, %add3A_43 : i32
    %dma_start3A_45 = arith.constant 0 : i32
    %dma_start3A_46 = tpu.memref_slice %arg4[%add3A_44, %dma_start3A_45] : memref<81920x128xf32, #tpu.memory_space<hbm>> -> memref<128x128xf32, #tpu.memory_space<hbm>>
    %dma_start3A_47 = arith.constant 0 : i32
    %dma_start3A_48 = tpu.memref_slice %arg4[%add3A_44, %dma_start3A_47] : memref<81920x128xf32, #tpu.memory_space<hbm>> -> memref<128x128xf32, #tpu.memory_space<hbm>>
    tpu.enqueue_dma source(%arg6 : memref<128x128xf32, #tpu.memory_space<vmem>>) target(%dma_start3A_48 : memref<128x128xf32, #tpu.memory_space<hbm>>) target_semaphore(%arg18 : memref<!tpu.dma_semaphore, #tpu.memory_space<semaphore_mem>>)
    %dma_start3A_49 = arith.constant 5 : i32
    %dma_start3A_50 = arith.constant 0 : i32
    %dma_start3A_51 = tpu.memref_slice %arg5[%dma_start3A_49, %dma_start3A_50] : memref<20x128xi32, #tpu.memory_space<vmem>> -> memref<1x128xi32, #tpu.memory_space<vmem>>
    %dma_start3A_52 = tpu.memref_squeeze %dma_start3A_51 : memref<1x128xi32, #tpu.memory_space<vmem>> -> memref<128xi32, #tpu.memory_space<vmem>>
    %dma_start3A_53 = arith.constant 0 : i32
    %dma_start3A_54 = arith.constant 0 : i32
    %dma_start3A_55 = tpu.memref_slice %arg2[%dma_start3A_53, %dma_start3A_54] : memref<524288x128xf32, #tpu.memory_space<hbm>> -> memref<524288x128xf32, #tpu.memory_space<hbm>>
    tpu.enqueue_indirect_dma source(%dma_start3A_55 : memref<524288x128xf32, #tpu.memory_space<hbm>>) target(%arg11 : memref<128x128xf32, #tpu.memory_space<vmem>>) offsets(%dma_start3A_52 : memref<128xi32, #tpu.memory_space<vmem>>) semaphore(%arg17 : memref<!tpu.dma_semaphore, #tpu.memory_space<semaphore_mem>>)
    %dma_wait3A_56 = arith.constant 1 : i32
    %dma_wait3A_57 = arith.constant 0 : i32
    %dma_wait3A_58 = tpu.memref_slice %arg5[%dma_wait3A_56, %dma_wait3A_57] : memref<20x128xi32, #tpu.memory_space<vmem>> -> memref<1x128xi32, #tpu.memory_space<vmem>>
    %dma_wait3A_59 = tpu.memref_squeeze %dma_wait3A_58 : memref<1x128xi32, #tpu.memory_space<vmem>> -> memref<128xi32, #tpu.memory_space<vmem>>
    %dma_wait3A_60 = arith.constant 0 : i32
    %dma_wait3A_61 = arith.constant 0 : i32
    %dma_wait3A_62 = tpu.memref_slice %arg2[%dma_wait3A_60, %dma_wait3A_61] : memref<524288x128xf32, #tpu.memory_space<hbm>> -> memref<524288x128xf32, #tpu.memory_space<hbm>>
    tpu.wait_indirect_dma semaphore(%arg13 : memref<!tpu.dma_semaphore, #tpu.memory_space<semaphore_mem>>) src(%dma_wait3A_62 : memref<524288x128xf32, #tpu.memory_space<hbm>>) dst(%arg7 : memref<128x128xf32, #tpu.memory_space<vmem>>)
    %add3A_63 = arith.constant 128 : i32
    %add3A_64 = arith.addi %mul3A_2, %add3A_63 : i32
    %dma_start3A_65 = arith.constant 0 : i32
    %dma_start3A_66 = tpu.memref_slice %arg4[%add3A_64, %dma_start3A_65] : memref<81920x128xf32, #tpu.memory_space<hbm>> -> memref<128x128xf32, #tpu.memory_space<hbm>>
    %dma_start3A_67 = arith.constant 0 : i32
    %dma_start3A_68 = tpu.memref_slice %arg4[%add3A_64, %dma_start3A_67] : memref<81920x128xf32, #tpu.memory_space<hbm>> -> memref<128x128xf32, #tpu.memory_space<hbm>>
    tpu.enqueue_dma source(%arg7 : memref<128x128xf32, #tpu.memory_space<vmem>>) target(%dma_start3A_68 : memref<128x128xf32, #tpu.memory_space<hbm>>) target_semaphore(%arg19 : memref<!tpu.dma_semaphore, #tpu.memory_space<semaphore_mem>>)
    %dma_wait3A_69 = arith.constant 0 : i32
    %dma_wait3A_70 = tpu.memref_slice %arg4[%add3A_44, %dma_wait3A_69] : memref<81920x128xf32, #tpu.memory_space<hbm>> -> memref<128x128xf32, #tpu.memory_space<hbm>>
    %dma_wait3A_71 = arith.constant 0 : i32
    %dma_wait3A_72 = tpu.memref_slice %arg4[%add3A_44, %dma_wait3A_71] : memref<81920x128xf32, #tpu.memory_space<hbm>> -> memref<128x128xf32, #tpu.memory_space<hbm>>
    tpu.wait_dma2 semaphore(%arg18 : memref<!tpu.dma_semaphore, #tpu.memory_space<semaphore_mem>>) src(%arg6 : memref<128x128xf32, #tpu.memory_space<vmem>>) dst(%dma_wait3A_72 : memref<128x128xf32, #tpu.memory_space<hbm>>)
    %dma_start3A_73 = arith.constant 6 : i32
    %dma_start3A_74 = arith.constant 0 : i32
    %dma_start3A_75 = tpu.memref_slice %arg5[%dma_start3A_73, %dma_start3A_74] : memref<20x128xi32, #tpu.memory_space<vmem>> -> memref<1x128xi32, #tpu.memory_space<vmem>>
    %dma_start3A_76 = tpu.memref_squeeze %dma_start3A_75 : memref<1x128xi32, #tpu.memory_space<vmem>> -> memref<128xi32, #tpu.memory_space<vmem>>
    %dma_start3A_77 = arith.constant 0 : i32
    %dma_start3A_78 = arith.constant 0 : i32
    %dma_start3A_79 = tpu.memref_slice %arg2[%dma_start3A_77, %dma_start3A_78] : memref<524288x128xf32, #tpu.memory_space<hbm>> -> memref<524288x128xf32, #tpu.memory_space<hbm>>
    tpu.enqueue_indirect_dma source(%dma_start3A_79 : memref<524288x128xf32, #tpu.memory_space<hbm>>) target(%arg6 : memref<128x128xf32, #tpu.memory_space<vmem>>) offsets(%dma_start3A_76 : memref<128xi32, #tpu.memory_space<vmem>>) semaphore(%arg12 : memref<!tpu.dma_semaphore, #tpu.memory_space<semaphore_mem>>)
    %dma_wait3A_80 = arith.constant 2 : i32
    %dma_wait3A_81 = arith.constant 0 : i32
    %dma_wait3A_82 = tpu.memref_slice %arg5[%dma_wait3A_80, %dma_wait3A_81] : memref<20x128xi32, #tpu.memory_space<vmem>> -> memref<1x128xi32, #tpu.memory_space<vmem>>
    %dma_wait3A_83 = tpu.memref_squeeze %dma_wait3A_82 : memref<1x128xi32, #tpu.memory_space<vmem>> -> memref<128xi32, #tpu.memory_space<vmem>>
    %dma_wait3A_84 = arith.constant 0 : i32
    %dma_wait3A_85 = arith.constant 0 : i32
    %dma_wait3A_86 = tpu.memref_slice %arg2[%dma_wait3A_84, %dma_wait3A_85] : memref<524288x128xf32, #tpu.memory_space<hbm>> -> memref<524288x128xf32, #tpu.memory_space<hbm>>
    tpu.wait_indirect_dma semaphore(%arg14 : memref<!tpu.dma_semaphore, #tpu.memory_space<semaphore_mem>>) src(%dma_wait3A_86 : memref<524288x128xf32, #tpu.memory_space<hbm>>) dst(%arg8 : memref<128x128xf32, #tpu.memory_space<vmem>>)
    %add3A_87 = arith.constant 256 : i32
    %add3A_88 = arith.addi %mul3A_2, %add3A_87 : i32
    %dma_start3A_89 = arith.constant 0 : i32
    %dma_start3A_90 = tpu.memref_slice %arg4[%add3A_88, %dma_start3A_89] : memref<81920x128xf32, #tpu.memory_space<hbm>> -> memref<128x128xf32, #tpu.memory_space<hbm>>
    %dma_start3A_91 = arith.constant 0 : i32
    %dma_start3A_92 = tpu.memref_slice %arg4[%add3A_88, %dma_start3A_91] : memref<81920x128xf32, #tpu.memory_space<hbm>> -> memref<128x128xf32, #tpu.memory_space<hbm>>
    tpu.enqueue_dma source(%arg8 : memref<128x128xf32, #tpu.memory_space<vmem>>) target(%dma_start3A_92 : memref<128x128xf32, #tpu.memory_space<hbm>>) target_semaphore(%arg20 : memref<!tpu.dma_semaphore, #tpu.memory_space<semaphore_mem>>)
    %dma_wait3A_93 = arith.constant 0 : i32
    %dma_wait3A_94 = tpu.memref_slice %arg4[%add3A_64, %dma_wait3A_93] : memref<81920x128xf32, #tpu.memory_space<hbm>> -> memref<128x128xf32, #tpu.memory_space<hbm>>
    %dma_wait3A_95 = arith.constant 0 : i32
    %dma_wait3A_96 = tpu.memref_slice %arg4[%add3A_64, %dma_wait3A_95] : memref<81920x128xf32, #tpu.memory_space<hbm>> -> memref<128x128xf32, #tpu.memory_space<hbm>>
    tpu.wait_dma2 semaphore(%arg19 : memref<!tpu.dma_semaphore, #tpu.memory_space<semaphore_mem>>) src(%arg7 : memref<128x128xf32, #tpu.memory_space<vmem>>) dst(%dma_wait3A_96 : memref<128x128xf32, #tpu.memory_space<hbm>>)
    %dma_start3A_97 = arith.constant 7 : i32
    %dma_start3A_98 = arith.constant 0 : i32
    %dma_start3A_99 = tpu.memref_slice %arg5[%dma_start3A_97, %dma_start3A_98] : memref<20x128xi32, #tpu.memory_space<vmem>> -> memref<1x128xi32, #tpu.memory_space<vmem>>
    %dma_start3A_100 = tpu.memref_squeeze %dma_start3A_99 : memref<1x128xi32, #tpu.memory_space<vmem>> -> memref<128xi32, #tpu.memory_space<vmem>>
    %dma_start3A_101 = arith.constant 0 : i32
    %dma_start3A_102 = arith.constant 0 : i32
    %dma_start3A_103 = tpu.memref_slice %arg2[%dma_start3A_101, %dma_start3A_102] : memref<524288x128xf32, #tpu.memory_space<hbm>> -> memref<524288x128xf32, #tpu.memory_space<hbm>>
    tpu.enqueue_indirect_dma source(%dma_start3A_103 : memref<524288x128xf32, #tpu.memory_space<hbm>>) target(%arg7 : memref<128x128xf32, #tpu.memory_space<vmem>>) offsets(%dma_start3A_100 : memref<128xi32, #tpu.memory_space<vmem>>) semaphore(%arg13 : memref<!tpu.dma_semaphore, #tpu.memory_space<semaphore_mem>>)
    %dma_wait3A_104 = arith.constant 3 : i32
    %dma_wait3A_105 = arith.constant 0 : i32
    %dma_wait3A_106 = tpu.memref_slice %arg5[%dma_wait3A_104, %dma_wait3A_105] : memref<20x128xi32, #tpu.memory_space<vmem>> -> memref<1x128xi32, #tpu.memory_space<vmem>>
    %dma_wait3A_107 = tpu.memref_squeeze %dma_wait3A_106 : memref<1x128xi32, #tpu.memory_space<vmem>> -> memref<128xi32, #tpu.memory_space<vmem>>
    %dma_wait3A_108 = arith.constant 0 : i32
    %dma_wait3A_109 = arith.constant 0 : i32
    %dma_wait3A_110 = tpu.memref_slice %arg2[%dma_wait3A_108, %dma_wait3A_109] : memref<524288x128xf32, #tpu.memory_space<hbm>> -> memref<524288x128xf32, #tpu.memory_space<hbm>>
    tpu.wait_indirect_dma semaphore(%arg15 : memref<!tpu.dma_semaphore, #tpu.memory_space<semaphore_mem>>) src(%dma_wait3A_110 : memref<524288x128xf32, #tpu.memory_space<hbm>>) dst(%arg9 : memref<128x128xf32, #tpu.memory_space<vmem>>)
    %add3A_111 = arith.constant 384 : i32
    %add3A_112 = arith.addi %mul3A_2, %add3A_111 : i32
    %dma_start3A_113 = arith.constant 0 : i32
    %dma_start3A_114 = tpu.memref_slice %arg4[%add3A_112, %dma_start3A_113] : memref<81920x128xf32, #tpu.memory_space<hbm>> -> memref<128x128xf32, #tpu.memory_space<hbm>>
    %dma_start3A_115 = arith.constant 0 : i32
    %dma_start3A_116 = tpu.memref_slice %arg4[%add3A_112, %dma_start3A_115] : memref<81920x128xf32, #tpu.memory_space<hbm>> -> memref<128x128xf32, #tpu.memory_space<hbm>>
    tpu.enqueue_dma source(%arg9 : memref<128x128xf32, #tpu.memory_space<vmem>>) target(%dma_start3A_116 : memref<128x128xf32, #tpu.memory_space<hbm>>) target_semaphore(%arg21 : memref<!tpu.dma_semaphore, #tpu.memory_space<semaphore_mem>>)
    %dma_wait3A_117 = arith.constant 0 : i32
    %dma_wait3A_118 = tpu.memref_slice %arg4[%add3A_88, %dma_wait3A_117] : memref<81920x128xf32, #tpu.memory_space<hbm>> -> memref<128x128xf32, #tpu.memory_space<hbm>>
    %dma_wait3A_119 = arith.constant 0 : i32
    %dma_wait3A_120 = tpu.memref_slice %arg4[%add3A_88, %dma_wait3A_119] : memref<81920x128xf32, #tpu.memory_space<hbm>> -> memref<128x128xf32, #tpu.memory_space<hbm>>
    tpu.wait_dma2 semaphore(%arg20 : memref<!tpu.dma_semaphore, #tpu.memory_space<semaphore_mem>>) src(%arg8 : memref<128x128xf32, #tpu.memory_space<vmem>>) dst(%dma_wait3A_120 : memref<128x128xf32, #tpu.memory_space<hbm>>)
    %dma_start3A_121 = arith.constant 8 : i32
    %dma_start3A_122 = arith.constant 0 : i32
    %dma_start3A_123 = tpu.memref_slice %arg5[%dma_start3A_121, %dma_start3A_122] : memref<20x128xi32, #tpu.memory_space<vmem>> -> memref<1x128xi32, #tpu.memory_space<vmem>>
    %dma_start3A_124 = tpu.memref_squeeze %dma_start3A_123 : memref<1x128xi32, #tpu.memory_space<vmem>> -> memref<128xi32, #tpu.memory_space<vmem>>
    %dma_start3A_125 = arith.constant 0 : i32
    %dma_start3A_126 = arith.constant 0 : i32
    %dma_start3A_127 = tpu.memref_slice %arg2[%dma_start3A_125, %dma_start3A_126] : memref<524288x128xf32, #tpu.memory_space<hbm>> -> memref<524288x128xf32, #tpu.memory_space<hbm>>
    tpu.enqueue_indirect_dma source(%dma_start3A_127 : memref<524288x128xf32, #tpu.memory_space<hbm>>) target(%arg8 : memref<128x128xf32, #tpu.memory_space<vmem>>) offsets(%dma_start3A_124 : memref<128xi32, #tpu.memory_space<vmem>>) semaphore(%arg14 : memref<!tpu.dma_semaphore, #tpu.memory_space<semaphore_mem>>)
    %dma_wait3A_128 = arith.constant 4 : i32
    %dma_wait3A_129 = arith.constant 0 : i32
    %dma_wait3A_130 = tpu.memref_slice %arg5[%dma_wait3A_128, %dma_wait3A_129] : memref<20x128xi32, #tpu.memory_space<vmem>> -> memref<1x128xi32, #tpu.memory_space<vmem>>
    %dma_wait3A_131 = tpu.memref_squeeze %dma_wait3A_130 : memref<1x128xi32, #tpu.memory_space<vmem>> -> memref<128xi32, #tpu.memory_space<vmem>>
    %dma_wait3A_132 = arith.constant 0 : i32
    %dma_wait3A_133 = arith.constant 0 : i32
    %dma_wait3A_134 = tpu.memref_slice %arg2[%dma_wait3A_132, %dma_wait3A_133] : memref<524288x128xf32, #tpu.memory_space<hbm>> -> memref<524288x128xf32, #tpu.memory_space<hbm>>
    tpu.wait_indirect_dma semaphore(%arg16 : memref<!tpu.dma_semaphore, #tpu.memory_space<semaphore_mem>>) src(%dma_wait3A_134 : memref<524288x128xf32, #tpu.memory_space<hbm>>) dst(%arg10 : memref<128x128xf32, #tpu.memory_space<vmem>>)
    %add3A_135 = arith.constant 512 : i32
    %add3A_136 = arith.addi %mul3A_2, %add3A_135 : i32
    %dma_start3A_137 = arith.constant 0 : i32
    %dma_start3A_138 = tpu.memref_slice %arg4[%add3A_136, %dma_start3A_137] : memref<81920x128xf32, #tpu.memory_space<hbm>> -> memref<128x128xf32, #tpu.memory_space<hbm>>
    %dma_start3A_139 = arith.constant 0 : i32
    %dma_start3A_140 = tpu.memref_slice %arg4[%add3A_136, %dma_start3A_139] : memref<81920x128xf32, #tpu.memory_space<hbm>> -> memref<128x128xf32, #tpu.memory_space<hbm>>
    tpu.enqueue_dma source(%arg10 : memref<128x128xf32, #tpu.memory_space<vmem>>) target(%dma_start3A_140 : memref<128x128xf32, #tpu.memory_space<hbm>>) target_semaphore(%arg22 : memref<!tpu.dma_semaphore, #tpu.memory_space<semaphore_mem>>)
    %dma_wait3A_141 = arith.constant 0 : i32
    %dma_wait3A_142 = tpu.memref_slice %arg4[%add3A_112, %dma_wait3A_141] : memref<81920x128xf32, #tpu.memory_space<hbm>> -> memref<128x128xf32, #tpu.memory_space<hbm>>
    %dma_wait3A_143 = arith.constant 0 : i32
    %dma_wait3A_144 = tpu.memref_slice %arg4[%add3A_112, %dma_wait3A_143] : memref<81920x128xf32, #tpu.memory_space<hbm>> -> memref<128x128xf32, #tpu.memory_space<hbm>>
    tpu.wait_dma2 semaphore(%arg21 : memref<!tpu.dma_semaphore, #tpu.memory_space<semaphore_mem>>) src(%arg9 : memref<128x128xf32, #tpu.memory_space<vmem>>) dst(%dma_wait3A_144 : memref<128x128xf32, #tpu.memory_space<hbm>>)
    %dma_start3A_145 = arith.constant 9 : i32
    %dma_start3A_146 = arith.constant 0 : i32
    %dma_start3A_147 = tpu.memref_slice %arg5[%dma_start3A_145, %dma_start3A_146] : memref<20x128xi32, #tpu.memory_space<vmem>> -> memref<1x128xi32, #tpu.memory_space<vmem>>
    %dma_start3A_148 = tpu.memref_squeeze %dma_start3A_147 : memref<1x128xi32, #tpu.memory_space<vmem>> -> memref<128xi32, #tpu.memory_space<vmem>>
    %dma_start3A_149 = arith.constant 0 : i32
    %dma_start3A_150 = arith.constant 0 : i32
    %dma_start3A_151 = tpu.memref_slice %arg2[%dma_start3A_149, %dma_start3A_150] : memref<524288x128xf32, #tpu.memory_space<hbm>> -> memref<524288x128xf32, #tpu.memory_space<hbm>>
    tpu.enqueue_indirect_dma source(%dma_start3A_151 : memref<524288x128xf32, #tpu.memory_space<hbm>>) target(%arg9 : memref<128x128xf32, #tpu.memory_space<vmem>>) offsets(%dma_start3A_148 : memref<128xi32, #tpu.memory_space<vmem>>) semaphore(%arg15 : memref<!tpu.dma_semaphore, #tpu.memory_space<semaphore_mem>>)
    %dma_wait3A_152 = arith.constant 5 : i32
    %dma_wait3A_153 = arith.constant 0 : i32
    %dma_wait3A_154 = tpu.memref_slice %arg5[%dma_wait3A_152, %dma_wait3A_153] : memref<20x128xi32, #tpu.memory_space<vmem>> -> memref<1x128xi32, #tpu.memory_space<vmem>>
    %dma_wait3A_155 = tpu.memref_squeeze %dma_wait3A_154 : memref<1x128xi32, #tpu.memory_space<vmem>> -> memref<128xi32, #tpu.memory_space<vmem>>
    %dma_wait3A_156 = arith.constant 0 : i32
    %dma_wait3A_157 = arith.constant 0 : i32
    %dma_wait3A_158 = tpu.memref_slice %arg2[%dma_wait3A_156, %dma_wait3A_157] : memref<524288x128xf32, #tpu.memory_space<hbm>> -> memref<524288x128xf32, #tpu.memory_space<hbm>>
    tpu.wait_indirect_dma semaphore(%arg17 : memref<!tpu.dma_semaphore, #tpu.memory_space<semaphore_mem>>) src(%dma_wait3A_158 : memref<524288x128xf32, #tpu.memory_space<hbm>>) dst(%arg11 : memref<128x128xf32, #tpu.memory_space<vmem>>)
    %add3A_159 = arith.constant 640 : i32
    %add3A_160 = arith.addi %mul3A_2, %add3A_159 : i32
    %dma_start3A_161 = arith.constant 0 : i32
    %dma_start3A_162 = tpu.memref_slice %arg4[%add3A_160, %dma_start3A_161] : memref<81920x128xf32, #tpu.memory_space<hbm>> -> memref<128x128xf32, #tpu.memory_space<hbm>>
    %dma_start3A_163 = arith.constant 0 : i32
    %dma_start3A_164 = tpu.memref_slice %arg4[%add3A_160, %dma_start3A_163] : memref<81920x128xf32, #tpu.memory_space<hbm>> -> memref<128x128xf32, #tpu.memory_space<hbm>>
    tpu.enqueue_dma source(%arg11 : memref<128x128xf32, #tpu.memory_space<vmem>>) target(%dma_start3A_164 : memref<128x128xf32, #tpu.memory_space<hbm>>) target_semaphore(%arg23 : memref<!tpu.dma_semaphore, #tpu.memory_space<semaphore_mem>>)
    %dma_wait3A_165 = arith.constant 0 : i32
    %dma_wait3A_166 = tpu.memref_slice %arg4[%add3A_136, %dma_wait3A_165] : memref<81920x128xf32, #tpu.memory_space<hbm>> -> memref<128x128xf32, #tpu.memory_space<hbm>>
    %dma_wait3A_167 = arith.constant 0 : i32
    %dma_wait3A_168 = tpu.memref_slice %arg4[%add3A_136, %dma_wait3A_167] : memref<81920x128xf32, #tpu.memory_space<hbm>> -> memref<128x128xf32, #tpu.memory_space<hbm>>
    tpu.wait_dma2 semaphore(%arg22 : memref<!tpu.dma_semaphore, #tpu.memory_space<semaphore_mem>>) src(%arg10 : memref<128x128xf32, #tpu.memory_space<vmem>>) dst(%dma_wait3A_168 : memref<128x128xf32, #tpu.memory_space<hbm>>)
    %dma_start3A_169 = arith.constant 10 : i32
    %dma_start3A_170 = arith.constant 0 : i32
    %dma_start3A_171 = tpu.memref_slice %arg5[%dma_start3A_169, %dma_start3A_170] : memref<20x128xi32, #tpu.memory_space<vmem>> -> memref<1x128xi32, #tpu.memory_space<vmem>>
    %dma_start3A_172 = tpu.memref_squeeze %dma_start3A_171 : memref<1x128xi32, #tpu.memory_space<vmem>> -> memref<128xi32, #tpu.memory_space<vmem>>
    %dma_start3A_173 = arith.constant 0 : i32
    %dma_start3A_174 = arith.constant 0 : i32
    %dma_start3A_175 = tpu.memref_slice %arg2[%dma_start3A_173, %dma_start3A_174] : memref<524288x128xf32, #tpu.memory_space<hbm>> -> memref<524288x128xf32, #tpu.memory_space<hbm>>
    tpu.enqueue_indirect_dma source(%dma_start3A_175 : memref<524288x128xf32, #tpu.memory_space<hbm>>) target(%arg10 : memref<128x128xf32, #tpu.memory_space<vmem>>) offsets(%dma_start3A_172 : memref<128xi32, #tpu.memory_space<vmem>>) semaphore(%arg16 : memref<!tpu.dma_semaphore, #tpu.memory_space<semaphore_mem>>)
    %dma_wait3A_176 = arith.constant 6 : i32
    %dma_wait3A_177 = arith.constant 0 : i32
    %dma_wait3A_178 = tpu.memref_slice %arg5[%dma_wait3A_176, %dma_wait3A_177] : memref<20x128xi32, #tpu.memory_space<vmem>> -> memref<1x128xi32, #tpu.memory_space<vmem>>
    %dma_wait3A_179 = tpu.memref_squeeze %dma_wait3A_178 : memref<1x128xi32, #tpu.memory_space<vmem>> -> memref<128xi32, #tpu.memory_space<vmem>>
    %dma_wait3A_180 = arith.constant 0 : i32
    %dma_wait3A_181 = arith.constant 0 : i32
    %dma_wait3A_182 = tpu.memref_slice %arg2[%dma_wait3A_180, %dma_wait3A_181] : memref<524288x128xf32, #tpu.memory_space<hbm>> -> memref<524288x128xf32, #tpu.memory_space<hbm>>
    tpu.wait_indirect_dma semaphore(%arg12 : memref<!tpu.dma_semaphore, #tpu.memory_space<semaphore_mem>>) src(%dma_wait3A_182 : memref<524288x128xf32, #tpu.memory_space<hbm>>) dst(%arg6 : memref<128x128xf32, #tpu.memory_space<vmem>>)
    %add3A_183 = arith.constant 768 : i32
    %add3A_184 = arith.addi %mul3A_2, %add3A_183 : i32
    %dma_start3A_185 = arith.constant 0 : i32
    %dma_start3A_186 = tpu.memref_slice %arg4[%add3A_184, %dma_start3A_185] : memref<81920x128xf32, #tpu.memory_space<hbm>> -> memref<128x128xf32, #tpu.memory_space<hbm>>
    %dma_start3A_187 = arith.constant 0 : i32
    %dma_start3A_188 = tpu.memref_slice %arg4[%add3A_184, %dma_start3A_187] : memref<81920x128xf32, #tpu.memory_space<hbm>> -> memref<128x128xf32, #tpu.memory_space<hbm>>
    tpu.enqueue_dma source(%arg6 : memref<128x128xf32, #tpu.memory_space<vmem>>) target(%dma_start3A_188 : memref<128x128xf32, #tpu.memory_space<hbm>>) target_semaphore(%arg18 : memref<!tpu.dma_semaphore, #tpu.memory_space<semaphore_mem>>)
    %dma_wait3A_189 = arith.constant 0 : i32
    %dma_wait3A_190 = tpu.memref_slice %arg4[%add3A_160, %dma_wait3A_189] : memref<81920x128xf32, #tpu.memory_space<hbm>> -> memref<128x128xf32, #tpu.memory_space<hbm>>
    %dma_wait3A_191 = arith.constant 0 : i32
    %dma_wait3A_192 = tpu.memref_slice %arg4[%add3A_160, %dma_wait3A_191] : memref<81920x128xf32, #tpu.memory_space<hbm>> -> memref<128x128xf32, #tpu.memory_space<hbm>>
    tpu.wait_dma2 semaphore(%arg23 : memref<!tpu.dma_semaphore, #tpu.memory_space<semaphore_mem>>) src(%arg11 : memref<128x128xf32, #tpu.memory_space<vmem>>) dst(%dma_wait3A_192 : memref<128x128xf32, #tpu.memory_space<hbm>>)
    %dma_start3A_193 = arith.constant 11 : i32
    %dma_start3A_194 = arith.constant 0 : i32
    %dma_start3A_195 = tpu.memref_slice %arg5[%dma_start3A_193, %dma_start3A_194] : memref<20x128xi32, #tpu.memory_space<vmem>> -> memref<1x128xi32, #tpu.memory_space<vmem>>
    %dma_start3A_196 = tpu.memref_squeeze %dma_start3A_195 : memref<1x128xi32, #tpu.memory_space<vmem>> -> memref<128xi32, #tpu.memory_space<vmem>>
    %dma_start3A_197 = arith.constant 0 : i32
    %dma_start3A_198 = arith.constant 0 : i32
    %dma_start3A_199 = tpu.memref_slice %arg2[%dma_start3A_197, %dma_start3A_198] : memref<524288x128xf32, #tpu.memory_space<hbm>> -> memref<524288x128xf32, #tpu.memory_space<hbm>>
    tpu.enqueue_indirect_dma source(%dma_start3A_199 : memref<524288x128xf32, #tpu.memory_space<hbm>>) target(%arg11 : memref<128x128xf32, #tpu.memory_space<vmem>>) offsets(%dma_start3A_196 : memref<128xi32, #tpu.memory_space<vmem>>) semaphore(%arg17 : memref<!tpu.dma_semaphore, #tpu.memory_space<semaphore_mem>>)
    %dma_wait3A_200 = arith.constant 7 : i32
    %dma_wait3A_201 = arith.constant 0 : i32
    %dma_wait3A_202 = tpu.memref_slice %arg5[%dma_wait3A_200, %dma_wait3A_201] : memref<20x128xi32, #tpu.memory_space<vmem>> -> memref<1x128xi32, #tpu.memory_space<vmem>>
    %dma_wait3A_203 = tpu.memref_squeeze %dma_wait3A_202 : memref<1x128xi32, #tpu.memory_space<vmem>> -> memref<128xi32, #tpu.memory_space<vmem>>
    %dma_wait3A_204 = arith.constant 0 : i32
    %dma_wait3A_205 = arith.constant 0 : i32
    %dma_wait3A_206 = tpu.memref_slice %arg2[%dma_wait3A_204, %dma_wait3A_205] : memref<524288x128xf32, #tpu.memory_space<hbm>> -> memref<524288x128xf32, #tpu.memory_space<hbm>>
    tpu.wait_indirect_dma semaphore(%arg13 : memref<!tpu.dma_semaphore, #tpu.memory_space<semaphore_mem>>) src(%dma_wait3A_206 : memref<524288x128xf32, #tpu.memory_space<hbm>>) dst(%arg7 : memref<128x128xf32, #tpu.memory_space<vmem>>)
    %add3A_207 = arith.constant 896 : i32
    %add3A_208 = arith.addi %mul3A_2, %add3A_207 : i32
    %dma_start3A_209 = arith.constant 0 : i32
    %dma_start3A_210 = tpu.memref_slice %arg4[%add3A_208, %dma_start3A_209] : memref<81920x128xf32, #tpu.memory_space<hbm>> -> memref<128x128xf32, #tpu.memory_space<hbm>>
    %dma_start3A_211 = arith.constant 0 : i32
    %dma_start3A_212 = tpu.memref_slice %arg4[%add3A_208, %dma_start3A_211] : memref<81920x128xf32, #tpu.memory_space<hbm>> -> memref<128x128xf32, #tpu.memory_space<hbm>>
    tpu.enqueue_dma source(%arg7 : memref<128x128xf32, #tpu.memory_space<vmem>>) target(%dma_start3A_212 : memref<128x128xf32, #tpu.memory_space<hbm>>) target_semaphore(%arg19 : memref<!tpu.dma_semaphore, #tpu.memory_space<semaphore_mem>>)
    %dma_wait3A_213 = arith.constant 0 : i32
    %dma_wait3A_214 = tpu.memref_slice %arg4[%add3A_184, %dma_wait3A_213] : memref<81920x128xf32, #tpu.memory_space<hbm>> -> memref<128x128xf32, #tpu.memory_space<hbm>>
    %dma_wait3A_215 = arith.constant 0 : i32
    %dma_wait3A_216 = tpu.memref_slice %arg4[%add3A_184, %dma_wait3A_215] : memref<81920x128xf32, #tpu.memory_space<hbm>> -> memref<128x128xf32, #tpu.memory_space<hbm>>
    tpu.wait_dma2 semaphore(%arg18 : memref<!tpu.dma_semaphore, #tpu.memory_space<semaphore_mem>>) src(%arg6 : memref<128x128xf32, #tpu.memory_space<vmem>>) dst(%dma_wait3A_216 : memref<128x128xf32, #tpu.memory_space<hbm>>)
    %dma_start3A_217 = arith.constant 12 : i32
    %dma_start3A_218 = arith.constant 0 : i32
    %dma_start3A_219 = tpu.memref_slice %arg5[%dma_start3A_217, %dma_start3A_218] : memref<20x128xi32, #tpu.memory_space<vmem>> -> memref<1x128xi32, #tpu.memory_space<vmem>>
    %dma_start3A_220 = tpu.memref_squeeze %dma_start3A_219 : memref<1x128xi32, #tpu.memory_space<vmem>> -> memref<128xi32, #tpu.memory_space<vmem>>
    %dma_start3A_221 = arith.constant 0 : i32
    %dma_start3A_222 = arith.constant 0 : i32
    %dma_start3A_223 = tpu.memref_slice %arg2[%dma_start3A_221, %dma_start3A_222] : memref<524288x128xf32, #tpu.memory_space<hbm>> -> memref<524288x128xf32, #tpu.memory_space<hbm>>
    tpu.enqueue_indirect_dma source(%dma_start3A_223 : memref<524288x128xf32, #tpu.memory_space<hbm>>) target(%arg6 : memref<128x128xf32, #tpu.memory_space<vmem>>) offsets(%dma_start3A_220 : memref<128xi32, #tpu.memory_space<vmem>>) semaphore(%arg12 : memref<!tpu.dma_semaphore, #tpu.memory_space<semaphore_mem>>)
    %dma_wait3A_224 = arith.constant 8 : i32
    %dma_wait3A_225 = arith.constant 0 : i32
    %dma_wait3A_226 = tpu.memref_slice %arg5[%dma_wait3A_224, %dma_wait3A_225] : memref<20x128xi32, #tpu.memory_space<vmem>> -> memref<1x128xi32, #tpu.memory_space<vmem>>
    %dma_wait3A_227 = tpu.memref_squeeze %dma_wait3A_226 : memref<1x128xi32, #tpu.memory_space<vmem>> -> memref<128xi32, #tpu.memory_space<vmem>>
    %dma_wait3A_228 = arith.constant 0 : i32
    %dma_wait3A_229 = arith.constant 0 : i32
    %dma_wait3A_230 = tpu.memref_slice %arg2[%dma_wait3A_228, %dma_wait3A_229] : memref<524288x128xf32, #tpu.memory_space<hbm>> -> memref<524288x128xf32, #tpu.memory_space<hbm>>
    tpu.wait_indirect_dma semaphore(%arg14 : memref<!tpu.dma_semaphore, #tpu.memory_space<semaphore_mem>>) src(%dma_wait3A_230 : memref<524288x128xf32, #tpu.memory_space<hbm>>) dst(%arg8 : memref<128x128xf32, #tpu.memory_space<vmem>>)
    %add3A_231 = arith.constant 1024 : i32
    %add3A_232 = arith.addi %mul3A_2, %add3A_231 : i32
    %dma_start3A_233 = arith.constant 0 : i32
    %dma_start3A_234 = tpu.memref_slice %arg4[%add3A_232, %dma_start3A_233] : memref<81920x128xf32, #tpu.memory_space<hbm>> -> memref<128x128xf32, #tpu.memory_space<hbm>>
    %dma_start3A_235 = arith.constant 0 : i32
    %dma_start3A_236 = tpu.memref_slice %arg4[%add3A_232, %dma_start3A_235] : memref<81920x128xf32, #tpu.memory_space<hbm>> -> memref<128x128xf32, #tpu.memory_space<hbm>>
    tpu.enqueue_dma source(%arg8 : memref<128x128xf32, #tpu.memory_space<vmem>>) target(%dma_start3A_236 : memref<128x128xf32, #tpu.memory_space<hbm>>) target_semaphore(%arg20 : memref<!tpu.dma_semaphore, #tpu.memory_space<semaphore_mem>>)
    %dma_wait3A_237 = arith.constant 0 : i32
    %dma_wait3A_238 = tpu.memref_slice %arg4[%add3A_208, %dma_wait3A_237] : memref<81920x128xf32, #tpu.memory_space<hbm>> -> memref<128x128xf32, #tpu.memory_space<hbm>>
    %dma_wait3A_239 = arith.constant 0 : i32
    %dma_wait3A_240 = tpu.memref_slice %arg4[%add3A_208, %dma_wait3A_239] : memref<81920x128xf32, #tpu.memory_space<hbm>> -> memref<128x128xf32, #tpu.memory_space<hbm>>
    tpu.wait_dma2 semaphore(%arg19 : memref<!tpu.dma_semaphore, #tpu.memory_space<semaphore_mem>>) src(%arg7 : memref<128x128xf32, #tpu.memory_space<vmem>>) dst(%dma_wait3A_240 : memref<128x128xf32, #tpu.memory_space<hbm>>)
    %dma_start3A_241 = arith.constant 13 : i32
    %dma_start3A_242 = arith.constant 0 : i32
    %dma_start3A_243 = tpu.memref_slice %arg5[%dma_start3A_241, %dma_start3A_242] : memref<20x128xi32, #tpu.memory_space<vmem>> -> memref<1x128xi32, #tpu.memory_space<vmem>>
    %dma_start3A_244 = tpu.memref_squeeze %dma_start3A_243 : memref<1x128xi32, #tpu.memory_space<vmem>> -> memref<128xi32, #tpu.memory_space<vmem>>
    %dma_start3A_245 = arith.constant 0 : i32
    %dma_start3A_246 = arith.constant 0 : i32
    %dma_start3A_247 = tpu.memref_slice %arg2[%dma_start3A_245, %dma_start3A_246] : memref<524288x128xf32, #tpu.memory_space<hbm>> -> memref<524288x128xf32, #tpu.memory_space<hbm>>
    tpu.enqueue_indirect_dma source(%dma_start3A_247 : memref<524288x128xf32, #tpu.memory_space<hbm>>) target(%arg7 : memref<128x128xf32, #tpu.memory_space<vmem>>) offsets(%dma_start3A_244 : memref<128xi32, #tpu.memory_space<vmem>>) semaphore(%arg13 : memref<!tpu.dma_semaphore, #tpu.memory_space<semaphore_mem>>)
    %dma_wait3A_248 = arith.constant 9 : i32
    %dma_wait3A_249 = arith.constant 0 : i32
    %dma_wait3A_250 = tpu.memref_slice %arg5[%dma_wait3A_248, %dma_wait3A_249] : memref<20x128xi32, #tpu.memory_space<vmem>> -> memref<1x128xi32, #tpu.memory_space<vmem>>
    %dma_wait3A_251 = tpu.memref_squeeze %dma_wait3A_250 : memref<1x128xi32, #tpu.memory_space<vmem>> -> memref<128xi32, #tpu.memory_space<vmem>>
    %dma_wait3A_252 = arith.constant 0 : i32
    %dma_wait3A_253 = arith.constant 0 : i32
    %dma_wait3A_254 = tpu.memref_slice %arg2[%dma_wait3A_252, %dma_wait3A_253] : memref<524288x128xf32, #tpu.memory_space<hbm>> -> memref<524288x128xf32, #tpu.memory_space<hbm>>
    tpu.wait_indirect_dma semaphore(%arg15 : memref<!tpu.dma_semaphore, #tpu.memory_space<semaphore_mem>>) src(%dma_wait3A_254 : memref<524288x128xf32, #tpu.memory_space<hbm>>) dst(%arg9 : memref<128x128xf32, #tpu.memory_space<vmem>>)
    %add3A_255 = arith.constant 1152 : i32
    %add3A_256 = arith.addi %mul3A_2, %add3A_255 : i32
    %dma_start3A_257 = arith.constant 0 : i32
    %dma_start3A_258 = tpu.memref_slice %arg4[%add3A_256, %dma_start3A_257] : memref<81920x128xf32, #tpu.memory_space<hbm>> -> memref<128x128xf32, #tpu.memory_space<hbm>>
    %dma_start3A_259 = arith.constant 0 : i32
    %dma_start3A_260 = tpu.memref_slice %arg4[%add3A_256, %dma_start3A_259] : memref<81920x128xf32, #tpu.memory_space<hbm>> -> memref<128x128xf32, #tpu.memory_space<hbm>>
    tpu.enqueue_dma source(%arg9 : memref<128x128xf32, #tpu.memory_space<vmem>>) target(%dma_start3A_260 : memref<128x128xf32, #tpu.memory_space<hbm>>) target_semaphore(%arg21 : memref<!tpu.dma_semaphore, #tpu.memory_space<semaphore_mem>>)
    %dma_wait3A_261 = arith.constant 0 : i32
    %dma_wait3A_262 = tpu.memref_slice %arg4[%add3A_232, %dma_wait3A_261] : memref<81920x128xf32, #tpu.memory_space<hbm>> -> memref<128x128xf32, #tpu.memory_space<hbm>>
    %dma_wait3A_263 = arith.constant 0 : i32
    %dma_wait3A_264 = tpu.memref_slice %arg4[%add3A_232, %dma_wait3A_263] : memref<81920x128xf32, #tpu.memory_space<hbm>> -> memref<128x128xf32, #tpu.memory_space<hbm>>
    tpu.wait_dma2 semaphore(%arg20 : memref<!tpu.dma_semaphore, #tpu.memory_space<semaphore_mem>>) src(%arg8 : memref<128x128xf32, #tpu.memory_space<vmem>>) dst(%dma_wait3A_264 : memref<128x128xf32, #tpu.memory_space<hbm>>)
    %dma_start3A_265 = arith.constant 14 : i32
    %dma_start3A_266 = arith.constant 0 : i32
    %dma_start3A_267 = tpu.memref_slice %arg5[%dma_start3A_265, %dma_start3A_266] : memref<20x128xi32, #tpu.memory_space<vmem>> -> memref<1x128xi32, #tpu.memory_space<vmem>>
    %dma_start3A_268 = tpu.memref_squeeze %dma_start3A_267 : memref<1x128xi32, #tpu.memory_space<vmem>> -> memref<128xi32, #tpu.memory_space<vmem>>
    %dma_start3A_269 = arith.constant 0 : i32
    %dma_start3A_270 = arith.constant 0 : i32
    %dma_start3A_271 = tpu.memref_slice %arg2[%dma_start3A_269, %dma_start3A_270] : memref<524288x128xf32, #tpu.memory_space<hbm>> -> memref<524288x128xf32, #tpu.memory_space<hbm>>
    tpu.enqueue_indirect_dma source(%dma_start3A_271 : memref<524288x128xf32, #tpu.memory_space<hbm>>) target(%arg8 : memref<128x128xf32, #tpu.memory_space<vmem>>) offsets(%dma_start3A_268 : memref<128xi32, #tpu.memory_space<vmem>>) semaphore(%arg14 : memref<!tpu.dma_semaphore, #tpu.memory_space<semaphore_mem>>)
    %dma_wait3A_272 = arith.constant 10 : i32
    %dma_wait3A_273 = arith.constant 0 : i32
    %dma_wait3A_274 = tpu.memref_slice %arg5[%dma_wait3A_272, %dma_wait3A_273] : memref<20x128xi32, #tpu.memory_space<vmem>> -> memref<1x128xi32, #tpu.memory_space<vmem>>
    %dma_wait3A_275 = tpu.memref_squeeze %dma_wait3A_274 : memref<1x128xi32, #tpu.memory_space<vmem>> -> memref<128xi32, #tpu.memory_space<vmem>>
    %dma_wait3A_276 = arith.constant 0 : i32
    %dma_wait3A_277 = arith.constant 0 : i32
    %dma_wait3A_278 = tpu.memref_slice %arg2[%dma_wait3A_276, %dma_wait3A_277] : memref<524288x128xf32, #tpu.memory_space<hbm>> -> memref<524288x128xf32, #tpu.memory_space<hbm>>
    tpu.wait_indirect_dma semaphore(%arg16 : memref<!tpu.dma_semaphore, #tpu.memory_space<semaphore_mem>>) src(%dma_wait3A_278 : memref<524288x128xf32, #tpu.memory_space<hbm>>) dst(%arg10 : memref<128x128xf32, #tpu.memory_space<vmem>>)
    %add3A_279 = arith.constant 1280 : i32
    %add3A_280 = arith.addi %mul3A_2, %add3A_279 : i32
    %dma_start3A_281 = arith.constant 0 : i32
    %dma_start3A_282 = tpu.memref_slice %arg4[%add3A_280, %dma_start3A_281] : memref<81920x128xf32, #tpu.memory_space<hbm>> -> memref<128x128xf32, #tpu.memory_space<hbm>>
    %dma_start3A_283 = arith.constant 0 : i32
    %dma_start3A_284 = tpu.memref_slice %arg4[%add3A_280, %dma_start3A_283] : memref<81920x128xf32, #tpu.memory_space<hbm>> -> memref<128x128xf32, #tpu.memory_space<hbm>>
    tpu.enqueue_dma source(%arg10 : memref<128x128xf32, #tpu.memory_space<vmem>>) target(%dma_start3A_284 : memref<128x128xf32, #tpu.memory_space<hbm>>) target_semaphore(%arg22 : memref<!tpu.dma_semaphore, #tpu.memory_space<semaphore_mem>>)
    %dma_wait3A_285 = arith.constant 0 : i32
    %dma_wait3A_286 = tpu.memref_slice %arg4[%add3A_256, %dma_wait3A_285] : memref<81920x128xf32, #tpu.memory_space<hbm>> -> memref<128x128xf32, #tpu.memory_space<hbm>>
    %dma_wait3A_287 = arith.constant 0 : i32
    %dma_wait3A_288 = tpu.memref_slice %arg4[%add3A_256, %dma_wait3A_287] : memref<81920x128xf32, #tpu.memory_space<hbm>> -> memref<128x128xf32, #tpu.memory_space<hbm>>
    tpu.wait_dma2 semaphore(%arg21 : memref<!tpu.dma_semaphore, #tpu.memory_space<semaphore_mem>>) src(%arg9 : memref<128x128xf32, #tpu.memory_space<vmem>>) dst(%dma_wait3A_288 : memref<128x128xf32, #tpu.memory_space<hbm>>)
    %dma_start3A_289 = arith.constant 15 : i32
    %dma_start3A_290 = arith.constant 0 : i32
    %dma_start3A_291 = tpu.memref_slice %arg5[%dma_start3A_289, %dma_start3A_290] : memref<20x128xi32, #tpu.memory_space<vmem>> -> memref<1x128xi32, #tpu.memory_space<vmem>>
    %dma_start3A_292 = tpu.memref_squeeze %dma_start3A_291 : memref<1x128xi32, #tpu.memory_space<vmem>> -> memref<128xi32, #tpu.memory_space<vmem>>
    %dma_start3A_293 = arith.constant 0 : i32
    %dma_start3A_294 = arith.constant 0 : i32
    %dma_start3A_295 = tpu.memref_slice %arg2[%dma_start3A_293, %dma_start3A_294] : memref<524288x128xf32, #tpu.memory_space<hbm>> -> memref<524288x128xf32, #tpu.memory_space<hbm>>
    tpu.enqueue_indirect_dma source(%dma_start3A_295 : memref<524288x128xf32, #tpu.memory_space<hbm>>) target(%arg9 : memref<128x128xf32, #tpu.memory_space<vmem>>) offsets(%dma_start3A_292 : memref<128xi32, #tpu.memory_space<vmem>>) semaphore(%arg15 : memref<!tpu.dma_semaphore, #tpu.memory_space<semaphore_mem>>)
    %dma_wait3A_296 = arith.constant 11 : i32
    %dma_wait3A_297 = arith.constant 0 : i32
    %dma_wait3A_298 = tpu.memref_slice %arg5[%dma_wait3A_296, %dma_wait3A_297] : memref<20x128xi32, #tpu.memory_space<vmem>> -> memref<1x128xi32, #tpu.memory_space<vmem>>
    %dma_wait3A_299 = tpu.memref_squeeze %dma_wait3A_298 : memref<1x128xi32, #tpu.memory_space<vmem>> -> memref<128xi32, #tpu.memory_space<vmem>>
    %dma_wait3A_300 = arith.constant 0 : i32
    %dma_wait3A_301 = arith.constant 0 : i32
    %dma_wait3A_302 = tpu.memref_slice %arg2[%dma_wait3A_300, %dma_wait3A_301] : memref<524288x128xf32, #tpu.memory_space<hbm>> -> memref<524288x128xf32, #tpu.memory_space<hbm>>
    tpu.wait_indirect_dma semaphore(%arg17 : memref<!tpu.dma_semaphore, #tpu.memory_space<semaphore_mem>>) src(%dma_wait3A_302 : memref<524288x128xf32, #tpu.memory_space<hbm>>) dst(%arg11 : memref<128x128xf32, #tpu.memory_space<vmem>>)
    %add3A_303 = arith.constant 1408 : i32
    %add3A_304 = arith.addi %mul3A_2, %add3A_303 : i32
    %dma_start3A_305 = arith.constant 0 : i32
    %dma_start3A_306 = tpu.memref_slice %arg4[%add3A_304, %dma_start3A_305] : memref<81920x128xf32, #tpu.memory_space<hbm>> -> memref<128x128xf32, #tpu.memory_space<hbm>>
    %dma_start3A_307 = arith.constant 0 : i32
    %dma_start3A_308 = tpu.memref_slice %arg4[%add3A_304, %dma_start3A_307] : memref<81920x128xf32, #tpu.memory_space<hbm>> -> memref<128x128xf32, #tpu.memory_space<hbm>>
    tpu.enqueue_dma source(%arg11 : memref<128x128xf32, #tpu.memory_space<vmem>>) target(%dma_start3A_308 : memref<128x128xf32, #tpu.memory_space<hbm>>) target_semaphore(%arg23 : memref<!tpu.dma_semaphore, #tpu.memory_space<semaphore_mem>>)
    %dma_wait3A_309 = arith.constant 0 : i32
    %dma_wait3A_310 = tpu.memref_slice %arg4[%add3A_280, %dma_wait3A_309] : memref<81920x128xf32, #tpu.memory_space<hbm>> -> memref<128x128xf32, #tpu.memory_space<hbm>>
    %dma_wait3A_311 = arith.constant 0 : i32
    %dma_wait3A_312 = tpu.memref_slice %arg4[%add3A_280, %dma_wait3A_311] : memref<81920x128xf32, #tpu.memory_space<hbm>> -> memref<128x128xf32, #tpu.memory_space<hbm>>
    tpu.wait_dma2 semaphore(%arg22 : memref<!tpu.dma_semaphore, #tpu.memory_space<semaphore_mem>>) src(%arg10 : memref<128x128xf32, #tpu.memory_space<vmem>>) dst(%dma_wait3A_312 : memref<128x128xf32, #tpu.memory_space<hbm>>)
    %dma_start3A_313 = arith.constant 16 : i32
    %dma_start3A_314 = arith.constant 0 : i32
    %dma_start3A_315 = tpu.memref_slice %arg5[%dma_start3A_313, %dma_start3A_314] : memref<20x128xi32, #tpu.memory_space<vmem>> -> memref<1x128xi32, #tpu.memory_space<vmem>>
    %dma_start3A_316 = tpu.memref_squeeze %dma_start3A_315 : memref<1x128xi32, #tpu.memory_space<vmem>> -> memref<128xi32, #tpu.memory_space<vmem>>
    %dma_start3A_317 = arith.constant 0 : i32
    %dma_start3A_318 = arith.constant 0 : i32
    %dma_start3A_319 = tpu.memref_slice %arg2[%dma_start3A_317, %dma_start3A_318] : memref<524288x128xf32, #tpu.memory_space<hbm>> -> memref<524288x128xf32, #tpu.memory_space<hbm>>
    tpu.enqueue_indirect_dma source(%dma_start3A_319 : memref<524288x128xf32, #tpu.memory_space<hbm>>) target(%arg10 : memref<128x128xf32, #tpu.memory_space<vmem>>) offsets(%dma_start3A_316 : memref<128xi32, #tpu.memory_space<vmem>>) semaphore(%arg16 : memref<!tpu.dma_semaphore, #tpu.memory_space<semaphore_mem>>)
    %dma_wait3A_320 = arith.constant 12 : i32
    %dma_wait3A_321 = arith.constant 0 : i32
    %dma_wait3A_322 = tpu.memref_slice %arg5[%dma_wait3A_320, %dma_wait3A_321] : memref<20x128xi32, #tpu.memory_space<vmem>> -> memref<1x128xi32, #tpu.memory_space<vmem>>
    %dma_wait3A_323 = tpu.memref_squeeze %dma_wait3A_322 : memref<1x128xi32, #tpu.memory_space<vmem>> -> memref<128xi32, #tpu.memory_space<vmem>>
    %dma_wait3A_324 = arith.constant 0 : i32
    %dma_wait3A_325 = arith.constant 0 : i32
    %dma_wait3A_326 = tpu.memref_slice %arg2[%dma_wait3A_324, %dma_wait3A_325] : memref<524288x128xf32, #tpu.memory_space<hbm>> -> memref<524288x128xf32, #tpu.memory_space<hbm>>
    tpu.wait_indirect_dma semaphore(%arg12 : memref<!tpu.dma_semaphore, #tpu.memory_space<semaphore_mem>>) src(%dma_wait3A_326 : memref<524288x128xf32, #tpu.memory_space<hbm>>) dst(%arg6 : memref<128x128xf32, #tpu.memory_space<vmem>>)
    %add3A_327 = arith.constant 1536 : i32
    %add3A_328 = arith.addi %mul3A_2, %add3A_327 : i32
    %dma_start3A_329 = arith.constant 0 : i32
    %dma_start3A_330 = tpu.memref_slice %arg4[%add3A_328, %dma_start3A_329] : memref<81920x128xf32, #tpu.memory_space<hbm>> -> memref<128x128xf32, #tpu.memory_space<hbm>>
    %dma_start3A_331 = arith.constant 0 : i32
    %dma_start3A_332 = tpu.memref_slice %arg4[%add3A_328, %dma_start3A_331] : memref<81920x128xf32, #tpu.memory_space<hbm>> -> memref<128x128xf32, #tpu.memory_space<hbm>>
    tpu.enqueue_dma source(%arg6 : memref<128x128xf32, #tpu.memory_space<vmem>>) target(%dma_start3A_332 : memref<128x128xf32, #tpu.memory_space<hbm>>) target_semaphore(%arg18 : memref<!tpu.dma_semaphore, #tpu.memory_space<semaphore_mem>>)
    %dma_wait3A_333 = arith.constant 0 : i32
    %dma_wait3A_334 = tpu.memref_slice %arg4[%add3A_304, %dma_wait3A_333] : memref<81920x128xf32, #tpu.memory_space<hbm>> -> memref<128x128xf32, #tpu.memory_space<hbm>>
    %dma_wait3A_335 = arith.constant 0 : i32
    %dma_wait3A_336 = tpu.memref_slice %arg4[%add3A_304, %dma_wait3A_335] : memref<81920x128xf32, #tpu.memory_space<hbm>> -> memref<128x128xf32, #tpu.memory_space<hbm>>
    tpu.wait_dma2 semaphore(%arg23 : memref<!tpu.dma_semaphore, #tpu.memory_space<semaphore_mem>>) src(%arg11 : memref<128x128xf32, #tpu.memory_space<vmem>>) dst(%dma_wait3A_336 : memref<128x128xf32, #tpu.memory_space<hbm>>)
    %dma_start3A_337 = arith.constant 17 : i32
    %dma_start3A_338 = arith.constant 0 : i32
    %dma_start3A_339 = tpu.memref_slice %arg5[%dma_start3A_337, %dma_start3A_338] : memref<20x128xi32, #tpu.memory_space<vmem>> -> memref<1x128xi32, #tpu.memory_space<vmem>>
    %dma_start3A_340 = tpu.memref_squeeze %dma_start3A_339 : memref<1x128xi32, #tpu.memory_space<vmem>> -> memref<128xi32, #tpu.memory_space<vmem>>
    %dma_start3A_341 = arith.constant 0 : i32
    %dma_start3A_342 = arith.constant 0 : i32
    %dma_start3A_343 = tpu.memref_slice %arg2[%dma_start3A_341, %dma_start3A_342] : memref<524288x128xf32, #tpu.memory_space<hbm>> -> memref<524288x128xf32, #tpu.memory_space<hbm>>
    tpu.enqueue_indirect_dma source(%dma_start3A_343 : memref<524288x128xf32, #tpu.memory_space<hbm>>) target(%arg11 : memref<128x128xf32, #tpu.memory_space<vmem>>) offsets(%dma_start3A_340 : memref<128xi32, #tpu.memory_space<vmem>>) semaphore(%arg17 : memref<!tpu.dma_semaphore, #tpu.memory_space<semaphore_mem>>)
    %dma_wait3A_344 = arith.constant 13 : i32
    %dma_wait3A_345 = arith.constant 0 : i32
    %dma_wait3A_346 = tpu.memref_slice %arg5[%dma_wait3A_344, %dma_wait3A_345] : memref<20x128xi32, #tpu.memory_space<vmem>> -> memref<1x128xi32, #tpu.memory_space<vmem>>
    %dma_wait3A_347 = tpu.memref_squeeze %dma_wait3A_346 : memref<1x128xi32, #tpu.memory_space<vmem>> -> memref<128xi32, #tpu.memory_space<vmem>>
    %dma_wait3A_348 = arith.constant 0 : i32
    %dma_wait3A_349 = arith.constant 0 : i32
    %dma_wait3A_350 = tpu.memref_slice %arg2[%dma_wait3A_348, %dma_wait3A_349] : memref<524288x128xf32, #tpu.memory_space<hbm>> -> memref<524288x128xf32, #tpu.memory_space<hbm>>
    tpu.wait_indirect_dma semaphore(%arg13 : memref<!tpu.dma_semaphore, #tpu.memory_space<semaphore_mem>>) src(%dma_wait3A_350 : memref<524288x128xf32, #tpu.memory_space<hbm>>) dst(%arg7 : memref<128x128xf32, #tpu.memory_space<vmem>>)
    %add3A_351 = arith.constant 1664 : i32
    %add3A_352 = arith.addi %mul3A_2, %add3A_351 : i32
    %dma_start3A_353 = arith.constant 0 : i32
    %dma_start3A_354 = tpu.memref_slice %arg4[%add3A_352, %dma_start3A_353] : memref<81920x128xf32, #tpu.memory_space<hbm>> -> memref<128x128xf32, #tpu.memory_space<hbm>>
    %dma_start3A_355 = arith.constant 0 : i32
    %dma_start3A_356 = tpu.memref_slice %arg4[%add3A_352, %dma_start3A_355] : memref<81920x128xf32, #tpu.memory_space<hbm>> -> memref<128x128xf32, #tpu.memory_space<hbm>>
    tpu.enqueue_dma source(%arg7 : memref<128x128xf32, #tpu.memory_space<vmem>>) target(%dma_start3A_356 : memref<128x128xf32, #tpu.memory_space<hbm>>) target_semaphore(%arg19 : memref<!tpu.dma_semaphore, #tpu.memory_space<semaphore_mem>>)
    %dma_wait3A_357 = arith.constant 0 : i32
    %dma_wait3A_358 = tpu.memref_slice %arg4[%add3A_328, %dma_wait3A_357] : memref<81920x128xf32, #tpu.memory_space<hbm>> -> memref<128x128xf32, #tpu.memory_space<hbm>>
    %dma_wait3A_359 = arith.constant 0 : i32
    %dma_wait3A_360 = tpu.memref_slice %arg4[%add3A_328, %dma_wait3A_359] : memref<81920x128xf32, #tpu.memory_space<hbm>> -> memref<128x128xf32, #tpu.memory_space<hbm>>
    tpu.wait_dma2 semaphore(%arg18 : memref<!tpu.dma_semaphore, #tpu.memory_space<semaphore_mem>>) src(%arg6 : memref<128x128xf32, #tpu.memory_space<vmem>>) dst(%dma_wait3A_360 : memref<128x128xf32, #tpu.memory_space<hbm>>)
    %dma_start3A_361 = arith.constant 18 : i32
    %dma_start3A_362 = arith.constant 0 : i32
    %dma_start3A_363 = tpu.memref_slice %arg5[%dma_start3A_361, %dma_start3A_362] : memref<20x128xi32, #tpu.memory_space<vmem>> -> memref<1x128xi32, #tpu.memory_space<vmem>>
    %dma_start3A_364 = tpu.memref_squeeze %dma_start3A_363 : memref<1x128xi32, #tpu.memory_space<vmem>> -> memref<128xi32, #tpu.memory_space<vmem>>
    %dma_start3A_365 = arith.constant 0 : i32
    %dma_start3A_366 = arith.constant 0 : i32
    %dma_start3A_367 = tpu.memref_slice %arg2[%dma_start3A_365, %dma_start3A_366] : memref<524288x128xf32, #tpu.memory_space<hbm>> -> memref<524288x128xf32, #tpu.memory_space<hbm>>
    tpu.enqueue_indirect_dma source(%dma_start3A_367 : memref<524288x128xf32, #tpu.memory_space<hbm>>) target(%arg6 : memref<128x128xf32, #tpu.memory_space<vmem>>) offsets(%dma_start3A_364 : memref<128xi32, #tpu.memory_space<vmem>>) semaphore(%arg12 : memref<!tpu.dma_semaphore, #tpu.memory_space<semaphore_mem>>)
    %dma_wait3A_368 = arith.constant 14 : i32
    %dma_wait3A_369 = arith.constant 0 : i32
    %dma_wait3A_370 = tpu.memref_slice %arg5[%dma_wait3A_368, %dma_wait3A_369] : memref<20x128xi32, #tpu.memory_space<vmem>> -> memref<1x128xi32, #tpu.memory_space<vmem>>
    %dma_wait3A_371 = tpu.memref_squeeze %dma_wait3A_370 : memref<1x128xi32, #tpu.memory_space<vmem>> -> memref<128xi32, #tpu.memory_space<vmem>>
    %dma_wait3A_372 = arith.constant 0 : i32
    %dma_wait3A_373 = arith.constant 0 : i32
    %dma_wait3A_374 = tpu.memref_slice %arg2[%dma_wait3A_372, %dma_wait3A_373] : memref<524288x128xf32, #tpu.memory_space<hbm>> -> memref<524288x128xf32, #tpu.memory_space<hbm>>
    tpu.wait_indirect_dma semaphore(%arg14 : memref<!tpu.dma_semaphore, #tpu.memory_space<semaphore_mem>>) src(%dma_wait3A_374 : memref<524288x128xf32, #tpu.memory_space<hbm>>) dst(%arg8 : memref<128x128xf32, #tpu.memory_space<vmem>>)
    %add3A_375 = arith.constant 1792 : i32
    %add3A_376 = arith.addi %mul3A_2, %add3A_375 : i32
    %dma_start3A_377 = arith.constant 0 : i32
    %dma_start3A_378 = tpu.memref_slice %arg4[%add3A_376, %dma_start3A_377] : memref<81920x128xf32, #tpu.memory_space<hbm>> -> memref<128x128xf32, #tpu.memory_space<hbm>>
    %dma_start3A_379 = arith.constant 0 : i32
    %dma_start3A_380 = tpu.memref_slice %arg4[%add3A_376, %dma_start3A_379] : memref<81920x128xf32, #tpu.memory_space<hbm>> -> memref<128x128xf32, #tpu.memory_space<hbm>>
    tpu.enqueue_dma source(%arg8 : memref<128x128xf32, #tpu.memory_space<vmem>>) target(%dma_start3A_380 : memref<128x128xf32, #tpu.memory_space<hbm>>) target_semaphore(%arg20 : memref<!tpu.dma_semaphore, #tpu.memory_space<semaphore_mem>>)
    %dma_wait3A_381 = arith.constant 0 : i32
    %dma_wait3A_382 = tpu.memref_slice %arg4[%add3A_352, %dma_wait3A_381] : memref<81920x128xf32, #tpu.memory_space<hbm>> -> memref<128x128xf32, #tpu.memory_space<hbm>>
    %dma_wait3A_383 = arith.constant 0 : i32
    %dma_wait3A_384 = tpu.memref_slice %arg4[%add3A_352, %dma_wait3A_383] : memref<81920x128xf32, #tpu.memory_space<hbm>> -> memref<128x128xf32, #tpu.memory_space<hbm>>
    tpu.wait_dma2 semaphore(%arg19 : memref<!tpu.dma_semaphore, #tpu.memory_space<semaphore_mem>>) src(%arg7 : memref<128x128xf32, #tpu.memory_space<vmem>>) dst(%dma_wait3A_384 : memref<128x128xf32, #tpu.memory_space<hbm>>)
    %dma_start3A_385 = arith.constant 19 : i32
    %dma_start3A_386 = arith.constant 0 : i32
    %dma_start3A_387 = tpu.memref_slice %arg5[%dma_start3A_385, %dma_start3A_386] : memref<20x128xi32, #tpu.memory_space<vmem>> -> memref<1x128xi32, #tpu.memory_space<vmem>>
    %dma_start3A_388 = tpu.memref_squeeze %dma_start3A_387 : memref<1x128xi32, #tpu.memory_space<vmem>> -> memref<128xi32, #tpu.memory_space<vmem>>
    %dma_start3A_389 = arith.constant 0 : i32
    %dma_start3A_390 = arith.constant 0 : i32
    %dma_start3A_391 = tpu.memref_slice %arg2[%dma_start3A_389, %dma_start3A_390] : memref<524288x128xf32, #tpu.memory_space<hbm>> -> memref<524288x128xf32, #tpu.memory_space<hbm>>
    tpu.enqueue_indirect_dma source(%dma_start3A_391 : memref<524288x128xf32, #tpu.memory_space<hbm>>) target(%arg7 : memref<128x128xf32, #tpu.memory_space<vmem>>) offsets(%dma_start3A_388 : memref<128xi32, #tpu.memory_space<vmem>>) semaphore(%arg13 : memref<!tpu.dma_semaphore, #tpu.memory_space<semaphore_mem>>)
    %dma_wait3A_392 = arith.constant 15 : i32
    %dma_wait3A_393 = arith.constant 0 : i32
    %dma_wait3A_394 = tpu.memref_slice %arg5[%dma_wait3A_392, %dma_wait3A_393] : memref<20x128xi32, #tpu.memory_space<vmem>> -> memref<1x128xi32, #tpu.memory_space<vmem>>
    %dma_wait3A_395 = tpu.memref_squeeze %dma_wait3A_394 : memref<1x128xi32, #tpu.memory_space<vmem>> -> memref<128xi32, #tpu.memory_space<vmem>>
    %dma_wait3A_396 = arith.constant 0 : i32
    %dma_wait3A_397 = arith.constant 0 : i32
    %dma_wait3A_398 = tpu.memref_slice %arg2[%dma_wait3A_396, %dma_wait3A_397] : memref<524288x128xf32, #tpu.memory_space<hbm>> -> memref<524288x128xf32, #tpu.memory_space<hbm>>
    tpu.wait_indirect_dma semaphore(%arg15 : memref<!tpu.dma_semaphore, #tpu.memory_space<semaphore_mem>>) src(%dma_wait3A_398 : memref<524288x128xf32, #tpu.memory_space<hbm>>) dst(%arg9 : memref<128x128xf32, #tpu.memory_space<vmem>>)
    %add3A_399 = arith.constant 1920 : i32
    %add3A_400 = arith.addi %mul3A_2, %add3A_399 : i32
    %dma_start3A_401 = arith.constant 0 : i32
    %dma_start3A_402 = tpu.memref_slice %arg4[%add3A_400, %dma_start3A_401] : memref<81920x128xf32, #tpu.memory_space<hbm>> -> memref<128x128xf32, #tpu.memory_space<hbm>>
    %dma_start3A_403 = arith.constant 0 : i32
    %dma_start3A_404 = tpu.memref_slice %arg4[%add3A_400, %dma_start3A_403] : memref<81920x128xf32, #tpu.memory_space<hbm>> -> memref<128x128xf32, #tpu.memory_space<hbm>>
    tpu.enqueue_dma source(%arg9 : memref<128x128xf32, #tpu.memory_space<vmem>>) target(%dma_start3A_404 : memref<128x128xf32, #tpu.memory_space<hbm>>) target_semaphore(%arg21 : memref<!tpu.dma_semaphore, #tpu.memory_space<semaphore_mem>>)
    %dma_wait3A_405 = arith.constant 16 : i32
    %dma_wait3A_406 = arith.constant 0 : i32
    %dma_wait3A_407 = tpu.memref_slice %arg5[%dma_wait3A_405, %dma_wait3A_406] : memref<20x128xi32, #tpu.memory_space<vmem>> -> memref<1x128xi32, #tpu.memory_space<vmem>>
    %dma_wait3A_408 = tpu.memref_squeeze %dma_wait3A_407 : memref<1x128xi32, #tpu.memory_space<vmem>> -> memref<128xi32, #tpu.memory_space<vmem>>
    %dma_wait3A_409 = arith.constant 0 : i32
    %dma_wait3A_410 = arith.constant 0 : i32
    %dma_wait3A_411 = tpu.memref_slice %arg2[%dma_wait3A_409, %dma_wait3A_410] : memref<524288x128xf32, #tpu.memory_space<hbm>> -> memref<524288x128xf32, #tpu.memory_space<hbm>>
    tpu.wait_indirect_dma semaphore(%arg16 : memref<!tpu.dma_semaphore, #tpu.memory_space<semaphore_mem>>) src(%dma_wait3A_411 : memref<524288x128xf32, #tpu.memory_space<hbm>>) dst(%arg10 : memref<128x128xf32, #tpu.memory_space<vmem>>)
    %add3A_412 = arith.constant 2048 : i32
    %add3A_413 = arith.addi %mul3A_2, %add3A_412 : i32
    %dma_start3A_414 = arith.constant 0 : i32
    %dma_start3A_415 = tpu.memref_slice %arg4[%add3A_413, %dma_start3A_414] : memref<81920x128xf32, #tpu.memory_space<hbm>> -> memref<128x128xf32, #tpu.memory_space<hbm>>
    %dma_start3A_416 = arith.constant 0 : i32
    %dma_start3A_417 = tpu.memref_slice %arg4[%add3A_413, %dma_start3A_416] : memref<81920x128xf32, #tpu.memory_space<hbm>> -> memref<128x128xf32, #tpu.memory_space<hbm>>
    tpu.enqueue_dma source(%arg10 : memref<128x128xf32, #tpu.memory_space<vmem>>) target(%dma_start3A_417 : memref<128x128xf32, #tpu.memory_space<hbm>>) target_semaphore(%arg22 : memref<!tpu.dma_semaphore, #tpu.memory_space<semaphore_mem>>)
    %dma_wait3A_418 = arith.constant 17 : i32
    %dma_wait3A_419 = arith.constant 0 : i32
    %dma_wait3A_420 = tpu.memref_slice %arg5[%dma_wait3A_418, %dma_wait3A_419] : memref<20x128xi32, #tpu.memory_space<vmem>> -> memref<1x128xi32, #tpu.memory_space<vmem>>
    %dma_wait3A_421 = tpu.memref_squeeze %dma_wait3A_420 : memref<1x128xi32, #tpu.memory_space<vmem>> -> memref<128xi32, #tpu.memory_space<vmem>>
    %dma_wait3A_422 = arith.constant 0 : i32
    %dma_wait3A_423 = arith.constant 0 : i32
    %dma_wait3A_424 = tpu.memref_slice %arg2[%dma_wait3A_422, %dma_wait3A_423] : memref<524288x128xf32, #tpu.memory_space<hbm>> -> memref<524288x128xf32, #tpu.memory_space<hbm>>
    tpu.wait_indirect_dma semaphore(%arg17 : memref<!tpu.dma_semaphore, #tpu.memory_space<semaphore_mem>>) src(%dma_wait3A_424 : memref<524288x128xf32, #tpu.memory_space<hbm>>) dst(%arg11 : memref<128x128xf32, #tpu.memory_space<vmem>>)
    %add3A_425 = arith.constant 2176 : i32
    %add3A_426 = arith.addi %mul3A_2, %add3A_425 : i32
    %dma_start3A_427 = arith.constant 0 : i32
    %dma_start3A_428 = tpu.memref_slice %arg4[%add3A_426, %dma_start3A_427] : memref<81920x128xf32, #tpu.memory_space<hbm>> -> memref<128x128xf32, #tpu.memory_space<hbm>>
    %dma_start3A_429 = arith.constant 0 : i32
    %dma_start3A_430 = tpu.memref_slice %arg4[%add3A_426, %dma_start3A_429] : memref<81920x128xf32, #tpu.memory_space<hbm>> -> memref<128x128xf32, #tpu.memory_space<hbm>>
    tpu.enqueue_dma source(%arg11 : memref<128x128xf32, #tpu.memory_space<vmem>>) target(%dma_start3A_430 : memref<128x128xf32, #tpu.memory_space<hbm>>) target_semaphore(%arg23 : memref<!tpu.dma_semaphore, #tpu.memory_space<semaphore_mem>>)
    %dma_wait3A_431 = arith.constant 18 : i32
    %dma_wait3A_432 = arith.constant 0 : i32
    %dma_wait3A_433 = tpu.memref_slice %arg5[%dma_wait3A_431, %dma_wait3A_432] : memref<20x128xi32, #tpu.memory_space<vmem>> -> memref<1x128xi32, #tpu.memory_space<vmem>>
    %dma_wait3A_434 = tpu.memref_squeeze %dma_wait3A_433 : memref<1x128xi32, #tpu.memory_space<vmem>> -> memref<128xi32, #tpu.memory_space<vmem>>
    %dma_wait3A_435 = arith.constant 0 : i32
    %dma_wait3A_436 = arith.constant 0 : i32
    %dma_wait3A_437 = tpu.memref_slice %arg2[%dma_wait3A_435, %dma_wait3A_436] : memref<524288x128xf32, #tpu.memory_space<hbm>> -> memref<524288x128xf32, #tpu.memory_space<hbm>>
    tpu.wait_indirect_dma semaphore(%arg12 : memref<!tpu.dma_semaphore, #tpu.memory_space<semaphore_mem>>) src(%dma_wait3A_437 : memref<524288x128xf32, #tpu.memory_space<hbm>>) dst(%arg6 : memref<128x128xf32, #tpu.memory_space<vmem>>)
    %add3A_438 = arith.constant 2304 : i32
    %add3A_439 = arith.addi %mul3A_2, %add3A_438 : i32
    %dma_start3A_440 = arith.constant 0 : i32
    %dma_start3A_441 = tpu.memref_slice %arg4[%add3A_439, %dma_start3A_440] : memref<81920x128xf32, #tpu.memory_space<hbm>> -> memref<128x128xf32, #tpu.memory_space<hbm>>
    %dma_start3A_442 = arith.constant 0 : i32
    %dma_start3A_443 = tpu.memref_slice %arg4[%add3A_439, %dma_start3A_442] : memref<81920x128xf32, #tpu.memory_space<hbm>> -> memref<128x128xf32, #tpu.memory_space<hbm>>
    tpu.enqueue_dma source(%arg6 : memref<128x128xf32, #tpu.memory_space<vmem>>) target(%dma_start3A_443 : memref<128x128xf32, #tpu.memory_space<hbm>>) target_semaphore(%arg18 : memref<!tpu.dma_semaphore, #tpu.memory_space<semaphore_mem>>)
    %dma_wait3A_444 = arith.constant 19 : i32
    %dma_wait3A_445 = arith.constant 0 : i32
    %dma_wait3A_446 = tpu.memref_slice %arg5[%dma_wait3A_444, %dma_wait3A_445] : memref<20x128xi32, #tpu.memory_space<vmem>> -> memref<1x128xi32, #tpu.memory_space<vmem>>
    %dma_wait3A_447 = tpu.memref_squeeze %dma_wait3A_446 : memref<1x128xi32, #tpu.memory_space<vmem>> -> memref<128xi32, #tpu.memory_space<vmem>>
    %dma_wait3A_448 = arith.constant 0 : i32
    %dma_wait3A_449 = arith.constant 0 : i32
    %dma_wait3A_450 = tpu.memref_slice %arg2[%dma_wait3A_448, %dma_wait3A_449] : memref<524288x128xf32, #tpu.memory_space<hbm>> -> memref<524288x128xf32, #tpu.memory_space<hbm>>
    tpu.wait_indirect_dma semaphore(%arg13 : memref<!tpu.dma_semaphore, #tpu.memory_space<semaphore_mem>>) src(%dma_wait3A_450 : memref<524288x128xf32, #tpu.memory_space<hbm>>) dst(%arg7 : memref<128x128xf32, #tpu.memory_space<vmem>>)
    %add3A_451 = arith.constant 2432 : i32
    %add3A_452 = arith.addi %mul3A_2, %add3A_451 : i32
    %dma_start3A_453 = arith.constant 0 : i32
    %dma_start3A_454 = tpu.memref_slice %arg4[%add3A_452, %dma_start3A_453] : memref<81920x128xf32, #tpu.memory_space<hbm>> -> memref<128x128xf32, #tpu.memory_space<hbm>>
    %dma_start3A_455 = arith.constant 0 : i32
    %dma_start3A_456 = tpu.memref_slice %arg4[%add3A_452, %dma_start3A_455] : memref<81920x128xf32, #tpu.memory_space<hbm>> -> memref<128x128xf32, #tpu.memory_space<hbm>>
    tpu.enqueue_dma source(%arg7 : memref<128x128xf32, #tpu.memory_space<vmem>>) target(%dma_start3A_456 : memref<128x128xf32, #tpu.memory_space<hbm>>) target_semaphore(%arg19 : memref<!tpu.dma_semaphore, #tpu.memory_space<semaphore_mem>>)
    %dma_wait3A_457 = arith.constant 0 : i32
    %dma_wait3A_458 = tpu.memref_slice %arg4[%add3A_439, %dma_wait3A_457] : memref<81920x128xf32, #tpu.memory_space<hbm>> -> memref<128x128xf32, #tpu.memory_space<hbm>>
    %dma_wait3A_459 = arith.constant 0 : i32
    %dma_wait3A_460 = tpu.memref_slice %arg4[%add3A_439, %dma_wait3A_459] : memref<81920x128xf32, #tpu.memory_space<hbm>> -> memref<128x128xf32, #tpu.memory_space<hbm>>
    tpu.wait_dma2 semaphore(%arg18 : memref<!tpu.dma_semaphore, #tpu.memory_space<semaphore_mem>>) src(%arg6 : memref<128x128xf32, #tpu.memory_space<vmem>>) dst(%dma_wait3A_460 : memref<128x128xf32, #tpu.memory_space<hbm>>)
    %dma_wait3A_461 = arith.constant 0 : i32
    %dma_wait3A_462 = tpu.memref_slice %arg4[%add3A_452, %dma_wait3A_461] : memref<81920x128xf32, #tpu.memory_space<hbm>> -> memref<128x128xf32, #tpu.memory_space<hbm>>
    %dma_wait3A_463 = arith.constant 0 : i32
    %dma_wait3A_464 = tpu.memref_slice %arg4[%add3A_452, %dma_wait3A_463] : memref<81920x128xf32, #tpu.memory_space<hbm>> -> memref<128x128xf32, #tpu.memory_space<hbm>>
    tpu.wait_dma2 semaphore(%arg19 : memref<!tpu.dma_semaphore, #tpu.memory_space<semaphore_mem>>) src(%arg7 : memref<128x128xf32, #tpu.memory_space<vmem>>) dst(%dma_wait3A_464 : memref<128x128xf32, #tpu.memory_space<hbm>>)
    %dma_wait3A_465 = arith.constant 0 : i32
    %dma_wait3A_466 = tpu.memref_slice %arg4[%add3A_376, %dma_wait3A_465] : memref<81920x128xf32, #tpu.memory_space<hbm>> -> memref<128x128xf32, #tpu.memory_space<hbm>>
    %dma_wait3A_467 = arith.constant 0 : i32
    %dma_wait3A_468 = tpu.memref_slice %arg4[%add3A_376, %dma_wait3A_467] : memref<81920x128xf32, #tpu.memory_space<hbm>> -> memref<128x128xf32, #tpu.memory_space<hbm>>
    tpu.wait_dma2 semaphore(%arg20 : memref<!tpu.dma_semaphore, #tpu.memory_space<semaphore_mem>>) src(%arg8 : memref<128x128xf32, #tpu.memory_space<vmem>>) dst(%dma_wait3A_468 : memref<128x128xf32, #tpu.memory_space<hbm>>)
    %dma_wait3A_469 = arith.constant 0 : i32
    %dma_wait3A_470 = tpu.memref_slice %arg4[%add3A_400, %dma_wait3A_469] : memref<81920x128xf32, #tpu.memory_space<hbm>> -> memref<128x128xf32, #tpu.memory_space<hbm>>
    %dma_wait3A_471 = arith.constant 0 : i32
    %dma_wait3A_472 = tpu.memref_slice %arg4[%add3A_400, %dma_wait3A_471] : memref<81920x128xf32, #tpu.memory_space<hbm>> -> memref<128x128xf32, #tpu.memory_space<hbm>>
    tpu.wait_dma2 semaphore(%arg21 : memref<!tpu.dma_semaphore, #tpu.memory_space<semaphore_mem>>) src(%arg9 : memref<128x128xf32, #tpu.memory_space<vmem>>) dst(%dma_wait3A_472 : memref<128x128xf32, #tpu.memory_space<hbm>>)
    %dma_wait3A_473 = arith.constant 0 : i32
    %dma_wait3A_474 = tpu.memref_slice %arg4[%add3A_413, %dma_wait3A_473] : memref<81920x128xf32, #tpu.memory_space<hbm>> -> memref<128x128xf32, #tpu.memory_space<hbm>>
    %dma_wait3A_475 = arith.constant 0 : i32
    %dma_wait3A_476 = tpu.memref_slice %arg4[%add3A_413, %dma_wait3A_475] : memref<81920x128xf32, #tpu.memory_space<hbm>> -> memref<128x128xf32, #tpu.memory_space<hbm>>
    tpu.wait_dma2 semaphore(%arg22 : memref<!tpu.dma_semaphore, #tpu.memory_space<semaphore_mem>>) src(%arg10 : memref<128x128xf32, #tpu.memory_space<vmem>>) dst(%dma_wait3A_476 : memref<128x128xf32, #tpu.memory_space<hbm>>)
    %dma_wait3A_477 = arith.constant 0 : i32
    %dma_wait3A_478 = tpu.memref_slice %arg4[%add3A_426, %dma_wait3A_477] : memref<81920x128xf32, #tpu.memory_space<hbm>> -> memref<128x128xf32, #tpu.memory_space<hbm>>
    %dma_wait3A_479 = arith.constant 0 : i32
    %dma_wait3A_480 = tpu.memref_slice %arg4[%add3A_426, %dma_wait3A_479] : memref<81920x128xf32, #tpu.memory_space<hbm>> -> memref<128x128xf32, #tpu.memory_space<hbm>>
    tpu.wait_dma2 semaphore(%arg23 : memref<!tpu.dma_semaphore, #tpu.memory_space<semaphore_mem>>) src(%arg11 : memref<128x128xf32, #tpu.memory_space<vmem>>) dst(%dma_wait3A_480 : memref<128x128xf32, #tpu.memory_space<hbm>>)
    return
  }
}

module attributes {stable_mosaic.version = 14 : i64} {
  func.func @_stage_a_kernel(%arg0: i32, %arg1: memref<256x256xf32, #tpu.memory_space<vmem>>, %arg2: memref<8192x256xf32, #tpu.memory_space<vmem>>, %arg3: memref<1x8192xf32, #tpu.memory_space<vmem>>, %arg4: memref<8192x1xf32, #tpu.memory_space<vmem>>, %arg5: memref<48x256xf32, #tpu.memory_space<vmem>>, %arg6: memref<64x256x128xf32, #tpu.memory_space<vmem>>, %arg7: memref<16x256xi32, #tpu.memory_space<vmem>>, %arg8: memref<8192x48xf32, #tpu.memory_space<vmem>>) attributes {dimension_semantics = [#tpu.dimension_semantics<arbitrary>], iteration_bounds = array<i64: 32>, scalar_prefetch = 0 : i64, scratch_operands = 1 : i64, tpu.core_type = #tpu.core_type<tc>, window_params = [{transform_indices = @transform_0, window_bounds = array<i64: 256, 256>}, {pipeline_mode = #tpu.pipeline_mode<synchronous>, transform_indices = @transform_1, window_bounds = array<i64: 8192, 256>}, {pipeline_mode = #tpu.pipeline_mode<synchronous>, transform_indices = @transform_2, window_bounds = array<i64: 1, 8192>}, {pipeline_mode = #tpu.pipeline_mode<synchronous>, transform_indices = @transform_3, window_bounds = array<i64: 8192, 1>}, {pipeline_mode = #tpu.pipeline_mode<synchronous>, transform_indices = @transform_4, window_bounds = array<i64: 48, 256>}, {transform_indices = @transform_5, window_bounds = array<i64: 64, 256, 128>}, {transform_indices = @transform_6, window_bounds = array<i64: 16, 256>}]} {
    %eq3A = arith.constant 0 : i32
    %eq3A_0 = arith.cmpi eq, %arg0, %eq3A : i32
    %convert_element_type3A = arith.extui %eq3A_0 : i1 to i32
    %cond3A = arith.constant 0 : i32
    %cond3A_1 = arith.cmpi ne, %convert_element_type3A, %cond3A : i32
    scf.if %cond3A_1 {
      %get3A_574 = arith.constant 0 : index
      %get3A_575 = arith.constant 0 : index
      %get3A_576 = vector.load %arg2[%get3A_574, %get3A_575] : memref<8192x256xf32, #tpu.memory_space<vmem>>, vector<8192x256xf32>
      %get3A_577 = arith.constant 0 : index
      %get3A_578 = arith.constant 0 : index
      %get3A_579 = vector.load %arg5[%get3A_577, %get3A_578] : memref<48x256xf32, #tpu.memory_space<vmem>>, vector<48x256xf32>
      %dot_general3A_580 = arith.constant dense<0.000000e+00> : vector<8192x48xf32>
      %dot_general3A_581 = tpu.matmul %get3A_576, %get3A_579, %dot_general3A_580 {dimension_numbers = #tpu.dot_dimension_numbers<[1], [1], [0], [0], [0, 0, 1, 0], [], []>, transpose_lhs_hint = false} : vector<8192x256xf32>, vector<48x256xf32>, vector<8192x48xf32> -> vector<8192x48xf32>
      %swap3A_582 = arith.constant 0 : index
      %swap3A_583 = arith.constant 0 : index
      %swap3A_584 = vector.load %arg8[%swap3A_582, %swap3A_583] : memref<8192x48xf32, #tpu.memory_space<vmem>>, vector<8192x48xf32>
      tpu.vector_store %arg8[%swap3A_582, %swap3A_583], %dot_general3A_581 {strides = array<i32>} : memref<8192x48xf32, #tpu.memory_space<vmem>>, vector<8192x48xf32>,
    } else {
    }
    %get3A = arith.constant 0 : index
    %get3A_2 = arith.constant 0 : index
    %get3A_3 = vector.load %arg1[%get3A, %get3A_2] : memref<256x256xf32, #tpu.memory_space<vmem>>, vector<256x256xf32>
    %get3A_4 = arith.constant 0 : index
    %get3A_5 = arith.constant 0 : index
    %get3A_6 = vector.load %arg5[%get3A_4, %get3A_5] : memref<48x256xf32, #tpu.memory_space<vmem>>, vector<48x256xf32>
    %dot_general3A = arith.constant dense<0.000000e+00> : vector<256x48xf32>
    %dot_general3A_7 = tpu.matmul %get3A_3, %get3A_6, %dot_general3A {dimension_numbers = #tpu.dot_dimension_numbers<[1], [1], [0], [0], [0, 0, 1, 0], [], []>, transpose_lhs_hint = false} : vector<256x256xf32>, vector<48x256xf32>, vector<256x48xf32> -> vector<256x48xf32>
    %get3A_8 = arith.constant 0 : index
    %get3A_9 = arith.constant 0 : index
    %get3A_10 = vector.load %arg8[%get3A_8, %get3A_9] : memref<8192x48xf32, #tpu.memory_space<vmem>>, vector<8192x48xf32>
    %dot_general3A_11 = arith.constant dense<0.000000e+00> : vector<256x8192xf32>
    %dot_general3A_12 = tpu.matmul %dot_general3A_7, %get3A_10, %dot_general3A_11 {dimension_numbers = #tpu.dot_dimension_numbers<[1], [1], [0], [0], [0, 0, 1, 0], [], []>, transpose_lhs_hint = false} : vector<256x48xf32>, vector<8192x48xf32>, vector<256x8192xf32> -> vector<256x8192xf32>
    %mul3A = arith.constant 0.144337565 : f32
    %mul3A_13 = vector.broadcast %mul3A : f32 to vector<256x8192xf32>
    %mul3A_14 = arith.mulf %dot_general3A_12, %mul3A_13 : vector<256x8192xf32>
    %get3A_15 = arith.constant 0 : index
    %get3A_16 = arith.constant 0 : index
    %get3A_17 = vector.load %arg3[%get3A_15, %get3A_16] : memref<1x8192xf32, #tpu.memory_space<vmem>>, vector<1x8192xf32>
    %add3A = vector.broadcast %get3A_17 : vector<1x8192xf32> to vector<256x8192xf32>
    %add3A_18 = arith.addf %mul3A_14, %add3A : vector<256x8192xf32>
    %slice3A = vector.extract_strided_slice %add3A_18 {offsets = [0, 0], sizes = [256, 128], strides = [1, 1]} : vector<256x8192xf32> to vector<256x128xf32>
    %slice3A_19 = vector.extract_strided_slice %add3A_18 {offsets = [0, 128], sizes = [256, 128], strides = [1, 1]} : vector<256x8192xf32> to vector<256x128xf32>
    %slice3A_20 = vector.extract_strided_slice %add3A_18 {offsets = [0, 256], sizes = [256, 128], strides = [1, 1]} : vector<256x8192xf32> to vector<256x128xf32>
    %slice3A_21 = vector.extract_strided_slice %add3A_18 {offsets = [0, 384], sizes = [256, 128], strides = [1, 1]} : vector<256x8192xf32> to vector<256x128xf32>
    %slice3A_22 = vector.extract_strided_slice %add3A_18 {offsets = [0, 512], sizes = [256, 128], strides = [1, 1]} : vector<256x8192xf32> to vector<256x128xf32>
    %slice3A_23 = vector.extract_strided_slice %add3A_18 {offsets = [0, 640], sizes = [256, 128], strides = [1, 1]} : vector<256x8192xf32> to vector<256x128xf32>
    %slice3A_24 = vector.extract_strided_slice %add3A_18 {offsets = [0, 768], sizes = [256, 128], strides = [1, 1]} : vector<256x8192xf32> to vector<256x128xf32>
    %slice3A_25 = vector.extract_strided_slice %add3A_18 {offsets = [0, 896], sizes = [256, 128], strides = [1, 1]} : vector<256x8192xf32> to vector<256x128xf32>
    %slice3A_26 = vector.extract_strided_slice %add3A_18 {offsets = [0, 1024], sizes = [256, 128], strides = [1, 1]} : vector<256x8192xf32> to vector<256x128xf32>
    %slice3A_27 = vector.extract_strided_slice %add3A_18 {offsets = [0, 1152], sizes = [256, 128], strides = [1, 1]} : vector<256x8192xf32> to vector<256x128xf32>
    %slice3A_28 = vector.extract_strided_slice %add3A_18 {offsets = [0, 1280], sizes = [256, 128], strides = [1, 1]} : vector<256x8192xf32> to vector<256x128xf32>
    %slice3A_29 = vector.extract_strided_slice %add3A_18 {offsets = [0, 1408], sizes = [256, 128], strides = [1, 1]} : vector<256x8192xf32> to vector<256x128xf32>
    %slice3A_30 = vector.extract_strided_slice %add3A_18 {offsets = [0, 1536], sizes = [256, 128], strides = [1, 1]} : vector<256x8192xf32> to vector<256x128xf32>
    %slice3A_31 = vector.extract_strided_slice %add3A_18 {offsets = [0, 1664], sizes = [256, 128], strides = [1, 1]} : vector<256x8192xf32> to vector<256x128xf32>
    %slice3A_32 = vector.extract_strided_slice %add3A_18 {offsets = [0, 1792], sizes = [256, 128], strides = [1, 1]} : vector<256x8192xf32> to vector<256x128xf32>
    %slice3A_33 = vector.extract_strided_slice %add3A_18 {offsets = [0, 1920], sizes = [256, 128], strides = [1, 1]} : vector<256x8192xf32> to vector<256x128xf32>
    %slice3A_34 = vector.extract_strided_slice %add3A_18 {offsets = [0, 2048], sizes = [256, 128], strides = [1, 1]} : vector<256x8192xf32> to vector<256x128xf32>
    %slice3A_35 = vector.extract_strided_slice %add3A_18 {offsets = [0, 2176], sizes = [256, 128], strides = [1, 1]} : vector<256x8192xf32> to vector<256x128xf32>
    %slice3A_36 = vector.extract_strided_slice %add3A_18 {offsets = [0, 2304], sizes = [256, 128], strides = [1, 1]} : vector<256x8192xf32> to vector<256x128xf32>
    %slice3A_37 = vector.extract_strided_slice %add3A_18 {offsets = [0, 2432], sizes = [256, 128], strides = [1, 1]} : vector<256x8192xf32> to vector<256x128xf32>
    %slice3A_38 = vector.extract_strided_slice %add3A_18 {offsets = [0, 2560], sizes = [256, 128], strides = [1, 1]} : vector<256x8192xf32> to vector<256x128xf32>
    %slice3A_39 = vector.extract_strided_slice %add3A_18 {offsets = [0, 2688], sizes = [256, 128], strides = [1, 1]} : vector<256x8192xf32> to vector<256x128xf32>
    %slice3A_40 = vector.extract_strided_slice %add3A_18 {offsets = [0, 2816], sizes = [256, 128], strides = [1, 1]} : vector<256x8192xf32> to vector<256x128xf32>
    %slice3A_41 = vector.extract_strided_slice %add3A_18 {offsets = [0, 2944], sizes = [256, 128], strides = [1, 1]} : vector<256x8192xf32> to vector<256x128xf32>
    %slice3A_42 = vector.extract_strided_slice %add3A_18 {offsets = [0, 3072], sizes = [256, 128], strides = [1, 1]} : vector<256x8192xf32> to vector<256x128xf32>
    %slice3A_43 = vector.extract_strided_slice %add3A_18 {offsets = [0, 3200], sizes = [256, 128], strides = [1, 1]} : vector<256x8192xf32> to vector<256x128xf32>
    %slice3A_44 = vector.extract_strided_slice %add3A_18 {offsets = [0, 3328], sizes = [256, 128], strides = [1, 1]} : vector<256x8192xf32> to vector<256x128xf32>
    %slice3A_45 = vector.extract_strided_slice %add3A_18 {offsets = [0, 3456], sizes = [256, 128], strides = [1, 1]} : vector<256x8192xf32> to vector<256x128xf32>
    %slice3A_46 = vector.extract_strided_slice %add3A_18 {offsets = [0, 3584], sizes = [256, 128], strides = [1, 1]} : vector<256x8192xf32> to vector<256x128xf32>
    %slice3A_47 = vector.extract_strided_slice %add3A_18 {offsets = [0, 3712], sizes = [256, 128], strides = [1, 1]} : vector<256x8192xf32> to vector<256x128xf32>
    %slice3A_48 = vector.extract_strided_slice %add3A_18 {offsets = [0, 3840], sizes = [256, 128], strides = [1, 1]} : vector<256x8192xf32> to vector<256x128xf32>
    %slice3A_49 = vector.extract_strided_slice %add3A_18 {offsets = [0, 3968], sizes = [256, 128], strides = [1, 1]} : vector<256x8192xf32> to vector<256x128xf32>
    %slice3A_50 = vector.extract_strided_slice %add3A_18 {offsets = [0, 4096], sizes = [256, 128], strides = [1, 1]} : vector<256x8192xf32> to vector<256x128xf32>
    %slice3A_51 = vector.extract_strided_slice %add3A_18 {offsets = [0, 4224], sizes = [256, 128], strides = [1, 1]} : vector<256x8192xf32> to vector<256x128xf32>
    %slice3A_52 = vector.extract_strided_slice %add3A_18 {offsets = [0, 4352], sizes = [256, 128], strides = [1, 1]} : vector<256x8192xf32> to vector<256x128xf32>
    %slice3A_53 = vector.extract_strided_slice %add3A_18 {offsets = [0, 4480], sizes = [256, 128], strides = [1, 1]} : vector<256x8192xf32> to vector<256x128xf32>
    %slice3A_54 = vector.extract_strided_slice %add3A_18 {offsets = [0, 4608], sizes = [256, 128], strides = [1, 1]} : vector<256x8192xf32> to vector<256x128xf32>
    %slice3A_55 = vector.extract_strided_slice %add3A_18 {offsets = [0, 4736], sizes = [256, 128], strides = [1, 1]} : vector<256x8192xf32> to vector<256x128xf32>
    %slice3A_56 = vector.extract_strided_slice %add3A_18 {offsets = [0, 4864], sizes = [256, 128], strides = [1, 1]} : vector<256x8192xf32> to vector<256x128xf32>
    %slice3A_57 = vector.extract_strided_slice %add3A_18 {offsets = [0, 4992], sizes = [256, 128], strides = [1, 1]} : vector<256x8192xf32> to vector<256x128xf32>
    %slice3A_58 = vector.extract_strided_slice %add3A_18 {offsets = [0, 5120], sizes = [256, 128], strides = [1, 1]} : vector<256x8192xf32> to vector<256x128xf32>
    %slice3A_59 = vector.extract_strided_slice %add3A_18 {offsets = [0, 5248], sizes = [256, 128], strides = [1, 1]} : vector<256x8192xf32> to vector<256x128xf32>
    %slice3A_60 = vector.extract_strided_slice %add3A_18 {offsets = [0, 5376], sizes = [256, 128], strides = [1, 1]} : vector<256x8192xf32> to vector<256x128xf32>
    %slice3A_61 = vector.extract_strided_slice %add3A_18 {offsets = [0, 5504], sizes = [256, 128], strides = [1, 1]} : vector<256x8192xf32> to vector<256x128xf32>
    %slice3A_62 = vector.extract_strided_slice %add3A_18 {offsets = [0, 5632], sizes = [256, 128], strides = [1, 1]} : vector<256x8192xf32> to vector<256x128xf32>
    %slice3A_63 = vector.extract_strided_slice %add3A_18 {offsets = [0, 5760], sizes = [256, 128], strides = [1, 1]} : vector<256x8192xf32> to vector<256x128xf32>
    %slice3A_64 = vector.extract_strided_slice %add3A_18 {offsets = [0, 5888], sizes = [256, 128], strides = [1, 1]} : vector<256x8192xf32> to vector<256x128xf32>
    %slice3A_65 = vector.extract_strided_slice %add3A_18 {offsets = [0, 6016], sizes = [256, 128], strides = [1, 1]} : vector<256x8192xf32> to vector<256x128xf32>
    %slice3A_66 = vector.extract_strided_slice %add3A_18 {offsets = [0, 6144], sizes = [256, 128], strides = [1, 1]} : vector<256x8192xf32> to vector<256x128xf32>
    %slice3A_67 = vector.extract_strided_slice %add3A_18 {offsets = [0, 6272], sizes = [256, 128], strides = [1, 1]} : vector<256x8192xf32> to vector<256x128xf32>
    %slice3A_68 = vector.extract_strided_slice %add3A_18 {offsets = [0, 6400], sizes = [256, 128], strides = [1, 1]} : vector<256x8192xf32> to vector<256x128xf32>
    %slice3A_69 = vector.extract_strided_slice %add3A_18 {offsets = [0, 6528], sizes = [256, 128], strides = [1, 1]} : vector<256x8192xf32> to vector<256x128xf32>
    %slice3A_70 = vector.extract_strided_slice %add3A_18 {offsets = [0, 6656], sizes = [256, 128], strides = [1, 1]} : vector<256x8192xf32> to vector<256x128xf32>
    %slice3A_71 = vector.extract_strided_slice %add3A_18 {offsets = [0, 6784], sizes = [256, 128], strides = [1, 1]} : vector<256x8192xf32> to vector<256x128xf32>
    %slice3A_72 = vector.extract_strided_slice %add3A_18 {offsets = [0, 6912], sizes = [256, 128], strides = [1, 1]} : vector<256x8192xf32> to vector<256x128xf32>
    %slice3A_73 = vector.extract_strided_slice %add3A_18 {offsets = [0, 7040], sizes = [256, 128], strides = [1, 1]} : vector<256x8192xf32> to vector<256x128xf32>
    %slice3A_74 = vector.extract_strided_slice %add3A_18 {offsets = [0, 7168], sizes = [256, 128], strides = [1, 1]} : vector<256x8192xf32> to vector<256x128xf32>
    %slice3A_75 = vector.extract_strided_slice %add3A_18 {offsets = [0, 7296], sizes = [256, 128], strides = [1, 1]} : vector<256x8192xf32> to vector<256x128xf32>
    %slice3A_76 = vector.extract_strided_slice %add3A_18 {offsets = [0, 7424], sizes = [256, 128], strides = [1, 1]} : vector<256x8192xf32> to vector<256x128xf32>
    %slice3A_77 = vector.extract_strided_slice %add3A_18 {offsets = [0, 7552], sizes = [256, 128], strides = [1, 1]} : vector<256x8192xf32> to vector<256x128xf32>
    %slice3A_78 = vector.extract_strided_slice %add3A_18 {offsets = [0, 7680], sizes = [256, 128], strides = [1, 1]} : vector<256x8192xf32> to vector<256x128xf32>
    %slice3A_79 = vector.extract_strided_slice %add3A_18 {offsets = [0, 7808], sizes = [256, 128], strides = [1, 1]} : vector<256x8192xf32> to vector<256x128xf32>
    %slice3A_80 = vector.extract_strided_slice %add3A_18 {offsets = [0, 7936], sizes = [256, 128], strides = [1, 1]} : vector<256x8192xf32> to vector<256x128xf32>
    %slice3A_81 = vector.extract_strided_slice %add3A_18 {offsets = [0, 8064], sizes = [256, 128], strides = [1, 1]} : vector<256x8192xf32> to vector<256x128xf32>
    %stack3A = vector.shape_cast %slice3A : vector<256x128xf32> to vector<1x256x128xf32>
    %stack3A_82 = vector.shape_cast %slice3A_19 : vector<256x128xf32> to vector<1x256x128xf32>
    %stack3A_83 = vector.shape_cast %slice3A_20 : vector<256x128xf32> to vector<1x256x128xf32>
    %stack3A_84 = vector.shape_cast %slice3A_21 : vector<256x128xf32> to vector<1x256x128xf32>
    %stack3A_85 = vector.shape_cast %slice3A_22 : vector<256x128xf32> to vector<1x256x128xf32>
    %stack3A_86 = vector.shape_cast %slice3A_23 : vector<256x128xf32> to vector<1x256x128xf32>
    %stack3A_87 = vector.shape_cast %slice3A_24 : vector<256x128xf32> to vector<1x256x128xf32>
    %stack3A_88 = vector.shape_cast %slice3A_25 : vector<256x128xf32> to vector<1x256x128xf32>
    %stack3A_89 = vector.shape_cast %slice3A_26 : vector<256x128xf32> to vector<1x256x128xf32>
    %stack3A_90 = vector.shape_cast %slice3A_27 : vector<256x128xf32> to vector<1x256x128xf32>
    %stack3A_91 = vector.shape_cast %slice3A_28 : vector<256x128xf32> to vector<1x256x128xf32>
    %stack3A_92 = vector.shape_cast %slice3A_29 : vector<256x128xf32> to vector<1x256x128xf32>
    %stack3A_93 = vector.shape_cast %slice3A_30 : vector<256x128xf32> to vector<1x256x128xf32>
    %stack3A_94 = vector.shape_cast %slice3A_31 : vector<256x128xf32> to vector<1x256x128xf32>
    %stack3A_95 = vector.shape_cast %slice3A_32 : vector<256x128xf32> to vector<1x256x128xf32>
    %stack3A_96 = vector.shape_cast %slice3A_33 : vector<256x128xf32> to vector<1x256x128xf32>
    %stack3A_97 = vector.shape_cast %slice3A_34 : vector<256x128xf32> to vector<1x256x128xf32>
    %stack3A_98 = vector.shape_cast %slice3A_35 : vector<256x128xf32> to vector<1x256x128xf32>
    %stack3A_99 = vector.shape_cast %slice3A_36 : vector<256x128xf32> to vector<1x256x128xf32>
    %stack3A_100 = vector.shape_cast %slice3A_37 : vector<256x128xf32> to vector<1x256x128xf32>
    %stack3A_101 = vector.shape_cast %slice3A_38 : vector<256x128xf32> to vector<1x256x128xf32>
    %stack3A_102 = vector.shape_cast %slice3A_39 : vector<256x128xf32> to vector<1x256x128xf32>
    %stack3A_103 = vector.shape_cast %slice3A_40 : vector<256x128xf32> to vector<1x256x128xf32>
    %stack3A_104 = vector.shape_cast %slice3A_41 : vector<256x128xf32> to vector<1x256x128xf32>
    %stack3A_105 = vector.shape_cast %slice3A_42 : vector<256x128xf32> to vector<1x256x128xf32>
    %stack3A_106 = vector.shape_cast %slice3A_43 : vector<256x128xf32> to vector<1x256x128xf32>
    %stack3A_107 = vector.shape_cast %slice3A_44 : vector<256x128xf32> to vector<1x256x128xf32>
    %stack3A_108 = vector.shape_cast %slice3A_45 : vector<256x128xf32> to vector<1x256x128xf32>
    %stack3A_109 = vector.shape_cast %slice3A_46 : vector<256x128xf32> to vector<1x256x128xf32>
    %stack3A_110 = vector.shape_cast %slice3A_47 : vector<256x128xf32> to vector<1x256x128xf32>
    %stack3A_111 = vector.shape_cast %slice3A_48 : vector<256x128xf32> to vector<1x256x128xf32>
    %stack3A_112 = vector.shape_cast %slice3A_49 : vector<256x128xf32> to vector<1x256x128xf32>
    %stack3A_113 = vector.shape_cast %slice3A_50 : vector<256x128xf32> to vector<1x256x128xf32>
    %stack3A_114 = vector.shape_cast %slice3A_51 : vector<256x128xf32> to vector<1x256x128xf32>
    %stack3A_115 = vector.shape_cast %slice3A_52 : vector<256x128xf32> to vector<1x256x128xf32>
    %stack3A_116 = vector.shape_cast %slice3A_53 : vector<256x128xf32> to vector<1x256x128xf32>
    %stack3A_117 = vector.shape_cast %slice3A_54 : vector<256x128xf32> to vector<1x256x128xf32>
    %stack3A_118 = vector.shape_cast %slice3A_55 : vector<256x128xf32> to vector<1x256x128xf32>
    %stack3A_119 = vector.shape_cast %slice3A_56 : vector<256x128xf32> to vector<1x256x128xf32>
    %stack3A_120 = vector.shape_cast %slice3A_57 : vector<256x128xf32> to vector<1x256x128xf32>
    %stack3A_121 = vector.shape_cast %slice3A_58 : vector<256x128xf32> to vector<1x256x128xf32>
    %stack3A_122 = vector.shape_cast %slice3A_59 : vector<256x128xf32> to vector<1x256x128xf32>
    %stack3A_123 = vector.shape_cast %slice3A_60 : vector<256x128xf32> to vector<1x256x128xf32>
    %stack3A_124 = vector.shape_cast %slice3A_61 : vector<256x128xf32> to vector<1x256x128xf32>
    %stack3A_125 = vector.shape_cast %slice3A_62 : vector<256x128xf32> to vector<1x256x128xf32>
    %stack3A_126 = vector.shape_cast %slice3A_63 : vector<256x128xf32> to vector<1x256x128xf32>
    %stack3A_127 = vector.shape_cast %slice3A_64 : vector<256x128xf32> to vector<1x256x128xf32>
    %stack3A_128 = vector.shape_cast %slice3A_65 : vector<256x128xf32> to vector<1x256x128xf32>
    %stack3A_129 = vector.shape_cast %slice3A_66 : vector<256x128xf32> to vector<1x256x128xf32>
    %stack3A_130 = vector.shape_cast %slice3A_67 : vector<256x128xf32> to vector<1x256x128xf32>
    %stack3A_131 = vector.shape_cast %slice3A_68 : vector<256x128xf32> to vector<1x256x128xf32>
    %stack3A_132 = vector.shape_cast %slice3A_69 : vector<256x128xf32> to vector<1x256x128xf32>
    %stack3A_133 = vector.shape_cast %slice3A_70 : vector<256x128xf32> to vector<1x256x128xf32>
    %stack3A_134 = vector.shape_cast %slice3A_71 : vector<256x128xf32> to vector<1x256x128xf32>
    %stack3A_135 = vector.shape_cast %slice3A_72 : vector<256x128xf32> to vector<1x256x128xf32>
    %stack3A_136 = vector.shape_cast %slice3A_73 : vector<256x128xf32> to vector<1x256x128xf32>
    %stack3A_137 = vector.shape_cast %slice3A_74 : vector<256x128xf32> to vector<1x256x128xf32>
    %stack3A_138 = vector.shape_cast %slice3A_75 : vector<256x128xf32> to vector<1x256x128xf32>
    %stack3A_139 = vector.shape_cast %slice3A_76 : vector<256x128xf32> to vector<1x256x128xf32>
    %stack3A_140 = vector.shape_cast %slice3A_77 : vector<256x128xf32> to vector<1x256x128xf32>
    %stack3A_141 = vector.shape_cast %slice3A_78 : vector<256x128xf32> to vector<1x256x128xf32>
    %stack3A_142 = vector.shape_cast %slice3A_79 : vector<256x128xf32> to vector<1x256x128xf32>
    %stack3A_143 = vector.shape_cast %slice3A_80 : vector<256x128xf32> to vector<1x256x128xf32>
    %stack3A_144 = vector.shape_cast %slice3A_81 : vector<256x128xf32> to vector<1x256x128xf32>
    %stack3A_145 = tpu.concatenate %stack3A, %stack3A_82, %stack3A_83, %stack3A_84, %stack3A_85, %stack3A_86, %stack3A_87, %stack3A_88, %stack3A_89, %stack3A_90, %stack3A_91, %stack3A_92, %stack3A_93, %stack3A_94, %stack3A_95, %stack3A_96, %stack3A_97, %stack3A_98, %stack3A_99, %stack3A_100, %stack3A_101, %stack3A_102, %stack3A_103, %stack3A_104, %stack3A_105, %stack3A_106, %stack3A_107, %stack3A_108, %stack3A_109, %stack3A_110, %stack3A_111, %stack3A_112, %stack3A_113, %stack3A_114, %stack3A_115, %stack3A_116, %stack3A_117, %stack3A_118, %stack3A_119, %stack3A_120, %stack3A_121, %stack3A_122, %stack3A_123, %stack3A_124, %stack3A_125, %stack3A_126, %stack3A_127, %stack3A_128, %stack3A_129, %stack3A_130, %stack3A_131, %stack3A_132, %stack3A_133, %stack3A_134, %stack3A_135, %stack3A_136, %stack3A_137, %stack3A_138, %stack3A_139, %stack3A_140, %stack3A_141, %stack3A_142, %stack3A_143, %stack3A_144 in 0 : vector<1x256x128xf32>, vector<1x256x128xf32>, vector<1x256x128xf32>, vector<1x256x128xf32>, vector<1x256x128xf32>, vector<1x256x128xf32>, vector<1x256x128xf32>, vector<1x256x128xf32>, vector<1x256x128xf32>, vector<1x256x128xf32>, vector<1x256x128xf32>, vector<1x256x128xf32>, vector<1x256x128xf32>, vector<1x256x128xf32>, vector<1x256x128xf32>, vector<1x256x128xf32>, vector<1x256x128xf32>, vector<1x256x128xf32>, vector<1x256x128xf32>, vector<1x256x128xf32>, vector<1x256x128xf32>, vector<1x256x128xf32>, vector<1x256x128xf32>, vector<1x256x128xf32>, vector<1x256x128xf32>, vector<1x256x128xf32>, vector<1x256x128xf32>, vector<1x256x128xf32>, vector<1x256x128xf32>, vector<1x256x128xf32>, vector<1x256x128xf32>, vector<1x256x128xf32>, vector<1x256x128xf32>, vector<1x256x128xf32>, vector<1x256x128xf32>, vector<1x256x128xf32>, vector<1x256x128xf32>, vector<1x256x128xf32>, vector<1x256x128xf32>, vector<1x256x128xf32>, vector<1x256x128xf32>, vector<1x256x128xf32>, vector<1x256x128xf32>, vector<1x256x128xf32>, vector<1x256x128xf32>, vector<1x256x128xf32>, vector<1x256x128xf32>, vector<1x256x128xf32>, vector<1x256x128xf32>, vector<1x256x128xf32>, vector<1x256x128xf32>, vector<1x256x128xf32>, vector<1x256x128xf32>, vector<1x256x128xf32>, vector<1x256x128xf32>, vector<1x256x128xf32>, vector<1x256x128xf32>, vector<1x256x128xf32>, vector<1x256x128xf32>, vector<1x256x128xf32>, vector<1x256x128xf32>, vector<1x256x128xf32>, vector<1x256x128xf32>, vector<1x256x128xf32> -> vector<64x256x128xf32>
    %swap3A = arith.constant 0 : index
    %swap3A_146 = arith.constant 0 : index
    %swap3A_147 = arith.constant 0 : index
    %swap3A_148 = vector.load %arg6[%swap3A, %swap3A_146, %swap3A_147] : memref<64x256x128xf32, #tpu.memory_space<vmem>>, vector<64x256x128xf32>
    tpu.vector_store %arg6[%swap3A, %swap3A_146, %swap3A_147], %stack3A_145 {strides = array<i32>} : memref<64x256x128xf32, #tpu.memory_space<vmem>>, vector<64x256x128xf32>,
    %get3A_149 = arith.constant 0 : index
    %get3A_150 = arith.constant 0 : index
    %get3A_151 = vector.load %arg8[%get3A_149, %get3A_150] : memref<8192x48xf32, #tpu.memory_space<vmem>>, vector<8192x48xf32>
    %dot_general3A_152 = arith.constant dense<0.000000e+00> : vector<8192x256xf32>
    %dot_general3A_153 = tpu.matmul %get3A_151, %dot_general3A_7, %dot_general3A_152 {dimension_numbers = #tpu.dot_dimension_numbers<[1], [1], [0], [0], [0, 0, 1, 0], [], []>, transpose_lhs_hint = false} : vector<8192x48xf32>, vector<256x48xf32>, vector<8192x256xf32> -> vector<8192x256xf32>
    %mul3A_154 = arith.constant 0.144337565 : f32
    %mul3A_155 = vector.broadcast %mul3A_154 : f32 to vector<8192x256xf32>
    %mul3A_156 = arith.mulf %dot_general3A_153, %mul3A_155 : vector<8192x256xf32>
    %get3A_157 = arith.constant 0 : index
    %get3A_158 = arith.constant 0 : index
    %get3A_159 = vector.load %arg4[%get3A_157, %get3A_158] : memref<8192x1xf32, #tpu.memory_space<vmem>>, vector<8192x1xf32>
    %add3A_160 = vector.broadcast %get3A_159 : vector<8192x1xf32> to vector<8192x256xf32>
    %add3A_161 = arith.addf %mul3A_156, %add3A_160 : vector<8192x256xf32>
    %slice3A_162 = vector.extract_strided_slice %add3A_161 {offsets = [0, 0], sizes = [128, 256], strides = [1, 1]} : vector<8192x256xf32> to vector<128x256xf32>
    %reduce_max3A = arith.constant dense<0xFF800000> : vector<256xf32>
    %reduce_max3A_163 = vector.multi_reduction <maximumf>, %slice3A_162, %reduce_max3A [0] : vector<128x256xf32> to vector<256xf32>
    %broadcast_in_dim3A = vector.shape_cast %reduce_max3A_163 : vector<256xf32> to vector<1x256xf32>
    %slice3A_164 = vector.extract_strided_slice %add3A_161 {offsets = [128, 0], sizes = [128, 256], strides = [1, 1]} : vector<8192x256xf32> to vector<128x256xf32>
    %reduce_max3A_165 = arith.constant dense<0xFF800000> : vector<256xf32>
    %reduce_max3A_166 = vector.multi_reduction <maximumf>, %slice3A_164, %reduce_max3A_165 [0] : vector<128x256xf32> to vector<256xf32>
    %broadcast_in_dim3A_167 = vector.shape_cast %reduce_max3A_166 : vector<256xf32> to vector<1x256xf32>
    %slice3A_168 = vector.extract_strided_slice %add3A_161 {offsets = [256, 0], sizes = [128, 256], strides = [1, 1]} : vector<8192x256xf32> to vector<128x256xf32>
    %reduce_max3A_169 = arith.constant dense<0xFF800000> : vector<256xf32>
    %reduce_max3A_170 = vector.multi_reduction <maximumf>, %slice3A_168, %reduce_max3A_169 [0] : vector<128x256xf32> to vector<256xf32>
    %broadcast_in_dim3A_171 = vector.shape_cast %reduce_max3A_170 : vector<256xf32> to vector<1x256xf32>
    %slice3A_172 = vector.extract_strided_slice %add3A_161 {offsets = [384, 0], sizes = [128, 256], strides = [1, 1]} : vector<8192x256xf32> to vector<128x256xf32>
    %reduce_max3A_173 = arith.constant dense<0xFF800000> : vector<256xf32>
    %reduce_max3A_174 = vector.multi_reduction <maximumf>, %slice3A_172, %reduce_max3A_173 [0] : vector<128x256xf32> to vector<256xf32>
    %broadcast_in_dim3A_175 = vector.shape_cast %reduce_max3A_174 : vector<256xf32> to vector<1x256xf32>
    %slice3A_176 = vector.extract_strided_slice %add3A_161 {offsets = [512, 0], sizes = [128, 256], strides = [1, 1]} : vector<8192x256xf32> to vector<128x256xf32>
    %reduce_max3A_177 = arith.constant dense<0xFF800000> : vector<256xf32>
    %reduce_max3A_178 = vector.multi_reduction <maximumf>, %slice3A_176, %reduce_max3A_177 [0] : vector<128x256xf32> to vector<256xf32>
    %broadcast_in_dim3A_179 = vector.shape_cast %reduce_max3A_178 : vector<256xf32> to vector<1x256xf32>
    %slice3A_180 = vector.extract_strided_slice %add3A_161 {offsets = [640, 0], sizes = [128, 256], strides = [1, 1]} : vector<8192x256xf32> to vector<128x256xf32>
    %reduce_max3A_181 = arith.constant dense<0xFF800000> : vector<256xf32>
    %reduce_max3A_182 = vector.multi_reduction <maximumf>, %slice3A_180, %reduce_max3A_181 [0] : vector<128x256xf32> to vector<256xf32>
    %broadcast_in_dim3A_183 = vector.shape_cast %reduce_max3A_182 : vector<256xf32> to vector<1x256xf32>
    %slice3A_184 = vector.extract_strided_slice %add3A_161 {offsets = [768, 0], sizes = [128, 256], strides = [1, 1]} : vector<8192x256xf32> to vector<128x256xf32>
    %reduce_max3A_185 = arith.constant dense<0xFF800000> : vector<256xf32>
    %reduce_max3A_186 = vector.multi_reduction <maximumf>, %slice3A_184, %reduce_max3A_185 [0] : vector<128x256xf32> to vector<256xf32>
    %broadcast_in_dim3A_187 = vector.shape_cast %reduce_max3A_186 : vector<256xf32> to vector<1x256xf32>
    %slice3A_188 = vector.extract_strided_slice %add3A_161 {offsets = [896, 0], sizes = [128, 256], strides = [1, 1]} : vector<8192x256xf32> to vector<128x256xf32>
    %reduce_max3A_189 = arith.constant dense<0xFF800000> : vector<256xf32>
    %reduce_max3A_190 = vector.multi_reduction <maximumf>, %slice3A_188, %reduce_max3A_189 [0] : vector<128x256xf32> to vector<256xf32>
    %broadcast_in_dim3A_191 = vector.shape_cast %reduce_max3A_190 : vector<256xf32> to vector<1x256xf32>
    %slice3A_192 = vector.extract_strided_slice %add3A_161 {offsets = [1024, 0], sizes = [128, 256], strides = [1, 1]} : vector<8192x256xf32> to vector<128x256xf32>
    %reduce_max3A_193 = arith.constant dense<0xFF800000> : vector<256xf32>
    %reduce_max3A_194 = vector.multi_reduction <maximumf>, %slice3A_192, %reduce_max3A_193 [0] : vector<128x256xf32> to vector<256xf32>
    %broadcast_in_dim3A_195 = vector.shape_cast %reduce_max3A_194 : vector<256xf32> to vector<1x256xf32>
    %slice3A_196 = vector.extract_strided_slice %add3A_161 {offsets = [1152, 0], sizes = [128, 256], strides = [1, 1]} : vector<8192x256xf32> to vector<128x256xf32>
    %reduce_max3A_197 = arith.constant dense<0xFF800000> : vector<256xf32>
    %reduce_max3A_198 = vector.multi_reduction <maximumf>, %slice3A_196, %reduce_max3A_197 [0] : vector<128x256xf32> to vector<256xf32>
    %broadcast_in_dim3A_199 = vector.shape_cast %reduce_max3A_198 : vector<256xf32> to vector<1x256xf32>
    %slice3A_200 = vector.extract_strided_slice %add3A_161 {offsets = [1280, 0], sizes = [128, 256], strides = [1, 1]} : vector<8192x256xf32> to vector<128x256xf32>
    %reduce_max3A_201 = arith.constant dense<0xFF800000> : vector<256xf32>
    %reduce_max3A_202 = vector.multi_reduction <maximumf>, %slice3A_200, %reduce_max3A_201 [0] : vector<128x256xf32> to vector<256xf32>
    %broadcast_in_dim3A_203 = vector.shape_cast %reduce_max3A_202 : vector<256xf32> to vector<1x256xf32>
    %slice3A_204 = vector.extract_strided_slice %add3A_161 {offsets = [1408, 0], sizes = [128, 256], strides = [1, 1]} : vector<8192x256xf32> to vector<128x256xf32>
    %reduce_max3A_205 = arith.constant dense<0xFF800000> : vector<256xf32>
    %reduce_max3A_206 = vector.multi_reduction <maximumf>, %slice3A_204, %reduce_max3A_205 [0] : vector<128x256xf32> to vector<256xf32>
    %broadcast_in_dim3A_207 = vector.shape_cast %reduce_max3A_206 : vector<256xf32> to vector<1x256xf32>
    %slice3A_208 = vector.extract_strided_slice %add3A_161 {offsets = [1536, 0], sizes = [128, 256], strides = [1, 1]} : vector<8192x256xf32> to vector<128x256xf32>
    %reduce_max3A_209 = arith.constant dense<0xFF800000> : vector<256xf32>
    %reduce_max3A_210 = vector.multi_reduction <maximumf>, %slice3A_208, %reduce_max3A_209 [0] : vector<128x256xf32> to vector<256xf32>
    %broadcast_in_dim3A_211 = vector.shape_cast %reduce_max3A_210 : vector<256xf32> to vector<1x256xf32>
    %slice3A_212 = vector.extract_strided_slice %add3A_161 {offsets = [1664, 0], sizes = [128, 256], strides = [1, 1]} : vector<8192x256xf32> to vector<128x256xf32>
    %reduce_max3A_213 = arith.constant dense<0xFF800000> : vector<256xf32>
    %reduce_max3A_214 = vector.multi_reduction <maximumf>, %slice3A_212, %reduce_max3A_213 [0] : vector<128x256xf32> to vector<256xf32>
    %broadcast_in_dim3A_215 = vector.shape_cast %reduce_max3A_214 : vector<256xf32> to vector<1x256xf32>
    %slice3A_216 = vector.extract_strided_slice %add3A_161 {offsets = [1792, 0], sizes = [128, 256], strides = [1, 1]} : vector<8192x256xf32> to vector<128x256xf32>
    %reduce_max3A_217 = arith.constant dense<0xFF800000> : vector<256xf32>
    %reduce_max3A_218 = vector.multi_reduction <maximumf>, %slice3A_216, %reduce_max3A_217 [0] : vector<128x256xf32> to vector<256xf32>
    %broadcast_in_dim3A_219 = vector.shape_cast %reduce_max3A_218 : vector<256xf32> to vector<1x256xf32>
    %slice3A_220 = vector.extract_strided_slice %add3A_161 {offsets = [1920, 0], sizes = [128, 256], strides = [1, 1]} : vector<8192x256xf32> to vector<128x256xf32>
    %reduce_max3A_221 = arith.constant dense<0xFF800000> : vector<256xf32>
    %reduce_max3A_222 = vector.multi_reduction <maximumf>, %slice3A_220, %reduce_max3A_221 [0] : vector<128x256xf32> to vector<256xf32>
    %broadcast_in_dim3A_223 = vector.shape_cast %reduce_max3A_222 : vector<256xf32> to vector<1x256xf32>
    %slice3A_224 = vector.extract_strided_slice %add3A_161 {offsets = [2048, 0], sizes = [128, 256], strides = [1, 1]} : vector<8192x256xf32> to vector<128x256xf32>
    %reduce_max3A_225 = arith.constant dense<0xFF800000> : vector<256xf32>
    %reduce_max3A_226 = vector.multi_reduction <maximumf>, %slice3A_224, %reduce_max3A_225 [0] : vector<128x256xf32> to vector<256xf32>
    %broadcast_in_dim3A_227 = vector.shape_cast %reduce_max3A_226 : vector<256xf32> to vector<1x256xf32>
    %slice3A_228 = vector.extract_strided_slice %add3A_161 {offsets = [2176, 0], sizes = [128, 256], strides = [1, 1]} : vector<8192x256xf32> to vector<128x256xf32>
    %reduce_max3A_229 = arith.constant dense<0xFF800000> : vector<256xf32>
    %reduce_max3A_230 = vector.multi_reduction <maximumf>, %slice3A_228, %reduce_max3A_229 [0] : vector<128x256xf32> to vector<256xf32>
    %broadcast_in_dim3A_231 = vector.shape_cast %reduce_max3A_230 : vector<256xf32> to vector<1x256xf32>
    %slice3A_232 = vector.extract_strided_slice %add3A_161 {offsets = [2304, 0], sizes = [128, 256], strides = [1, 1]} : vector<8192x256xf32> to vector<128x256xf32>
    %reduce_max3A_233 = arith.constant dense<0xFF800000> : vector<256xf32>
    %reduce_max3A_234 = vector.multi_reduction <maximumf>, %slice3A_232, %reduce_max3A_233 [0] : vector<128x256xf32> to vector<256xf32>
    %broadcast_in_dim3A_235 = vector.shape_cast %reduce_max3A_234 : vector<256xf32> to vector<1x256xf32>
    %slice3A_236 = vector.extract_strided_slice %add3A_161 {offsets = [2432, 0], sizes = [128, 256], strides = [1, 1]} : vector<8192x256xf32> to vector<128x256xf32>
    %reduce_max3A_237 = arith.constant dense<0xFF800000> : vector<256xf32>
    %reduce_max3A_238 = vector.multi_reduction <maximumf>, %slice3A_236, %reduce_max3A_237 [0] : vector<128x256xf32> to vector<256xf32>
    %broadcast_in_dim3A_239 = vector.shape_cast %reduce_max3A_238 : vector<256xf32> to vector<1x256xf32>
    %slice3A_240 = vector.extract_strided_slice %add3A_161 {offsets = [2560, 0], sizes = [128, 256], strides = [1, 1]} : vector<8192x256xf32> to vector<128x256xf32>
    %reduce_max3A_241 = arith.constant dense<0xFF800000> : vector<256xf32>
    %reduce_max3A_242 = vector.multi_reduction <maximumf>, %slice3A_240, %reduce_max3A_241 [0] : vector<128x256xf32> to vector<256xf32>
    %broadcast_in_dim3A_243 = vector.shape_cast %reduce_max3A_242 : vector<256xf32> to vector<1x256xf32>
    %slice3A_244 = vector.extract_strided_slice %add3A_161 {offsets = [2688, 0], sizes = [128, 256], strides = [1, 1]} : vector<8192x256xf32> to vector<128x256xf32>
    %reduce_max3A_245 = arith.constant dense<0xFF800000> : vector<256xf32>
    %reduce_max3A_246 = vector.multi_reduction <maximumf>, %slice3A_244, %reduce_max3A_245 [0] : vector<128x256xf32> to vector<256xf32>
    %broadcast_in_dim3A_247 = vector.shape_cast %reduce_max3A_246 : vector<256xf32> to vector<1x256xf32>
    %slice3A_248 = vector.extract_strided_slice %add3A_161 {offsets = [2816, 0], sizes = [128, 256], strides = [1, 1]} : vector<8192x256xf32> to vector<128x256xf32>
    %reduce_max3A_249 = arith.constant dense<0xFF800000> : vector<256xf32>
    %reduce_max3A_250 = vector.multi_reduction <maximumf>, %slice3A_248, %reduce_max3A_249 [0] : vector<128x256xf32> to vector<256xf32>
    %broadcast_in_dim3A_251 = vector.shape_cast %reduce_max3A_250 : vector<256xf32> to vector<1x256xf32>
    %slice3A_252 = vector.extract_strided_slice %add3A_161 {offsets = [2944, 0], sizes = [128, 256], strides = [1, 1]} : vector<8192x256xf32> to vector<128x256xf32>
    %reduce_max3A_253 = arith.constant dense<0xFF800000> : vector<256xf32>
    %reduce_max3A_254 = vector.multi_reduction <maximumf>, %slice3A_252, %reduce_max3A_253 [0] : vector<128x256xf32> to vector<256xf32>
    %broadcast_in_dim3A_255 = vector.shape_cast %reduce_max3A_254 : vector<256xf32> to vector<1x256xf32>
    %slice3A_256 = vector.extract_strided_slice %add3A_161 {offsets = [3072, 0], sizes = [128, 256], strides = [1, 1]} : vector<8192x256xf32> to vector<128x256xf32>
    %reduce_max3A_257 = arith.constant dense<0xFF800000> : vector<256xf32>
    %reduce_max3A_258 = vector.multi_reduction <maximumf>, %slice3A_256, %reduce_max3A_257 [0] : vector<128x256xf32> to vector<256xf32>
    %broadcast_in_dim3A_259 = vector.shape_cast %reduce_max3A_258 : vector<256xf32> to vector<1x256xf32>
    %slice3A_260 = vector.extract_strided_slice %add3A_161 {offsets = [3200, 0], sizes = [128, 256], strides = [1, 1]} : vector<8192x256xf32> to vector<128x256xf32>
    %reduce_max3A_261 = arith.constant dense<0xFF800000> : vector<256xf32>
    %reduce_max3A_262 = vector.multi_reduction <maximumf>, %slice3A_260, %reduce_max3A_261 [0] : vector<128x256xf32> to vector<256xf32>
    %broadcast_in_dim3A_263 = vector.shape_cast %reduce_max3A_262 : vector<256xf32> to vector<1x256xf32>
    %slice3A_264 = vector.extract_strided_slice %add3A_161 {offsets = [3328, 0], sizes = [128, 256], strides = [1, 1]} : vector<8192x256xf32> to vector<128x256xf32>
    %reduce_max3A_265 = arith.constant dense<0xFF800000> : vector<256xf32>
    %reduce_max3A_266 = vector.multi_reduction <maximumf>, %slice3A_264, %reduce_max3A_265 [0] : vector<128x256xf32> to vector<256xf32>
    %broadcast_in_dim3A_267 = vector.shape_cast %reduce_max3A_266 : vector<256xf32> to vector<1x256xf32>
    %slice3A_268 = vector.extract_strided_slice %add3A_161 {offsets = [3456, 0], sizes = [128, 256], strides = [1, 1]} : vector<8192x256xf32> to vector<128x256xf32>
    %reduce_max3A_269 = arith.constant dense<0xFF800000> : vector<256xf32>
    %reduce_max3A_270 = vector.multi_reduction <maximumf>, %slice3A_268, %reduce_max3A_269 [0] : vector<128x256xf32> to vector<256xf32>
    %broadcast_in_dim3A_271 = vector.shape_cast %reduce_max3A_270 : vector<256xf32> to vector<1x256xf32>
    %slice3A_272 = vector.extract_strided_slice %add3A_161 {offsets = [3584, 0], sizes = [128, 256], strides = [1, 1]} : vector<8192x256xf32> to vector<128x256xf32>
    %reduce_max3A_273 = arith.constant dense<0xFF800000> : vector<256xf32>
    %reduce_max3A_274 = vector.multi_reduction <maximumf>, %slice3A_272, %reduce_max3A_273 [0] : vector<128x256xf32> to vector<256xf32>
    %broadcast_in_dim3A_275 = vector.shape_cast %reduce_max3A_274 : vector<256xf32> to vector<1x256xf32>
    %slice3A_276 = vector.extract_strided_slice %add3A_161 {offsets = [3712, 0], sizes = [128, 256], strides = [1, 1]} : vector<8192x256xf32> to vector<128x256xf32>
    %reduce_max3A_277 = arith.constant dense<0xFF800000> : vector<256xf32>
    %reduce_max3A_278 = vector.multi_reduction <maximumf>, %slice3A_276, %reduce_max3A_277 [0] : vector<128x256xf32> to vector<256xf32>
    %broadcast_in_dim3A_279 = vector.shape_cast %reduce_max3A_278 : vector<256xf32> to vector<1x256xf32>
    %slice3A_280 = vector.extract_strided_slice %add3A_161 {offsets = [3840, 0], sizes = [128, 256], strides = [1, 1]} : vector<8192x256xf32> to vector<128x256xf32>
    %reduce_max3A_281 = arith.constant dense<0xFF800000> : vector<256xf32>
    %reduce_max3A_282 = vector.multi_reduction <maximumf>, %slice3A_280, %reduce_max3A_281 [0] : vector<128x256xf32> to vector<256xf32>
    %broadcast_in_dim3A_283 = vector.shape_cast %reduce_max3A_282 : vector<256xf32> to vector<1x256xf32>
    %slice3A_284 = vector.extract_strided_slice %add3A_161 {offsets = [3968, 0], sizes = [128, 256], strides = [1, 1]} : vector<8192x256xf32> to vector<128x256xf32>
    %reduce_max3A_285 = arith.constant dense<0xFF800000> : vector<256xf32>
    %reduce_max3A_286 = vector.multi_reduction <maximumf>, %slice3A_284, %reduce_max3A_285 [0] : vector<128x256xf32> to vector<256xf32>
    %broadcast_in_dim3A_287 = vector.shape_cast %reduce_max3A_286 : vector<256xf32> to vector<1x256xf32>
    %slice3A_288 = vector.extract_strided_slice %add3A_161 {offsets = [4096, 0], sizes = [128, 256], strides = [1, 1]} : vector<8192x256xf32> to vector<128x256xf32>
    %reduce_max3A_289 = arith.constant dense<0xFF800000> : vector<256xf32>
    %reduce_max3A_290 = vector.multi_reduction <maximumf>, %slice3A_288, %reduce_max3A_289 [0] : vector<128x256xf32> to vector<256xf32>
    %broadcast_in_dim3A_291 = vector.shape_cast %reduce_max3A_290 : vector<256xf32> to vector<1x256xf32>
    %slice3A_292 = vector.extract_strided_slice %add3A_161 {offsets = [4224, 0], sizes = [128, 256], strides = [1, 1]} : vector<8192x256xf32> to vector<128x256xf32>
    %reduce_max3A_293 = arith.constant dense<0xFF800000> : vector<256xf32>
    %reduce_max3A_294 = vector.multi_reduction <maximumf>, %slice3A_292, %reduce_max3A_293 [0] : vector<128x256xf32> to vector<256xf32>
    %broadcast_in_dim3A_295 = vector.shape_cast %reduce_max3A_294 : vector<256xf32> to vector<1x256xf32>
    %slice3A_296 = vector.extract_strided_slice %add3A_161 {offsets = [4352, 0], sizes = [128, 256], strides = [1, 1]} : vector<8192x256xf32> to vector<128x256xf32>
    %reduce_max3A_297 = arith.constant dense<0xFF800000> : vector<256xf32>
    %reduce_max3A_298 = vector.multi_reduction <maximumf>, %slice3A_296, %reduce_max3A_297 [0] : vector<128x256xf32> to vector<256xf32>
    %broadcast_in_dim3A_299 = vector.shape_cast %reduce_max3A_298 : vector<256xf32> to vector<1x256xf32>
    %slice3A_300 = vector.extract_strided_slice %add3A_161 {offsets = [4480, 0], sizes = [128, 256], strides = [1, 1]} : vector<8192x256xf32> to vector<128x256xf32>
    %reduce_max3A_301 = arith.constant dense<0xFF800000> : vector<256xf32>
    %reduce_max3A_302 = vector.multi_reduction <maximumf>, %slice3A_300, %reduce_max3A_301 [0] : vector<128x256xf32> to vector<256xf32>
    %broadcast_in_dim3A_303 = vector.shape_cast %reduce_max3A_302 : vector<256xf32> to vector<1x256xf32>
    %slice3A_304 = vector.extract_strided_slice %add3A_161 {offsets = [4608, 0], sizes = [128, 256], strides = [1, 1]} : vector<8192x256xf32> to vector<128x256xf32>
    %reduce_max3A_305 = arith.constant dense<0xFF800000> : vector<256xf32>
    %reduce_max3A_306 = vector.multi_reduction <maximumf>, %slice3A_304, %reduce_max3A_305 [0] : vector<128x256xf32> to vector<256xf32>
    %broadcast_in_dim3A_307 = vector.shape_cast %reduce_max3A_306 : vector<256xf32> to vector<1x256xf32>
    %slice3A_308 = vector.extract_strided_slice %add3A_161 {offsets = [4736, 0], sizes = [128, 256], strides = [1, 1]} : vector<8192x256xf32> to vector<128x256xf32>
    %reduce_max3A_309 = arith.constant dense<0xFF800000> : vector<256xf32>
    %reduce_max3A_310 = vector.multi_reduction <maximumf>, %slice3A_308, %reduce_max3A_309 [0] : vector<128x256xf32> to vector<256xf32>
    %broadcast_in_dim3A_311 = vector.shape_cast %reduce_max3A_310 : vector<256xf32> to vector<1x256xf32>
    %slice3A_312 = vector.extract_strided_slice %add3A_161 {offsets = [4864, 0], sizes = [128, 256], strides = [1, 1]} : vector<8192x256xf32> to vector<128x256xf32>
    %reduce_max3A_313 = arith.constant dense<0xFF800000> : vector<256xf32>
    %reduce_max3A_314 = vector.multi_reduction <maximumf>, %slice3A_312, %reduce_max3A_313 [0] : vector<128x256xf32> to vector<256xf32>
    %broadcast_in_dim3A_315 = vector.shape_cast %reduce_max3A_314 : vector<256xf32> to vector<1x256xf32>
    %slice3A_316 = vector.extract_strided_slice %add3A_161 {offsets = [4992, 0], sizes = [128, 256], strides = [1, 1]} : vector<8192x256xf32> to vector<128x256xf32>
    %reduce_max3A_317 = arith.constant dense<0xFF800000> : vector<256xf32>
    %reduce_max3A_318 = vector.multi_reduction <maximumf>, %slice3A_316, %reduce_max3A_317 [0] : vector<128x256xf32> to vector<256xf32>
    %broadcast_in_dim3A_319 = vector.shape_cast %reduce_max3A_318 : vector<256xf32> to vector<1x256xf32>
    %slice3A_320 = vector.extract_strided_slice %add3A_161 {offsets = [5120, 0], sizes = [128, 256], strides = [1, 1]} : vector<8192x256xf32> to vector<128x256xf32>
    %reduce_max3A_321 = arith.constant dense<0xFF800000> : vector<256xf32>
    %reduce_max3A_322 = vector.multi_reduction <maximumf>, %slice3A_320, %reduce_max3A_321 [0] : vector<128x256xf32> to vector<256xf32>
    %broadcast_in_dim3A_323 = vector.shape_cast %reduce_max3A_322 : vector<256xf32> to vector<1x256xf32>
    %slice3A_324 = vector.extract_strided_slice %add3A_161 {offsets = [5248, 0], sizes = [128, 256], strides = [1, 1]} : vector<8192x256xf32> to vector<128x256xf32>
    %reduce_max3A_325 = arith.constant dense<0xFF800000> : vector<256xf32>
    %reduce_max3A_326 = vector.multi_reduction <maximumf>, %slice3A_324, %reduce_max3A_325 [0] : vector<128x256xf32> to vector<256xf32>
    %broadcast_in_dim3A_327 = vector.shape_cast %reduce_max3A_326 : vector<256xf32> to vector<1x256xf32>
    %slice3A_328 = vector.extract_strided_slice %add3A_161 {offsets = [5376, 0], sizes = [128, 256], strides = [1, 1]} : vector<8192x256xf32> to vector<128x256xf32>
    %reduce_max3A_329 = arith.constant dense<0xFF800000> : vector<256xf32>
    %reduce_max3A_330 = vector.multi_reduction <maximumf>, %slice3A_328, %reduce_max3A_329 [0] : vector<128x256xf32> to vector<256xf32>
    %broadcast_in_dim3A_331 = vector.shape_cast %reduce_max3A_330 : vector<256xf32> to vector<1x256xf32>
    %slice3A_332 = vector.extract_strided_slice %add3A_161 {offsets = [5504, 0], sizes = [128, 256], strides = [1, 1]} : vector<8192x256xf32> to vector<128x256xf32>
    %reduce_max3A_333 = arith.constant dense<0xFF800000> : vector<256xf32>
    %reduce_max3A_334 = vector.multi_reduction <maximumf>, %slice3A_332, %reduce_max3A_333 [0] : vector<128x256xf32> to vector<256xf32>
    %broadcast_in_dim3A_335 = vector.shape_cast %reduce_max3A_334 : vector<256xf32> to vector<1x256xf32>
    %slice3A_336 = vector.extract_strided_slice %add3A_161 {offsets = [5632, 0], sizes = [128, 256], strides = [1, 1]} : vector<8192x256xf32> to vector<128x256xf32>
    %reduce_max3A_337 = arith.constant dense<0xFF800000> : vector<256xf32>
    %reduce_max3A_338 = vector.multi_reduction <maximumf>, %slice3A_336, %reduce_max3A_337 [0] : vector<128x256xf32> to vector<256xf32>
    %broadcast_in_dim3A_339 = vector.shape_cast %reduce_max3A_338 : vector<256xf32> to vector<1x256xf32>
    %slice3A_340 = vector.extract_strided_slice %add3A_161 {offsets = [5760, 0], sizes = [128, 256], strides = [1, 1]} : vector<8192x256xf32> to vector<128x256xf32>
    %reduce_max3A_341 = arith.constant dense<0xFF800000> : vector<256xf32>
    %reduce_max3A_342 = vector.multi_reduction <maximumf>, %slice3A_340, %reduce_max3A_341 [0] : vector<128x256xf32> to vector<256xf32>
    %broadcast_in_dim3A_343 = vector.shape_cast %reduce_max3A_342 : vector<256xf32> to vector<1x256xf32>
    %slice3A_344 = vector.extract_strided_slice %add3A_161 {offsets = [5888, 0], sizes = [128, 256], strides = [1, 1]} : vector<8192x256xf32> to vector<128x256xf32>
    %reduce_max3A_345 = arith.constant dense<0xFF800000> : vector<256xf32>
    %reduce_max3A_346 = vector.multi_reduction <maximumf>, %slice3A_344, %reduce_max3A_345 [0] : vector<128x256xf32> to vector<256xf32>
    %broadcast_in_dim3A_347 = vector.shape_cast %reduce_max3A_346 : vector<256xf32> to vector<1x256xf32>
    %slice3A_348 = vector.extract_strided_slice %add3A_161 {offsets = [6016, 0], sizes = [128, 256], strides = [1, 1]} : vector<8192x256xf32> to vector<128x256xf32>
    %reduce_max3A_349 = arith.constant dense<0xFF800000> : vector<256xf32>
    %reduce_max3A_350 = vector.multi_reduction <maximumf>, %slice3A_348, %reduce_max3A_349 [0] : vector<128x256xf32> to vector<256xf32>
    %broadcast_in_dim3A_351 = vector.shape_cast %reduce_max3A_350 : vector<256xf32> to vector<1x256xf32>
    %slice3A_352 = vector.extract_strided_slice %add3A_161 {offsets = [6144, 0], sizes = [128, 256], strides = [1, 1]} : vector<8192x256xf32> to vector<128x256xf32>
    %reduce_max3A_353 = arith.constant dense<0xFF800000> : vector<256xf32>
    %reduce_max3A_354 = vector.multi_reduction <maximumf>, %slice3A_352, %reduce_max3A_353 [0] : vector<128x256xf32> to vector<256xf32>
    %broadcast_in_dim3A_355 = vector.shape_cast %reduce_max3A_354 : vector<256xf32> to vector<1x256xf32>
    %slice3A_356 = vector.extract_strided_slice %add3A_161 {offsets = [6272, 0], sizes = [128, 256], strides = [1, 1]} : vector<8192x256xf32> to vector<128x256xf32>
    %reduce_max3A_357 = arith.constant dense<0xFF800000> : vector<256xf32>
    %reduce_max3A_358 = vector.multi_reduction <maximumf>, %slice3A_356, %reduce_max3A_357 [0] : vector<128x256xf32> to vector<256xf32>
    %broadcast_in_dim3A_359 = vector.shape_cast %reduce_max3A_358 : vector<256xf32> to vector<1x256xf32>
    %slice3A_360 = vector.extract_strided_slice %add3A_161 {offsets = [6400, 0], sizes = [128, 256], strides = [1, 1]} : vector<8192x256xf32> to vector<128x256xf32>
    %reduce_max3A_361 = arith.constant dense<0xFF800000> : vector<256xf32>
    %reduce_max3A_362 = vector.multi_reduction <maximumf>, %slice3A_360, %reduce_max3A_361 [0] : vector<128x256xf32> to vector<256xf32>
    %broadcast_in_dim3A_363 = vector.shape_cast %reduce_max3A_362 : vector<256xf32> to vector<1x256xf32>
    %slice3A_364 = vector.extract_strided_slice %add3A_161 {offsets = [6528, 0], sizes = [128, 256], strides = [1, 1]} : vector<8192x256xf32> to vector<128x256xf32>
    %reduce_max3A_365 = arith.constant dense<0xFF800000> : vector<256xf32>
    %reduce_max3A_366 = vector.multi_reduction <maximumf>, %slice3A_364, %reduce_max3A_365 [0] : vector<128x256xf32> to vector<256xf32>
    %broadcast_in_dim3A_367 = vector.shape_cast %reduce_max3A_366 : vector<256xf32> to vector<1x256xf32>
    %slice3A_368 = vector.extract_strided_slice %add3A_161 {offsets = [6656, 0], sizes = [128, 256], strides = [1, 1]} : vector<8192x256xf32> to vector<128x256xf32>
    %reduce_max3A_369 = arith.constant dense<0xFF800000> : vector<256xf32>
    %reduce_max3A_370 = vector.multi_reduction <maximumf>, %slice3A_368, %reduce_max3A_369 [0] : vector<128x256xf32> to vector<256xf32>
    %broadcast_in_dim3A_371 = vector.shape_cast %reduce_max3A_370 : vector<256xf32> to vector<1x256xf32>
    %slice3A_372 = vector.extract_strided_slice %add3A_161 {offsets = [6784, 0], sizes = [128, 256], strides = [1, 1]} : vector<8192x256xf32> to vector<128x256xf32>
    %reduce_max3A_373 = arith.constant dense<0xFF800000> : vector<256xf32>
    %reduce_max3A_374 = vector.multi_reduction <maximumf>, %slice3A_372, %reduce_max3A_373 [0] : vector<128x256xf32> to vector<256xf32>
    %broadcast_in_dim3A_375 = vector.shape_cast %reduce_max3A_374 : vector<256xf32> to vector<1x256xf32>
    %slice3A_376 = vector.extract_strided_slice %add3A_161 {offsets = [6912, 0], sizes = [128, 256], strides = [1, 1]} : vector<8192x256xf32> to vector<128x256xf32>
    %reduce_max3A_377 = arith.constant dense<0xFF800000> : vector<256xf32>
    %reduce_max3A_378 = vector.multi_reduction <maximumf>, %slice3A_376, %reduce_max3A_377 [0] : vector<128x256xf32> to vector<256xf32>
    %broadcast_in_dim3A_379 = vector.shape_cast %reduce_max3A_378 : vector<256xf32> to vector<1x256xf32>
    %slice3A_380 = vector.extract_strided_slice %add3A_161 {offsets = [7040, 0], sizes = [128, 256], strides = [1, 1]} : vector<8192x256xf32> to vector<128x256xf32>
    %reduce_max3A_381 = arith.constant dense<0xFF800000> : vector<256xf32>
    %reduce_max3A_382 = vector.multi_reduction <maximumf>, %slice3A_380, %reduce_max3A_381 [0] : vector<128x256xf32> to vector<256xf32>
    %broadcast_in_dim3A_383 = vector.shape_cast %reduce_max3A_382 : vector<256xf32> to vector<1x256xf32>
    %slice3A_384 = vector.extract_strided_slice %add3A_161 {offsets = [7168, 0], sizes = [128, 256], strides = [1, 1]} : vector<8192x256xf32> to vector<128x256xf32>
    %reduce_max3A_385 = arith.constant dense<0xFF800000> : vector<256xf32>
    %reduce_max3A_386 = vector.multi_reduction <maximumf>, %slice3A_384, %reduce_max3A_385 [0] : vector<128x256xf32> to vector<256xf32>
    %broadcast_in_dim3A_387 = vector.shape_cast %reduce_max3A_386 : vector<256xf32> to vector<1x256xf32>
    %slice3A_388 = vector.extract_strided_slice %add3A_161 {offsets = [7296, 0], sizes = [128, 256], strides = [1, 1]} : vector<8192x256xf32> to vector<128x256xf32>
    %reduce_max3A_389 = arith.constant dense<0xFF800000> : vector<256xf32>
    %reduce_max3A_390 = vector.multi_reduction <maximumf>, %slice3A_388, %reduce_max3A_389 [0] : vector<128x256xf32> to vector<256xf32>
    %broadcast_in_dim3A_391 = vector.shape_cast %reduce_max3A_390 : vector<256xf32> to vector<1x256xf32>
    %slice3A_392 = vector.extract_strided_slice %add3A_161 {offsets = [7424, 0], sizes = [128, 256], strides = [1, 1]} : vector<8192x256xf32> to vector<128x256xf32>
    %reduce_max3A_393 = arith.constant dense<0xFF800000> : vector<256xf32>
    %reduce_max3A_394 = vector.multi_reduction <maximumf>, %slice3A_392, %reduce_max3A_393 [0] : vector<128x256xf32> to vector<256xf32>
    %broadcast_in_dim3A_395 = vector.shape_cast %reduce_max3A_394 : vector<256xf32> to vector<1x256xf32>
    %slice3A_396 = vector.extract_strided_slice %add3A_161 {offsets = [7552, 0], sizes = [128, 256], strides = [1, 1]} : vector<8192x256xf32> to vector<128x256xf32>
    %reduce_max3A_397 = arith.constant dense<0xFF800000> : vector<256xf32>
    %reduce_max3A_398 = vector.multi_reduction <maximumf>, %slice3A_396, %reduce_max3A_397 [0] : vector<128x256xf32> to vector<256xf32>
    %broadcast_in_dim3A_399 = vector.shape_cast %reduce_max3A_398 : vector<256xf32> to vector<1x256xf32>
    %slice3A_400 = vector.extract_strided_slice %add3A_161 {offsets = [7680, 0], sizes = [128, 256], strides = [1, 1]} : vector<8192x256xf32> to vector<128x256xf32>
    %reduce_max3A_401 = arith.constant dense<0xFF800000> : vector<256xf32>
    %reduce_max3A_402 = vector.multi_reduction <maximumf>, %slice3A_400, %reduce_max3A_401 [0] : vector<128x256xf32> to vector<256xf32>
    %broadcast_in_dim3A_403 = vector.shape_cast %reduce_max3A_402 : vector<256xf32> to vector<1x256xf32>
    %slice3A_404 = vector.extract_strided_slice %add3A_161 {offsets = [7808, 0], sizes = [128, 256], strides = [1, 1]} : vector<8192x256xf32> to vector<128x256xf32>
    %reduce_max3A_405 = arith.constant dense<0xFF800000> : vector<256xf32>
    %reduce_max3A_406 = vector.multi_reduction <maximumf>, %slice3A_404, %reduce_max3A_405 [0] : vector<128x256xf32> to vector<256xf32>
    %broadcast_in_dim3A_407 = vector.shape_cast %reduce_max3A_406 : vector<256xf32> to vector<1x256xf32>
    %slice3A_408 = vector.extract_strided_slice %add3A_161 {offsets = [7936, 0], sizes = [128, 256], strides = [1, 1]} : vector<8192x256xf32> to vector<128x256xf32>
    %reduce_max3A_409 = arith.constant dense<0xFF800000> : vector<256xf32>
    %reduce_max3A_410 = vector.multi_reduction <maximumf>, %slice3A_408, %reduce_max3A_409 [0] : vector<128x256xf32> to vector<256xf32>
    %broadcast_in_dim3A_411 = vector.shape_cast %reduce_max3A_410 : vector<256xf32> to vector<1x256xf32>
    %slice3A_412 = vector.extract_strided_slice %add3A_161 {offsets = [8064, 0], sizes = [128, 256], strides = [1, 1]} : vector<8192x256xf32> to vector<128x256xf32>
    %reduce_max3A_413 = arith.constant dense<0xFF800000> : vector<256xf32>
    %reduce_max3A_414 = vector.multi_reduction <maximumf>, %slice3A_412, %reduce_max3A_413 [0] : vector<128x256xf32> to vector<256xf32>
    %broadcast_in_dim3A_415 = vector.shape_cast %reduce_max3A_414 : vector<256xf32> to vector<1x256xf32>
    %concatenate3A = tpu.concatenate %broadcast_in_dim3A, %broadcast_in_dim3A_167, %broadcast_in_dim3A_171, %broadcast_in_dim3A_175, %broadcast_in_dim3A_179, %broadcast_in_dim3A_183, %broadcast_in_dim3A_187, %broadcast_in_dim3A_191, %broadcast_in_dim3A_195, %broadcast_in_dim3A_199, %broadcast_in_dim3A_203, %broadcast_in_dim3A_207, %broadcast_in_dim3A_211, %broadcast_in_dim3A_215, %broadcast_in_dim3A_219, %broadcast_in_dim3A_223, %broadcast_in_dim3A_227, %broadcast_in_dim3A_231, %broadcast_in_dim3A_235, %broadcast_in_dim3A_239, %broadcast_in_dim3A_243, %broadcast_in_dim3A_247, %broadcast_in_dim3A_251, %broadcast_in_dim3A_255, %broadcast_in_dim3A_259, %broadcast_in_dim3A_263, %broadcast_in_dim3A_267, %broadcast_in_dim3A_271, %broadcast_in_dim3A_275, %broadcast_in_dim3A_279, %broadcast_in_dim3A_283, %broadcast_in_dim3A_287, %broadcast_in_dim3A_291, %broadcast_in_dim3A_295, %broadcast_in_dim3A_299, %broadcast_in_dim3A_303, %broadcast_in_dim3A_307, %broadcast_in_dim3A_311, %broadcast_in_dim3A_315, %broadcast_in_dim3A_319, %broadcast_in_dim3A_323, %broadcast_in_dim3A_327, %broadcast_in_dim3A_331, %broadcast_in_dim3A_335, %broadcast_in_dim3A_339, %broadcast_in_dim3A_343, %broadcast_in_dim3A_347, %broadcast_in_dim3A_351, %broadcast_in_dim3A_355, %broadcast_in_dim3A_359, %broadcast_in_dim3A_363, %broadcast_in_dim3A_367, %broadcast_in_dim3A_371, %broadcast_in_dim3A_375, %broadcast_in_dim3A_379, %broadcast_in_dim3A_383, %broadcast_in_dim3A_387, %broadcast_in_dim3A_391, %broadcast_in_dim3A_395, %broadcast_in_dim3A_399, %broadcast_in_dim3A_403, %broadcast_in_dim3A_407, %broadcast_in_dim3A_411, %broadcast_in_dim3A_415 in 0 : vector<1x256xf32>, vector<1x256xf32>, vector<1x256xf32>, vector<1x256xf32>, vector<1x256xf32>, vector<1x256xf32>, vector<1x256xf32>, vector<1x256xf32>, vector<1x256xf32>, vector<1x256xf32>, vector<1x256xf32>, vector<1x256xf32>, vector<1x256xf32>, vector<1x256xf32>, vector<1x256xf32>, vector<1x256xf32>, vector<1x256xf32>, vector<1x256xf32>, vector<1x256xf32>, vector<1x256xf32>, vector<1x256xf32>, vector<1x256xf32>, vector<1x256xf32>, vector<1x256xf32>, vector<1x256xf32>, vector<1x256xf32>, vector<1x256xf32>, vector<1x256xf32>, vector<1x256xf32>, vector<1x256xf32>, vector<1x256xf32>, vector<1x256xf32>, vector<1x256xf32>, vector<1x256xf32>, vector<1x256xf32>, vector<1x256xf32>, vector<1x256xf32>, vector<1x256xf32>, vector<1x256xf32>, vector<1x256xf32>, vector<1x256xf32>, vector<1x256xf32>, vector<1x256xf32>, vector<1x256xf32>, vector<1x256xf32>, vector<1x256xf32>, vector<1x256xf32>, vector<1x256xf32>, vector<1x256xf32>, vector<1x256xf32>, vector<1x256xf32>, vector<1x256xf32>, vector<1x256xf32>, vector<1x256xf32>, vector<1x256xf32>, vector<1x256xf32>, vector<1x256xf32>, vector<1x256xf32>, vector<1x256xf32>, vector<1x256xf32>, vector<1x256xf32>, vector<1x256xf32>, vector<1x256xf32>, vector<1x256xf32> -> vector<64x256xf32>
    %iota3A = tpu.iota {dimensions = array<i32: 0>} : vector<64x256xi32>
    %convert_element_type3A_416 = arith.sitofp %iota3A : vector<64x256xi32> to vector<64x256xf32>
    %reduce_max3A_417 = arith.constant dense<0xFF800000> : vector<256xf32>
    %reduce_max3A_418 = vector.multi_reduction <maximumf>, %concatenate3A, %reduce_max3A_417 [0] : vector<64x256xf32> to vector<256xf32>
    %broadcast_in_dim3A_419 = vector.shape_cast %reduce_max3A_418 : vector<256xf32> to vector<1x256xf32>
    %eq3A_420 = vector.broadcast %broadcast_in_dim3A_419 : vector<1x256xf32> to vector<64x256xf32>
    %eq3A_421 = arith.cmpf oeq, %concatenate3A, %eq3A_420 : vector<64x256xf32>
    %jit3A = arith.constant 1.280000e+02 : f32
    %broadcast_in_dim3A_422 = vector.broadcast %jit3A : f32 to vector<64x256xf32>
    %select_n3A = arith.select %eq3A_421, %convert_element_type3A_416, %broadcast_in_dim3A_422 : vector<64x256xi1>, vector<64x256xf32>
    %reduce_min3A = arith.constant dense<0x7F800000> : vector<256xf32>
    %reduce_min3A_423 = vector.multi_reduction <minimumf>, %select_n3A, %reduce_min3A [0] : vector<64x256xf32> to vector<256xf32>
    %broadcast_in_dim3A_424 = vector.shape_cast %reduce_min3A_423 : vector<256xf32> to vector<1x256xf32>
    %eq3A_425 = vector.broadcast %broadcast_in_dim3A_424 : vector<1x256xf32> to vector<64x256xf32>
    %eq3A_426 = arith.cmpf oeq, %convert_element_type3A_416, %eq3A_425 : vector<64x256xf32>
    %jit3A_427 = arith.constant 0xFF800000 : f32
    %broadcast_in_dim3A_428 = vector.broadcast %jit3A_427 : f32 to vector<64x256xf32>
    %select_n3A_429 = arith.select %eq3A_426, %broadcast_in_dim3A_428, %concatenate3A : vector<64x256xi1>, vector<64x256xf32>
    %reduce_max3A_430 = arith.constant dense<0xFF800000> : vector<256xf32>
    %reduce_max3A_431 = vector.multi_reduction <maximumf>, %select_n3A_429, %reduce_max3A_430 [0] : vector<64x256xf32> to vector<256xf32>
    %broadcast_in_dim3A_432 = vector.shape_cast %reduce_max3A_431 : vector<256xf32> to vector<1x256xf32>
    %eq3A_433 = vector.broadcast %broadcast_in_dim3A_432 : vector<1x256xf32> to vector<64x256xf32>
    %eq3A_434 = arith.cmpf oeq, %select_n3A_429, %eq3A_433 : vector<64x256xf32>
    %jit3A_435 = arith.constant 1.280000e+02 : f32
    %broadcast_in_dim3A_436 = vector.broadcast %jit3A_435 : f32 to vector<64x256xf32>
    %select_n3A_437 = arith.select %eq3A_434, %convert_element_type3A_416, %broadcast_in_dim3A_436 : vector<64x256xi1>, vector<64x256xf32>
    %reduce_min3A_438 = arith.constant dense<0x7F800000> : vector<256xf32>
    %reduce_min3A_439 = vector.multi_reduction <minimumf>, %select_n3A_437, %reduce_min3A_438 [0] : vector<64x256xf32> to vector<256xf32>
    %broadcast_in_dim3A_440 = vector.shape_cast %reduce_min3A_439 : vector<256xf32> to vector<1x256xf32>
    %eq3A_441 = vector.broadcast %broadcast_in_dim3A_440 : vector<1x256xf32> to vector<64x256xf32>
    %eq3A_442 = arith.cmpf oeq, %convert_element_type3A_416, %eq3A_441 : vector<64x256xf32>
    %jit3A_443 = arith.constant 0xFF800000 : f32
    %broadcast_in_dim3A_444 = vector.broadcast %jit3A_443 : f32 to vector<64x256xf32>
    %select_n3A_445 = arith.select %eq3A_442, %broadcast_in_dim3A_444, %select_n3A_429 : vector<64x256xi1>, vector<64x256xf32>
    %reduce_max3A_446 = arith.constant dense<0xFF800000> : vector<256xf32>
    %reduce_max3A_447 = vector.multi_reduction <maximumf>, %select_n3A_445, %reduce_max3A_446 [0] : vector<64x256xf32> to vector<256xf32>
    %broadcast_in_dim3A_448 = vector.shape_cast %reduce_max3A_447 : vector<256xf32> to vector<1x256xf32>
    %eq3A_449 = vector.broadcast %broadcast_in_dim3A_448 : vector<1x256xf32> to vector<64x256xf32>
    %eq3A_450 = arith.cmpf oeq, %select_n3A_445, %eq3A_449 : vector<64x256xf32>
    %jit3A_451 = arith.constant 1.280000e+02 : f32
    %broadcast_in_dim3A_452 = vector.broadcast %jit3A_451 : f32 to vector<64x256xf32>
    %select_n3A_453 = arith.select %eq3A_450, %convert_element_type3A_416, %broadcast_in_dim3A_452 : vector<64x256xi1>, vector<64x256xf32>
    %reduce_min3A_454 = arith.constant dense<0x7F800000> : vector<256xf32>
    %reduce_min3A_455 = vector.multi_reduction <minimumf>, %select_n3A_453, %reduce_min3A_454 [0] : vector<64x256xf32> to vector<256xf32>
    %broadcast_in_dim3A_456 = vector.shape_cast %reduce_min3A_455 : vector<256xf32> to vector<1x256xf32>
    %eq3A_457 = vector.broadcast %broadcast_in_dim3A_456 : vector<1x256xf32> to vector<64x256xf32>
    %eq3A_458 = arith.cmpf oeq, %convert_element_type3A_416, %eq3A_457 : vector<64x256xf32>
    %jit3A_459 = arith.constant 0xFF800000 : f32
    %broadcast_in_dim3A_460 = vector.broadcast %jit3A_459 : f32 to vector<64x256xf32>
    %select_n3A_461 = arith.select %eq3A_458, %broadcast_in_dim3A_460, %select_n3A_445 : vector<64x256xi1>, vector<64x256xf32>
    %reduce_max3A_462 = arith.constant dense<0xFF800000> : vector<256xf32>
    %reduce_max3A_463 = vector.multi_reduction <maximumf>, %select_n3A_461, %reduce_max3A_462 [0] : vector<64x256xf32> to vector<256xf32>
    %broadcast_in_dim3A_464 = vector.shape_cast %reduce_max3A_463 : vector<256xf32> to vector<1x256xf32>
    %eq3A_465 = vector.broadcast %broadcast_in_dim3A_464 : vector<1x256xf32> to vector<64x256xf32>
    %eq3A_466 = arith.cmpf oeq, %select_n3A_461, %eq3A_465 : vector<64x256xf32>
    %jit3A_467 = arith.constant 1.280000e+02 : f32
    %broadcast_in_dim3A_468 = vector.broadcast %jit3A_467 : f32 to vector<64x256xf32>
    %select_n3A_469 = arith.select %eq3A_466, %convert_element_type3A_416, %broadcast_in_dim3A_468 : vector<64x256xi1>, vector<64x256xf32>
    %reduce_min3A_470 = arith.constant dense<0x7F800000> : vector<256xf32>
    %reduce_min3A_471 = vector.multi_reduction <minimumf>, %select_n3A_469, %reduce_min3A_470 [0] : vector<64x256xf32> to vector<256xf32>
    %broadcast_in_dim3A_472 = vector.shape_cast %reduce_min3A_471 : vector<256xf32> to vector<1x256xf32>
    %eq3A_473 = vector.broadcast %broadcast_in_dim3A_472 : vector<1x256xf32> to vector<64x256xf32>
    %eq3A_474 = arith.cmpf oeq, %convert_element_type3A_416, %eq3A_473 : vector<64x256xf32>
    %jit3A_475 = arith.constant 0xFF800000 : f32
    %broadcast_in_dim3A_476 = vector.broadcast %jit3A_475 : f32 to vector<64x256xf32>
    %select_n3A_477 = arith.select %eq3A_474, %broadcast_in_dim3A_476, %select_n3A_461 : vector<64x256xi1>, vector<64x256xf32>
    %reduce_max3A_478 = arith.constant dense<0xFF800000> : vector<256xf32>
    %reduce_max3A_479 = vector.multi_reduction <maximumf>, %select_n3A_477, %reduce_max3A_478 [0] : vector<64x256xf32> to vector<256xf32>
    %broadcast_in_dim3A_480 = vector.shape_cast %reduce_max3A_479 : vector<256xf32> to vector<1x256xf32>
    %eq3A_481 = vector.broadcast %broadcast_in_dim3A_480 : vector<1x256xf32> to vector<64x256xf32>
    %eq3A_482 = arith.cmpf oeq, %select_n3A_477, %eq3A_481 : vector<64x256xf32>
    %jit3A_483 = arith.constant 1.280000e+02 : f32
    %broadcast_in_dim3A_484 = vector.broadcast %jit3A_483 : f32 to vector<64x256xf32>
    %select_n3A_485 = arith.select %eq3A_482, %convert_element_type3A_416, %broadcast_in_dim3A_484 : vector<64x256xi1>, vector<64x256xf32>
    %reduce_min3A_486 = arith.constant dense<0x7F800000> : vector<256xf32>
    %reduce_min3A_487 = vector.multi_reduction <minimumf>, %select_n3A_485, %reduce_min3A_486 [0] : vector<64x256xf32> to vector<256xf32>
    %broadcast_in_dim3A_488 = vector.shape_cast %reduce_min3A_487 : vector<256xf32> to vector<1x256xf32>
    %eq3A_489 = vector.broadcast %broadcast_in_dim3A_488 : vector<1x256xf32> to vector<64x256xf32>
    %eq3A_490 = arith.cmpf oeq, %convert_element_type3A_416, %eq3A_489 : vector<64x256xf32>
    %jit3A_491 = arith.constant 0xFF800000 : f32
    %broadcast_in_dim3A_492 = vector.broadcast %jit3A_491 : f32 to vector<64x256xf32>
    %select_n3A_493 = arith.select %eq3A_490, %broadcast_in_dim3A_492, %select_n3A_477 : vector<64x256xi1>, vector<64x256xf32>
    %reduce_max3A_494 = arith.constant dense<0xFF800000> : vector<256xf32>
    %reduce_max3A_495 = vector.multi_reduction <maximumf>, %select_n3A_493, %reduce_max3A_494 [0] : vector<64x256xf32> to vector<256xf32>
    %broadcast_in_dim3A_496 = vector.shape_cast %reduce_max3A_495 : vector<256xf32> to vector<1x256xf32>
    %eq3A_497 = vector.broadcast %broadcast_in_dim3A_496 : vector<1x256xf32> to vector<64x256xf32>
    %eq3A_498 = arith.cmpf oeq, %select_n3A_493, %eq3A_497 : vector<64x256xf32>
    %jit3A_499 = arith.constant 1.280000e+02 : f32
    %broadcast_in_dim3A_500 = vector.broadcast %jit3A_499 : f32 to vector<64x256xf32>
    %select_n3A_501 = arith.select %eq3A_498, %convert_element_type3A_416, %broadcast_in_dim3A_500 : vector<64x256xi1>, vector<64x256xf32>
    %reduce_min3A_502 = arith.constant dense<0x7F800000> : vector<256xf32>
    %reduce_min3A_503 = vector.multi_reduction <minimumf>, %select_n3A_501, %reduce_min3A_502 [0] : vector<64x256xf32> to vector<256xf32>
    %broadcast_in_dim3A_504 = vector.shape_cast %reduce_min3A_503 : vector<256xf32> to vector<1x256xf32>
    %eq3A_505 = vector.broadcast %broadcast_in_dim3A_504 : vector<1x256xf32> to vector<64x256xf32>
    %eq3A_506 = arith.cmpf oeq, %convert_element_type3A_416, %eq3A_505 : vector<64x256xf32>
    %jit3A_507 = arith.constant 0xFF800000 : f32
    %broadcast_in_dim3A_508 = vector.broadcast %jit3A_507 : f32 to vector<64x256xf32>
    %select_n3A_509 = arith.select %eq3A_506, %broadcast_in_dim3A_508, %select_n3A_493 : vector<64x256xi1>, vector<64x256xf32>
    %reduce_max3A_510 = arith.constant dense<0xFF800000> : vector<256xf32>
    %reduce_max3A_511 = vector.multi_reduction <maximumf>, %select_n3A_509, %reduce_max3A_510 [0] : vector<64x256xf32> to vector<256xf32>
    %broadcast_in_dim3A_512 = vector.shape_cast %reduce_max3A_511 : vector<256xf32> to vector<1x256xf32>
    %eq3A_513 = vector.broadcast %broadcast_in_dim3A_512 : vector<1x256xf32> to vector<64x256xf32>
    %eq3A_514 = arith.cmpf oeq, %select_n3A_509, %eq3A_513 : vector<64x256xf32>
    %jit3A_515 = arith.constant 1.280000e+02 : f32
    %broadcast_in_dim3A_516 = vector.broadcast %jit3A_515 : f32 to vector<64x256xf32>
    %select_n3A_517 = arith.select %eq3A_514, %convert_element_type3A_416, %broadcast_in_dim3A_516 : vector<64x256xi1>, vector<64x256xf32>
    %reduce_min3A_518 = arith.constant dense<0x7F800000> : vector<256xf32>
    %reduce_min3A_519 = vector.multi_reduction <minimumf>, %select_n3A_517, %reduce_min3A_518 [0] : vector<64x256xf32> to vector<256xf32>
    %broadcast_in_dim3A_520 = vector.shape_cast %reduce_min3A_519 : vector<256xf32> to vector<1x256xf32>
    %eq3A_521 = vector.broadcast %broadcast_in_dim3A_520 : vector<1x256xf32> to vector<64x256xf32>
    %eq3A_522 = arith.cmpf oeq, %convert_element_type3A_416, %eq3A_521 : vector<64x256xf32>
    %jit3A_523 = arith.constant 0xFF800000 : f32
    %broadcast_in_dim3A_524 = vector.broadcast %jit3A_523 : f32 to vector<64x256xf32>
    %select_n3A_525 = arith.select %eq3A_522, %broadcast_in_dim3A_524, %select_n3A_509 : vector<64x256xi1>, vector<64x256xf32>
    %reduce_max3A_526 = arith.constant dense<0xFF800000> : vector<256xf32>
    %reduce_max3A_527 = vector.multi_reduction <maximumf>, %select_n3A_525, %reduce_max3A_526 [0] : vector<64x256xf32> to vector<256xf32>
    %broadcast_in_dim3A_528 = vector.shape_cast %reduce_max3A_527 : vector<256xf32> to vector<1x256xf32>
    %eq3A_529 = vector.broadcast %broadcast_in_dim3A_528 : vector<1x256xf32> to vector<64x256xf32>
    %eq3A_530 = arith.cmpf oeq, %select_n3A_525, %eq3A_529 : vector<64x256xf32>
    %jit3A_531 = arith.constant 1.280000e+02 : f32
    %broadcast_in_dim3A_532 = vector.broadcast %jit3A_531 : f32 to vector<64x256xf32>
    %select_n3A_533 = arith.select %eq3A_530, %convert_element_type3A_416, %broadcast_in_dim3A_532 : vector<64x256xi1>, vector<64x256xf32>
    %reduce_min3A_534 = arith.constant dense<0x7F800000> : vector<256xf32>
    %reduce_min3A_535 = vector.multi_reduction <minimumf>, %select_n3A_533, %reduce_min3A_534 [0] : vector<64x256xf32> to vector<256xf32>
    %broadcast_in_dim3A_536 = vector.shape_cast %reduce_min3A_535 : vector<256xf32> to vector<1x256xf32>
    %eq3A_537 = vector.broadcast %broadcast_in_dim3A_536 : vector<1x256xf32> to vector<64x256xf32>
    %eq3A_538 = arith.cmpf oeq, %convert_element_type3A_416, %eq3A_537 : vector<64x256xf32>
    %jit3A_539 = arith.constant 0xFF800000 : f32
    %broadcast_in_dim3A_540 = vector.broadcast %jit3A_539 : f32 to vector<64x256xf32>
    %select_n3A_541 = arith.select %eq3A_538, %broadcast_in_dim3A_540, %select_n3A_525 : vector<64x256xi1>, vector<64x256xf32>
    %reduce_max3A_542 = arith.constant dense<0xFF800000> : vector<256xf32>
    %reduce_max3A_543 = vector.multi_reduction <maximumf>, %select_n3A_541, %reduce_max3A_542 [0] : vector<64x256xf32> to vector<256xf32>
    %broadcast_in_dim3A_544 = vector.shape_cast %reduce_max3A_543 : vector<256xf32> to vector<1x256xf32>
    %eq3A_545 = vector.broadcast %broadcast_in_dim3A_544 : vector<1x256xf32> to vector<64x256xf32>
    %eq3A_546 = arith.cmpf oeq, %select_n3A_541, %eq3A_545 : vector<64x256xf32>
    %jit3A_547 = arith.constant 1.280000e+02 : f32
    %broadcast_in_dim3A_548 = vector.broadcast %jit3A_547 : f32 to vector<64x256xf32>
    %select_n3A_549 = arith.select %eq3A_546, %convert_element_type3A_416, %broadcast_in_dim3A_548 : vector<64x256xi1>, vector<64x256xf32>
    %reduce_min3A_550 = arith.constant dense<0x7F800000> : vector<256xf32>
    %reduce_min3A_551 = vector.multi_reduction <minimumf>, %select_n3A_549, %reduce_min3A_550 [0] : vector<64x256xf32> to vector<256xf32>
    %broadcast_in_dim3A_552 = vector.shape_cast %reduce_min3A_551 : vector<256xf32> to vector<1x256xf32>
    %eq3A_553 = vector.broadcast %broadcast_in_dim3A_552 : vector<1x256xf32> to vector<64x256xf32>
    %eq3A_554 = arith.cmpf oeq, %convert_element_type3A_416, %eq3A_553 : vector<64x256xf32>
    %jit3A_555 = arith.constant 0xFF800000 : f32
    %broadcast_in_dim3A_556 = vector.broadcast %jit3A_555 : f32 to vector<64x256xf32>
    %select_n3A_557 = arith.select %eq3A_554, %broadcast_in_dim3A_556, %select_n3A_541 : vector<64x256xi1>, vector<64x256xf32>
    %reduce_max3A_558 = arith.constant dense<0xFF800000> : vector<256xf32>
    %reduce_max3A_559 = vector.multi_reduction <maximumf>, %select_n3A_557, %reduce_max3A_558 [0] : vector<64x256xf32> to vector<256xf32>
    %broadcast_in_dim3A_560 = vector.shape_cast %reduce_max3A_559 : vector<256xf32> to vector<1x256xf32>
    %eq3A_561 = vector.broadcast %broadcast_in_dim3A_560 : vector<1x256xf32> to vector<64x256xf32>
    %eq3A_562 = arith.cmpf oeq, %select_n3A_557, %eq3A_561 : vector<64x256xf32>
    %jit3A_563 = arith.constant 1.280000e+02 : f32
    %broadcast_in_dim3A_564 = vector.broadcast %jit3A_563 : f32 to vector<64x256xf32>
    %select_n3A_565 = arith.select %eq3A_562, %convert_element_type3A_416, %broadcast_in_dim3A_564 : vector<64x256xi1>, vector<64x256xf32>
    %reduce_min3A_566 = arith.constant dense<0x7F800000> : vector<256xf32>
    %reduce_min3A_567 = vector.multi_reduction <minimumf>, %select_n3A_565, %reduce_min3A_566 [0] : vector<64x256xf32> to vector<256xf32>
    %broadcast_in_dim3A_568 = vector.shape_cast %reduce_min3A_567 : vector<256xf32> to vector<1x256xf32>
    %concatenate3A_569 = tpu.concatenate %broadcast_in_dim3A_424, %broadcast_in_dim3A_440, %broadcast_in_dim3A_456, %broadcast_in_dim3A_472, %broadcast_in_dim3A_488, %broadcast_in_dim3A_504, %broadcast_in_dim3A_520, %broadcast_in_dim3A_536, %broadcast_in_dim3A_552, %broadcast_in_dim3A_568, %broadcast_in_dim3A_568, %broadcast_in_dim3A_568, %broadcast_in_dim3A_568, %broadcast_in_dim3A_568, %broadcast_in_dim3A_568, %broadcast_in_dim3A_568 in 0 : vector<1x256xf32>, vector<1x256xf32>, vector<1x256xf32>, vector<1x256xf32>, vector<1x256xf32>, vector<1x256xf32>, vector<1x256xf32>, vector<1x256xf32>, vector<1x256xf32>, vector<1x256xf32>, vector<1x256xf32>, vector<1x256xf32>, vector<1x256xf32>, vector<1x256xf32>, vector<1x256xf32>, vector<1x256xf32> -> vector<16x256xf32>
    %convert_element_type3A_570 = arith.fptosi %concatenate3A_569 : vector<16x256xf32> to vector<16x256xi32>
    %swap3A_571 = arith.constant 0 : index
    %swap3A_572 = arith.constant 0 : index
    %swap3A_573 = vector.load %arg7[%swap3A_571, %swap3A_572] : memref<16x256xi32, #tpu.memory_space<vmem>>, vector<16x256xi32>
    tpu.vector_store %arg7[%swap3A_571, %swap3A_572], %convert_element_type3A_570 {strides = array<i32>} : memref<16x256xi32, #tpu.memory_space<vmem>>, vector<16x256xi32>,
    return
  }
  func.func @transform_0(%arg0: i32) -> (i32, i32) {
    %c0_i32 = arith.constant 0 : i32
    %c0_i32_0 = arith.constant 0 : i32
    return %arg0, %c0_i32 : i32, i32
  }
  func.func @transform_1(%arg0: i32) -> (i32, i32) {
    %c0_i32 = arith.constant 0 : i32
    %c0_i32_0 = arith.constant 0 : i32
    %c0_i32_1 = arith.constant 0 : i32
    return %c0_i32, %c0_i32_0 : i32, i32
  }
  func.func @transform_2(%arg0: i32) -> (i32, i32) {
    %c0_i32 = arith.constant 0 : i32
    %c0_i32_0 = arith.constant 0 : i32
    %c0_i32_1 = arith.constant 0 : i32
    return %c0_i32, %c0_i32_0 : i32, i32
  }
  func.func @transform_3(%arg0: i32) -> (i32, i32) {
    %c0_i32 = arith.constant 0 : i32
    %c0_i32_0 = arith.constant 0 : i32
    %c0_i32_1 = arith.constant 0 : i32
    return %c0_i32, %c0_i32_0 : i32, i32
  }
  func.func @transform_4(%arg0: i32) -> (i32, i32) {
    %c0_i32 = arith.constant 0 : i32
    %c0_i32_0 = arith.constant 0 : i32
    %c0_i32_1 = arith.constant 0 : i32
    return %c0_i32, %c0_i32_0 : i32, i32
  }
  func.func @transform_5(%arg0: i32) -> (i32, i32, i32) {
    %c0_i32 = arith.constant 0 : i32
    %c0_i32_0 = arith.constant 0 : i32
    %c0_i32_1 = arith.constant 0 : i32
    return %c0_i32, %arg0, %c0_i32_0 : i32, i32, i32
  }
  func.func @transform_6(%arg0: i32) -> (i32, i32) {
    %c0_i32 = arith.constant 0 : i32
    %c0_i32_0 = arith.constant 0 : i32
    return %c0_i32, %arg0 : i32, i32
  }
}

module attributes {stable_mosaic.version = 14 : i64} {
  func.func @_stage_c_kernel(%arg0: i32, %arg1: memref<512x1280xf32, #tpu.memory_space<vmem>>, %arg2: memref<512x10xi32, #tpu.memory_space<vmem>>, %arg3: memref<512x8xi32, #tpu.memory_space<vmem>>, %arg4: memref<512x8xf32, #tpu.memory_space<vmem>>) attributes {dimension_semantics = [#tpu.dimension_semantics<arbitrary>], iteration_bounds = array<i64: 16>, scalar_prefetch = 0 : i64, scratch_operands = 0 : i64, tpu.core_type = #tpu.core_type<tc>, window_params = [{transform_indices = @transform_0, window_bounds = array<i64: 512, 1280>}, {transform_indices = @transform_1, window_bounds = array<i64: 512, 10>}, {transform_indices = @transform_2, window_bounds = array<i64: 512, 8>}, {transform_indices = @transform_3, window_bounds = array<i64: 512, 8>}]} {
    %get3A = arith.constant 0 : index
    %get3A_0 = arith.constant 0 : index
    %get3A_1 = vector.load %arg1[%get3A, %get3A_0] : memref<512x1280xf32, #tpu.memory_space<vmem>>, vector<512x1280xf32>
    %iota3A = tpu.iota {dimensions = array<i32: 1>} : vector<512x1280xi32>
    %convert_element_type3A = arith.sitofp %iota3A : vector<512x1280xi32> to vector<512x1280xf32>
    %reduce_max3A = arith.constant dense<0xFF800000> : vector<512xf32>
    %reduce_max3A_2 = vector.multi_reduction <maximumf>, %get3A_1, %reduce_max3A [1] : vector<512x1280xf32> to vector<512xf32>
    %broadcast_in_dim3A = vector.shape_cast %reduce_max3A_2 : vector<512xf32> to vector<512x1xf32>
    %eq3A = vector.broadcast %broadcast_in_dim3A : vector<512x1xf32> to vector<512x1280xf32>
    %eq3A_3 = arith.cmpf oeq, %get3A_1, %eq3A : vector<512x1280xf32>
    %jit3A = arith.constant 2.560000e+03 : f32
    %broadcast_in_dim3A_4 = vector.broadcast %jit3A : f32 to vector<512x1280xf32>
    %select_n3A = arith.select %eq3A_3, %convert_element_type3A, %broadcast_in_dim3A_4 : vector<512x1280xi1>, vector<512x1280xf32>
    %reduce_min3A = arith.constant dense<0x7F800000> : vector<512xf32>
    %reduce_min3A_5 = vector.multi_reduction <minimumf>, %select_n3A, %reduce_min3A [1] : vector<512x1280xf32> to vector<512xf32>
    %broadcast_in_dim3A_6 = vector.shape_cast %reduce_min3A_5 : vector<512xf32> to vector<512x1xf32>
    %eq3A_7 = vector.broadcast %broadcast_in_dim3A_6 : vector<512x1xf32> to vector<512x1280xf32>
    %eq3A_8 = arith.cmpf oeq, %convert_element_type3A, %eq3A_7 : vector<512x1280xf32>
    %jit3A_9 = arith.constant 0xFF800000 : f32
    %broadcast_in_dim3A_10 = vector.broadcast %jit3A_9 : f32 to vector<512x1280xf32>
    %select_n3A_11 = arith.select %eq3A_8, %broadcast_in_dim3A_10, %get3A_1 : vector<512x1280xi1>, vector<512x1280xf32>
    %reduce_max3A_12 = arith.constant dense<0xFF800000> : vector<512xf32>
    %reduce_max3A_13 = vector.multi_reduction <maximumf>, %select_n3A_11, %reduce_max3A_12 [1] : vector<512x1280xf32> to vector<512xf32>
    %broadcast_in_dim3A_14 = vector.shape_cast %reduce_max3A_13 : vector<512xf32> to vector<512x1xf32>
    %eq3A_15 = vector.broadcast %broadcast_in_dim3A_14 : vector<512x1xf32> to vector<512x1280xf32>
    %eq3A_16 = arith.cmpf oeq, %select_n3A_11, %eq3A_15 : vector<512x1280xf32>
    %jit3A_17 = arith.constant 2.560000e+03 : f32
    %broadcast_in_dim3A_18 = vector.broadcast %jit3A_17 : f32 to vector<512x1280xf32>
    %select_n3A_19 = arith.select %eq3A_16, %convert_element_type3A, %broadcast_in_dim3A_18 : vector<512x1280xi1>, vector<512x1280xf32>
    %reduce_min3A_20 = arith.constant dense<0x7F800000> : vector<512xf32>
    %reduce_min3A_21 = vector.multi_reduction <minimumf>, %select_n3A_19, %reduce_min3A_20 [1] : vector<512x1280xf32> to vector<512xf32>
    %broadcast_in_dim3A_22 = vector.shape_cast %reduce_min3A_21 : vector<512xf32> to vector<512x1xf32>
    %eq3A_23 = vector.broadcast %broadcast_in_dim3A_22 : vector<512x1xf32> to vector<512x1280xf32>
    %eq3A_24 = arith.cmpf oeq, %convert_element_type3A, %eq3A_23 : vector<512x1280xf32>
    %jit3A_25 = arith.constant 0xFF800000 : f32
    %broadcast_in_dim3A_26 = vector.broadcast %jit3A_25 : f32 to vector<512x1280xf32>
    %select_n3A_27 = arith.select %eq3A_24, %broadcast_in_dim3A_26, %select_n3A_11 : vector<512x1280xi1>, vector<512x1280xf32>
    %reduce_max3A_28 = arith.constant dense<0xFF800000> : vector<512xf32>
    %reduce_max3A_29 = vector.multi_reduction <maximumf>, %select_n3A_27, %reduce_max3A_28 [1] : vector<512x1280xf32> to vector<512xf32>
    %broadcast_in_dim3A_30 = vector.shape_cast %reduce_max3A_29 : vector<512xf32> to vector<512x1xf32>
    %eq3A_31 = vector.broadcast %broadcast_in_dim3A_30 : vector<512x1xf32> to vector<512x1280xf32>
    %eq3A_32 = arith.cmpf oeq, %select_n3A_27, %eq3A_31 : vector<512x1280xf32>
    %jit3A_33 = arith.constant 2.560000e+03 : f32
    %broadcast_in_dim3A_34 = vector.broadcast %jit3A_33 : f32 to vector<512x1280xf32>
    %select_n3A_35 = arith.select %eq3A_32, %convert_element_type3A, %broadcast_in_dim3A_34 : vector<512x1280xi1>, vector<512x1280xf32>
    %reduce_min3A_36 = arith.constant dense<0x7F800000> : vector<512xf32>
    %reduce_min3A_37 = vector.multi_reduction <minimumf>, %select_n3A_35, %reduce_min3A_36 [1] : vector<512x1280xf32> to vector<512xf32>
    %broadcast_in_dim3A_38 = vector.shape_cast %reduce_min3A_37 : vector<512xf32> to vector<512x1xf32>
    %eq3A_39 = vector.broadcast %broadcast_in_dim3A_38 : vector<512x1xf32> to vector<512x1280xf32>
    %eq3A_40 = arith.cmpf oeq, %convert_element_type3A, %eq3A_39 : vector<512x1280xf32>
    %jit3A_41 = arith.constant 0xFF800000 : f32
    %broadcast_in_dim3A_42 = vector.broadcast %jit3A_41 : f32 to vector<512x1280xf32>
    %select_n3A_43 = arith.select %eq3A_40, %broadcast_in_dim3A_42, %select_n3A_27 : vector<512x1280xi1>, vector<512x1280xf32>
    %reduce_max3A_44 = arith.constant dense<0xFF800000> : vector<512xf32>
    %reduce_max3A_45 = vector.multi_reduction <maximumf>, %select_n3A_43, %reduce_max3A_44 [1] : vector<512x1280xf32> to vector<512xf32>
    %broadcast_in_dim3A_46 = vector.shape_cast %reduce_max3A_45 : vector<512xf32> to vector<512x1xf32>
    %eq3A_47 = vector.broadcast %broadcast_in_dim3A_46 : vector<512x1xf32> to vector<512x1280xf32>
    %eq3A_48 = arith.cmpf oeq, %select_n3A_43, %eq3A_47 : vector<512x1280xf32>
    %jit3A_49 = arith.constant 2.560000e+03 : f32
    %broadcast_in_dim3A_50 = vector.broadcast %jit3A_49 : f32 to vector<512x1280xf32>
    %select_n3A_51 = arith.select %eq3A_48, %convert_element_type3A, %broadcast_in_dim3A_50 : vector<512x1280xi1>, vector<512x1280xf32>
    %reduce_min3A_52 = arith.constant dense<0x7F800000> : vector<512xf32>
    %reduce_min3A_53 = vector.multi_reduction <minimumf>, %select_n3A_51, %reduce_min3A_52 [1] : vector<512x1280xf32> to vector<512xf32>
    %broadcast_in_dim3A_54 = vector.shape_cast %reduce_min3A_53 : vector<512xf32> to vector<512x1xf32>
    %eq3A_55 = vector.broadcast %broadcast_in_dim3A_54 : vector<512x1xf32> to vector<512x1280xf32>
    %eq3A_56 = arith.cmpf oeq, %convert_element_type3A, %eq3A_55 : vector<512x1280xf32>
    %jit3A_57 = arith.constant 0xFF800000 : f32
    %broadcast_in_dim3A_58 = vector.broadcast %jit3A_57 : f32 to vector<512x1280xf32>
    %select_n3A_59 = arith.select %eq3A_56, %broadcast_in_dim3A_58, %select_n3A_43 : vector<512x1280xi1>, vector<512x1280xf32>
    %reduce_max3A_60 = arith.constant dense<0xFF800000> : vector<512xf32>
    %reduce_max3A_61 = vector.multi_reduction <maximumf>, %select_n3A_59, %reduce_max3A_60 [1] : vector<512x1280xf32> to vector<512xf32>
    %broadcast_in_dim3A_62 = vector.shape_cast %reduce_max3A_61 : vector<512xf32> to vector<512x1xf32>
    %eq3A_63 = vector.broadcast %broadcast_in_dim3A_62 : vector<512x1xf32> to vector<512x1280xf32>
    %eq3A_64 = arith.cmpf oeq, %select_n3A_59, %eq3A_63 : vector<512x1280xf32>
    %jit3A_65 = arith.constant 2.560000e+03 : f32
    %broadcast_in_dim3A_66 = vector.broadcast %jit3A_65 : f32 to vector<512x1280xf32>
    %select_n3A_67 = arith.select %eq3A_64, %convert_element_type3A, %broadcast_in_dim3A_66 : vector<512x1280xi1>, vector<512x1280xf32>
    %reduce_min3A_68 = arith.constant dense<0x7F800000> : vector<512xf32>
    %reduce_min3A_69 = vector.multi_reduction <minimumf>, %select_n3A_67, %reduce_min3A_68 [1] : vector<512x1280xf32> to vector<512xf32>
    %broadcast_in_dim3A_70 = vector.shape_cast %reduce_min3A_69 : vector<512xf32> to vector<512x1xf32>
    %eq3A_71 = vector.broadcast %broadcast_in_dim3A_70 : vector<512x1xf32> to vector<512x1280xf32>
    %eq3A_72 = arith.cmpf oeq, %convert_element_type3A, %eq3A_71 : vector<512x1280xf32>
    %jit3A_73 = arith.constant 0xFF800000 : f32
    %broadcast_in_dim3A_74 = vector.broadcast %jit3A_73 : f32 to vector<512x1280xf32>
    %select_n3A_75 = arith.select %eq3A_72, %broadcast_in_dim3A_74, %select_n3A_59 : vector<512x1280xi1>, vector<512x1280xf32>
    %reduce_max3A_76 = arith.constant dense<0xFF800000> : vector<512xf32>
    %reduce_max3A_77 = vector.multi_reduction <maximumf>, %select_n3A_75, %reduce_max3A_76 [1] : vector<512x1280xf32> to vector<512xf32>
    %broadcast_in_dim3A_78 = vector.shape_cast %reduce_max3A_77 : vector<512xf32> to vector<512x1xf32>
    %eq3A_79 = vector.broadcast %broadcast_in_dim3A_78 : vector<512x1xf32> to vector<512x1280xf32>
    %eq3A_80 = arith.cmpf oeq, %select_n3A_75, %eq3A_79 : vector<512x1280xf32>
    %jit3A_81 = arith.constant 2.560000e+03 : f32
    %broadcast_in_dim3A_82 = vector.broadcast %jit3A_81 : f32 to vector<512x1280xf32>
    %select_n3A_83 = arith.select %eq3A_80, %convert_element_type3A, %broadcast_in_dim3A_82 : vector<512x1280xi1>, vector<512x1280xf32>
    %reduce_min3A_84 = arith.constant dense<0x7F800000> : vector<512xf32>
    %reduce_min3A_85 = vector.multi_reduction <minimumf>, %select_n3A_83, %reduce_min3A_84 [1] : vector<512x1280xf32> to vector<512xf32>
    %broadcast_in_dim3A_86 = vector.shape_cast %reduce_min3A_85 : vector<512xf32> to vector<512x1xf32>
    %eq3A_87 = vector.broadcast %broadcast_in_dim3A_86 : vector<512x1xf32> to vector<512x1280xf32>
    %eq3A_88 = arith.cmpf oeq, %convert_element_type3A, %eq3A_87 : vector<512x1280xf32>
    %jit3A_89 = arith.constant 0xFF800000 : f32
    %broadcast_in_dim3A_90 = vector.broadcast %jit3A_89 : f32 to vector<512x1280xf32>
    %select_n3A_91 = arith.select %eq3A_88, %broadcast_in_dim3A_90, %select_n3A_75 : vector<512x1280xi1>, vector<512x1280xf32>
    %reduce_max3A_92 = arith.constant dense<0xFF800000> : vector<512xf32>
    %reduce_max3A_93 = vector.multi_reduction <maximumf>, %select_n3A_91, %reduce_max3A_92 [1] : vector<512x1280xf32> to vector<512xf32>
    %broadcast_in_dim3A_94 = vector.shape_cast %reduce_max3A_93 : vector<512xf32> to vector<512x1xf32>
    %eq3A_95 = vector.broadcast %broadcast_in_dim3A_94 : vector<512x1xf32> to vector<512x1280xf32>
    %eq3A_96 = arith.cmpf oeq, %select_n3A_91, %eq3A_95 : vector<512x1280xf32>
    %jit3A_97 = arith.constant 2.560000e+03 : f32
    %broadcast_in_dim3A_98 = vector.broadcast %jit3A_97 : f32 to vector<512x1280xf32>
    %select_n3A_99 = arith.select %eq3A_96, %convert_element_type3A, %broadcast_in_dim3A_98 : vector<512x1280xi1>, vector<512x1280xf32>
    %reduce_min3A_100 = arith.constant dense<0x7F800000> : vector<512xf32>
    %reduce_min3A_101 = vector.multi_reduction <minimumf>, %select_n3A_99, %reduce_min3A_100 [1] : vector<512x1280xf32> to vector<512xf32>
    %broadcast_in_dim3A_102 = vector.shape_cast %reduce_min3A_101 : vector<512xf32> to vector<512x1xf32>
    %eq3A_103 = vector.broadcast %broadcast_in_dim3A_102 : vector<512x1xf32> to vector<512x1280xf32>
    %eq3A_104 = arith.cmpf oeq, %convert_element_type3A, %eq3A_103 : vector<512x1280xf32>
    %jit3A_105 = arith.constant 0xFF800000 : f32
    %broadcast_in_dim3A_106 = vector.broadcast %jit3A_105 : f32 to vector<512x1280xf32>
    %select_n3A_107 = arith.select %eq3A_104, %broadcast_in_dim3A_106, %select_n3A_91 : vector<512x1280xi1>, vector<512x1280xf32>
    %reduce_max3A_108 = arith.constant dense<0xFF800000> : vector<512xf32>
    %reduce_max3A_109 = vector.multi_reduction <maximumf>, %select_n3A_107, %reduce_max3A_108 [1] : vector<512x1280xf32> to vector<512xf32>
    %broadcast_in_dim3A_110 = vector.shape_cast %reduce_max3A_109 : vector<512xf32> to vector<512x1xf32>
    %eq3A_111 = vector.broadcast %broadcast_in_dim3A_110 : vector<512x1xf32> to vector<512x1280xf32>
    %eq3A_112 = arith.cmpf oeq, %select_n3A_107, %eq3A_111 : vector<512x1280xf32>
    %jit3A_113 = arith.constant 2.560000e+03 : f32
    %broadcast_in_dim3A_114 = vector.broadcast %jit3A_113 : f32 to vector<512x1280xf32>
    %select_n3A_115 = arith.select %eq3A_112, %convert_element_type3A, %broadcast_in_dim3A_114 : vector<512x1280xi1>, vector<512x1280xf32>
    %reduce_min3A_116 = arith.constant dense<0x7F800000> : vector<512xf32>
    %reduce_min3A_117 = vector.multi_reduction <minimumf>, %select_n3A_115, %reduce_min3A_116 [1] : vector<512x1280xf32> to vector<512xf32>
    %broadcast_in_dim3A_118 = vector.shape_cast %reduce_min3A_117 : vector<512xf32> to vector<512x1xf32>
    %concatenate3A = tpu.concatenate %broadcast_in_dim3A, %broadcast_in_dim3A_14, %broadcast_in_dim3A_30, %broadcast_in_dim3A_46, %broadcast_in_dim3A_62, %broadcast_in_dim3A_78, %broadcast_in_dim3A_94, %broadcast_in_dim3A_110 in 1 : vector<512x1xf32>, vector<512x1xf32>, vector<512x1xf32>, vector<512x1xf32>, vector<512x1xf32>, vector<512x1xf32>, vector<512x1xf32>, vector<512x1xf32> -> vector<512x8xf32>
    %swap3A = arith.constant 0 : index
    %swap3A_119 = arith.constant 0 : index
    %swap3A_120 = vector.load %arg4[%swap3A, %swap3A_119] : memref<512x8xf32, #tpu.memory_space<vmem>>, vector<512x8xf32>
    tpu.vector_store %arg4[%swap3A, %swap3A_119], %concatenate3A {strides = array<i32>} : memref<512x8xf32, #tpu.memory_space<vmem>>, vector<512x8xf32>,
    %concatenate3A_121 = tpu.concatenate %broadcast_in_dim3A_6, %broadcast_in_dim3A_22, %broadcast_in_dim3A_38, %broadcast_in_dim3A_54, %broadcast_in_dim3A_70, %broadcast_in_dim3A_86, %broadcast_in_dim3A_102, %broadcast_in_dim3A_118 in 1 : vector<512x1xf32>, vector<512x1xf32>, vector<512x1xf32>, vector<512x1xf32>, vector<512x1xf32>, vector<512x1xf32>, vector<512x1xf32>, vector<512x1xf32> -> vector<512x8xf32>
    %mul3A = arith.constant 7.812500e-03 : f32
    %mul3A_122 = vector.broadcast %mul3A : f32 to vector<512x8xf32>
    %mul3A_123 = arith.mulf %concatenate3A_121, %mul3A_122 : vector<512x8xf32>
    %floor3A = math.floor %mul3A_123 : vector<512x8xf32>
    %mul3A_124 = arith.constant 1.280000e+02 : f32
    %mul3A_125 = vector.broadcast %mul3A_124 : f32 to vector<512x8xf32>
    %mul3A_126 = arith.mulf %floor3A, %mul3A_125 : vector<512x8xf32>
    %sub3A = arith.subf %concatenate3A_121, %mul3A_126 : vector<512x8xf32>
    %broadcast_in_dim3A_127 = arith.constant 0.000000e+00 : f32
    %broadcast_in_dim3A_128 = vector.broadcast %broadcast_in_dim3A_127 : f32 to vector<512x8xf32>
    %get3A_129 = arith.constant 0 : index
    %get3A_130 = arith.constant 0 : index
    %get3A_131 = vector.load %arg2[%get3A_129, %get3A_130] : memref<512x10xi32, #tpu.memory_space<vmem>>, vector<512x1xi32>
    %convert_element_type3A_132 = arith.sitofp %get3A_131 : vector<512x1xi32> to vector<512x1xf32>
    %eq3A_133 = arith.constant 0.000000e+00 : f32
    %eq3A_134 = vector.broadcast %eq3A_133 : f32 to vector<512x8xf32>
    %eq3A_135 = arith.cmpf oeq, %floor3A, %eq3A_134 : vector<512x8xf32>
    %broadcast_in_dim3A_136 = vector.shape_cast %convert_element_type3A_132 : vector<512x1xf32> to vector<512x1xf32>
    %broadcast_in_dim3A_137 = vector.broadcast %broadcast_in_dim3A_136 : vector<512x1xf32> to vector<512x8xf32>
    %select_n3A_138 = arith.select %eq3A_135, %broadcast_in_dim3A_137, %broadcast_in_dim3A_128 : vector<512x8xi1>, vector<512x8xf32>
    %get3A_139 = arith.constant 0 : index
    %get3A_140 = arith.constant 1 : index
    %get3A_141 = vector.load %arg2[%get3A_139, %get3A_140] : memref<512x10xi32, #tpu.memory_space<vmem>>, vector<512x1xi32>
    %convert_element_type3A_142 = arith.sitofp %get3A_141 : vector<512x1xi32> to vector<512x1xf32>
    %eq3A_143 = arith.constant 1.000000e+00 : f32
    %eq3A_144 = vector.broadcast %eq3A_143 : f32 to vector<512x8xf32>
    %eq3A_145 = arith.cmpf oeq, %floor3A, %eq3A_144 : vector<512x8xf32>
    %broadcast_in_dim3A_146 = vector.shape_cast %convert_element_type3A_142 : vector<512x1xf32> to vector<512x1xf32>
    %broadcast_in_dim3A_147 = vector.broadcast %broadcast_in_dim3A_146 : vector<512x1xf32> to vector<512x8xf32>
    %select_n3A_148 = arith.select %eq3A_145, %broadcast_in_dim3A_147, %select_n3A_138 : vector<512x8xi1>, vector<512x8xf32>
    %get3A_149 = arith.constant 0 : index
    %get3A_150 = arith.constant 2 : index
    %get3A_151 = vector.load %arg2[%get3A_149, %get3A_150] : memref<512x10xi32, #tpu.memory_space<vmem>>, vector<512x1xi32>
    %convert_element_type3A_152 = arith.sitofp %get3A_151 : vector<512x1xi32> to vector<512x1xf32>
    %eq3A_153 = arith.constant 2.000000e+00 : f32
    %eq3A_154 = vector.broadcast %eq3A_153 : f32 to vector<512x8xf32>
    %eq3A_155 = arith.cmpf oeq, %floor3A, %eq3A_154 : vector<512x8xf32>
    %broadcast_in_dim3A_156 = vector.shape_cast %convert_element_type3A_152 : vector<512x1xf32> to vector<512x1xf32>
    %broadcast_in_dim3A_157 = vector.broadcast %broadcast_in_dim3A_156 : vector<512x1xf32> to vector<512x8xf32>
    %select_n3A_158 = arith.select %eq3A_155, %broadcast_in_dim3A_157, %select_n3A_148 : vector<512x8xi1>, vector<512x8xf32>
    %get3A_159 = arith.constant 0 : index
    %get3A_160 = arith.constant 3 : index
    %get3A_161 = vector.load %arg2[%get3A_159, %get3A_160] : memref<512x10xi32, #tpu.memory_space<vmem>>, vector<512x1xi32>
    %convert_element_type3A_162 = arith.sitofp %get3A_161 : vector<512x1xi32> to vector<512x1xf32>
    %eq3A_163 = arith.constant 3.000000e+00 : f32
    %eq3A_164 = vector.broadcast %eq3A_163 : f32 to vector<512x8xf32>
    %eq3A_165 = arith.cmpf oeq, %floor3A, %eq3A_164 : vector<512x8xf32>
    %broadcast_in_dim3A_166 = vector.shape_cast %convert_element_type3A_162 : vector<512x1xf32> to vector<512x1xf32>
    %broadcast_in_dim3A_167 = vector.broadcast %broadcast_in_dim3A_166 : vector<512x1xf32> to vector<512x8xf32>
    %select_n3A_168 = arith.select %eq3A_165, %broadcast_in_dim3A_167, %select_n3A_158 : vector<512x8xi1>, vector<512x8xf32>
    %get3A_169 = arith.constant 0 : index
    %get3A_170 = arith.constant 4 : index
    %get3A_171 = vector.load %arg2[%get3A_169, %get3A_170] : memref<512x10xi32, #tpu.memory_space<vmem>>, vector<512x1xi32>
    %convert_element_type3A_172 = arith.sitofp %get3A_171 : vector<512x1xi32> to vector<512x1xf32>
    %eq3A_173 = arith.constant 4.000000e+00 : f32
    %eq3A_174 = vector.broadcast %eq3A_173 : f32 to vector<512x8xf32>
    %eq3A_175 = arith.cmpf oeq, %floor3A, %eq3A_174 : vector<512x8xf32>
    %broadcast_in_dim3A_176 = vector.shape_cast %convert_element_type3A_172 : vector<512x1xf32> to vector<512x1xf32>
    %broadcast_in_dim3A_177 = vector.broadcast %broadcast_in_dim3A_176 : vector<512x1xf32> to vector<512x8xf32>
    %select_n3A_178 = arith.select %eq3A_175, %broadcast_in_dim3A_177, %select_n3A_168 : vector<512x8xi1>, vector<512x8xf32>
    %get3A_179 = arith.constant 0 : index
    %get3A_180 = arith.constant 5 : index
    %get3A_181 = vector.load %arg2[%get3A_179, %get3A_180] : memref<512x10xi32, #tpu.memory_space<vmem>>, vector<512x1xi32>
    %convert_element_type3A_182 = arith.sitofp %get3A_181 : vector<512x1xi32> to vector<512x1xf32>
    %eq3A_183 = arith.constant 5.000000e+00 : f32
    %eq3A_184 = vector.broadcast %eq3A_183 : f32 to vector<512x8xf32>
    %eq3A_185 = arith.cmpf oeq, %floor3A, %eq3A_184 : vector<512x8xf32>
    %broadcast_in_dim3A_186 = vector.shape_cast %convert_element_type3A_182 : vector<512x1xf32> to vector<512x1xf32>
    %broadcast_in_dim3A_187 = vector.broadcast %broadcast_in_dim3A_186 : vector<512x1xf32> to vector<512x8xf32>
    %select_n3A_188 = arith.select %eq3A_185, %broadcast_in_dim3A_187, %select_n3A_178 : vector<512x8xi1>, vector<512x8xf32>
    %get3A_189 = arith.constant 0 : index
    %get3A_190 = arith.constant 6 : index
    %get3A_191 = vector.load %arg2[%get3A_189, %get3A_190] : memref<512x10xi32, #tpu.memory_space<vmem>>, vector<512x1xi32>
    %convert_element_type3A_192 = arith.sitofp %get3A_191 : vector<512x1xi32> to vector<512x1xf32>
    %eq3A_193 = arith.constant 6.000000e+00 : f32
    %eq3A_194 = vector.broadcast %eq3A_193 : f32 to vector<512x8xf32>
    %eq3A_195 = arith.cmpf oeq, %floor3A, %eq3A_194 : vector<512x8xf32>
    %broadcast_in_dim3A_196 = vector.shape_cast %convert_element_type3A_192 : vector<512x1xf32> to vector<512x1xf32>
    %broadcast_in_dim3A_197 = vector.broadcast %broadcast_in_dim3A_196 : vector<512x1xf32> to vector<512x8xf32>
    %select_n3A_198 = arith.select %eq3A_195, %broadcast_in_dim3A_197, %select_n3A_188 : vector<512x8xi1>, vector<512x8xf32>
    %get3A_199 = arith.constant 0 : index
    %get3A_200 = arith.constant 7 : index
    %get3A_201 = vector.load %arg2[%get3A_199, %get3A_200] : memref<512x10xi32, #tpu.memory_space<vmem>>, vector<512x1xi32>
    %convert_element_type3A_202 = arith.sitofp %get3A_201 : vector<512x1xi32> to vector<512x1xf32>
    %eq3A_203 = arith.constant 7.000000e+00 : f32
    %eq3A_204 = vector.broadcast %eq3A_203 : f32 to vector<512x8xf32>
    %eq3A_205 = arith.cmpf oeq, %floor3A, %eq3A_204 : vector<512x8xf32>
    %broadcast_in_dim3A_206 = vector.shape_cast %convert_element_type3A_202 : vector<512x1xf32> to vector<512x1xf32>
    %broadcast_in_dim3A_207 = vector.broadcast %broadcast_in_dim3A_206 : vector<512x1xf32> to vector<512x8xf32>
    %select_n3A_208 = arith.select %eq3A_205, %broadcast_in_dim3A_207, %select_n3A_198 : vector<512x8xi1>, vector<512x8xf32>
    %get3A_209 = arith.constant 0 : index
    %get3A_210 = arith.constant 8 : index
    %get3A_211 = vector.load %arg2[%get3A_209, %get3A_210] : memref<512x10xi32, #tpu.memory_space<vmem>>, vector<512x1xi32>
    %convert_element_type3A_212 = arith.sitofp %get3A_211 : vector<512x1xi32> to vector<512x1xf32>
    %eq3A_213 = arith.constant 8.000000e+00 : f32
    %eq3A_214 = vector.broadcast %eq3A_213 : f32 to vector<512x8xf32>
    %eq3A_215 = arith.cmpf oeq, %floor3A, %eq3A_214 : vector<512x8xf32>
    %broadcast_in_dim3A_216 = vector.shape_cast %convert_element_type3A_212 : vector<512x1xf32> to vector<512x1xf32>
    %broadcast_in_dim3A_217 = vector.broadcast %broadcast_in_dim3A_216 : vector<512x1xf32> to vector<512x8xf32>
    %select_n3A_218 = arith.select %eq3A_215, %broadcast_in_dim3A_217, %select_n3A_208 : vector<512x8xi1>, vector<512x8xf32>
    %get3A_219 = arith.constant 0 : index
    %get3A_220 = arith.constant 9 : index
    %get3A_221 = vector.load %arg2[%get3A_219, %get3A_220] : memref<512x10xi32, #tpu.memory_space<vmem>>, vector<512x1xi32>
    %convert_element_type3A_222 = arith.sitofp %get3A_221 : vector<512x1xi32> to vector<512x1xf32>
    %eq3A_223 = arith.constant 9.000000e+00 : f32
    %eq3A_224 = vector.broadcast %eq3A_223 : f32 to vector<512x8xf32>
    %eq3A_225 = arith.cmpf oeq, %floor3A, %eq3A_224 : vector<512x8xf32>
    %broadcast_in_dim3A_226 = vector.shape_cast %convert_element_type3A_222 : vector<512x1xf32> to vector<512x1xf32>
    %broadcast_in_dim3A_227 = vector.broadcast %broadcast_in_dim3A_226 : vector<512x1xf32> to vector<512x8xf32>
    %select_n3A_228 = arith.select %eq3A_225, %broadcast_in_dim3A_227, %select_n3A_218 : vector<512x8xi1>, vector<512x8xf32>
    %mul3A_229 = arith.constant 1.280000e+02 : f32
    %mul3A_230 = vector.broadcast %mul3A_229 : f32 to vector<512x8xf32>
    %mul3A_231 = arith.mulf %select_n3A_228, %mul3A_230 : vector<512x8xf32>
    %add3A = arith.addf %mul3A_231, %sub3A : vector<512x8xf32>
    %convert_element_type3A_232 = arith.fptosi %add3A : vector<512x8xf32> to vector<512x8xi32>
    %swap3A_233 = arith.constant 0 : index
    %swap3A_234 = arith.constant 0 : index
    %swap3A_235 = vector.load %arg3[%swap3A_233, %swap3A_234] : memref<512x8xi32, #tpu.memory_space<vmem>>, vector<512x8xi32>
    tpu.vector_store %arg3[%swap3A_233, %swap3A_234], %convert_element_type3A_232 {strides = array<i32>} : memref<512x8xi32, #tpu.memory_space<vmem>>, vector<512x8xi32>,
    return
  }
  func.func @transform_0(%arg0: i32) -> (i32, i32) {
    %c0_i32 = arith.constant 0 : i32
    %c0_i32_0 = arith.constant 0 : i32
    return %arg0, %c0_i32 : i32, i32
  }
  func.func @transform_1(%arg0: i32) -> (i32, i32) {
    %c0_i32 = arith.constant 0 : i32
    %c0_i32_0 = arith.constant 0 : i32
    return %arg0, %c0_i32 : i32, i32
  }
  func.func @transform_2(%arg0: i32) -> (i32, i32) {
    %c0_i32 = arith.constant 0 : i32
    %c0_i32_0 = arith.constant 0 : i32
    return %arg0, %c0_i32 : i32, i32
  }
  func.func @transform_3(%arg0: i32) -> (i32, i32) {
    %c0_i32 = arith.constant 0 : i32
    %c0_i32_0 = arith.constant 0 : i32
    return %arg0, %c0_i32 : i32, i32
  }
}

</mosaic_0001>

<sc_bundles>
// kernel: kernel.5.cloned.1.call-start
scs
__scs_entry_jumppad:
0x0: {  	(pc) =	sbr.rel $0x88, $3  }
0x1: {  	(tag) =	ssettag $0x0;
	lr =	simm.s32 $0x1  }
0x2: {  	[smem:$0x3F9D] =	sst lr;
	_ =	strace $0xD0000000  }
0x3: {  	_ = 	snop  }
0x4: {  	_ = 	snop  }
0x5: {  	_ = 	snop  }
0x6: {  	_ = 	snop  }
0x7: {  	_ = 	snop  }
__scs_overlays_trampoline_lowered:
0x8: {  	[smem:$0x3FAC] =	sst s0  }
0x9: {  	[smem:$0x3FAD] =	sst s1  }
0xa: {  	[smem:$0x3FAE] =	sst s2  }
0xb: {  	[smem:$0x3FAF] =	sst s3  }
0xc: {  	[smem:$0x3FB0] =	sst s4  }
0xd: {  	[smem:$0x3FB1] =	sst s5  }
0xe: {  	[smem:$0x3FB2] =	sst s6  }
0xf: {  	[smem:$0x3FB3] =	sst s7  }
0x10: {  	[smem:$0x3FB4] =	sst s8  }
0x11: {  	[smem:$0x3FB5] =	sst s9;
	s0 =	simm.s32 @!p0 $0x0  }
0x12: {  	s1 =	sld [smem:$0x3F9B];
	s0 =	simm.s32 @p0 $0x1  }
0x13: {  	[smem:$0x3FB6] =	sst s0;
	s0 =	simm.s32 @!p1 $0x0  }
0x14: {  	s2 =	sld [smem:$0x3F9A];
	s0 =	simm.s32 @p1 $0x1  }
0x15: {  	[smem:$0x3FB7] =	sst s0;
	s0 =	simm.s32 @!p2 $0x0  }
0x16: {  	s3 =	sld [smem:$0x3FDB];
	s0 =	simm.s32 @p2 $0x1  }
0x17: {  	s4 =	simm.s32 $0x1BF5;
	[smem:$0x3FB9] =	sst s0  }
0x18: {  	s0 =	sld [smem:$0x3F9C];
	_ =	swait.ge [sflag:s4], $0x0  }
0x19: {  	s7 =	sld [smem:$0x3F9D]  }
0x1a: {  	s8 =	sadd.s32 $0xFFFFE003, lr  }
0x1b: {  	s9 =	sadd.s32 $0xFFFFFEF7, lr;
	s5 =	simm.s32 $0xFFFFFFFF;
	p2 =	slt.u32 s8, $0xFFFFF086  }
0x1c: {  	p1 =	slt.u32 s9, $0xF7A;
	s5 =	simm.s32 @!p2 $0x0  }
0x1d: {  	s5 =	simm.s32 @p1 $0x1;
	p0 =	seq.s32 s7, s2  }
0x1e: {  	s7 =	smul.u32 @!p0 $0xF7A, s2;
	p2 =	seq.s32 @!p0 s5, $0x0  }
0x1f: {  	s9 =	smul.u32 $0xF7A, s1;
	s8 =	simm.s32 @!p0 $0x1BF5;
	p2 =	por !p2, p0  }
0x20: {  	[sflag:s8] =	ssyncset.s32 @!p0 $0xFFFFF086;
	s6 =	sadd.s32 @!p0 s3, s7;
	s7 =	simm.s32 @!p0 $0x108  }
0x21: {  	s3 =	sadd.s32 s3, s9;
	s6 =	sadd.s32 @!p0 $0x88, s6;
	s7 =	simm.s32 @p2 $0x1082  }
0x22: {  	[simem:s7], [sflag:s8] =	dma.local @!p0 [hbm:s6], $0xF7A  }
0x23: {  	s9 =	sor.u32 $0xD0000000, s2;
	s6 =	simm.s32 $0x108;
	_ =	swait.ge @!p0 [sflag:s8], $0x0  }
0x24: {  	s3 =	sadd.s32 $0x88, s3;
	s6 =	simm.s32 @!p1 $0x1082;
	[sflag:s4] =	ssyncset.s32 $0xFFFFF086  }
0x25: {  	[simem:s6], [sflag:s4] =	dma.local [hbm:s3], $0xF7A  }
0x26: {  	[smem:$0x3F9D] =	sst s1;
	(tag) =	ssettag s2;
	_ =	strace s9  }
0x27: {  	s1 =	sld [smem:$0x3FAD]  }
0x28: {  	s2 =	sld [smem:$0x3FAE]  }
0x29: {  	s4 =	sld [smem:$0x3FB0]  }
0x2a: {  	p0 =	seq.s32 s5, $0x0;
	s5 =	sld [smem:$0x3FB1]  }
0x2b: {  	s6 =	sld [smem:$0x3FB2]  }
0x2c: {  	s7 =	sld [smem:$0x3FB3]  }
0x2d: {  	s3 =	simm.s32 $0x108;
	s8 =	sld [smem:$0x3FB4]  }
0x2e: {  	s3 =	simm.s32 @!p0 $0x1082;
	s9 =	sld [smem:$0x3FB5]  }
0x2f: {  	lr =	sadd.s32 s0, s3;
	s0 =	sld [smem:$0x3FAC]  }
0x30: {  	s3 =	sld [smem:$0x3FAF]  }
0x31: {  	[smem:$0x3FB8] =	sst s10  }
0x32: {  	s10 =	sld [smem:$0x3FB6];
	_ =	sdelay $0x3  }
0x33: {  	p0 =	seq.s32 s10, $0x1;
	s10 =	sld [smem:$0x3FB8];
	_ =	sdelay $0x3  }
0x34: {  	[smem:$0x3FB8] =	sst s10  }
0x35: {  	s10 =	sld [smem:$0x3FB7];
	_ =	sdelay $0x3  }
0x36: {  	p1 =	seq.s32 s10, $0x1;
	s10 =	sld [smem:$0x3FB8];
	_ =	sdelay $0x3  }
0x37: {  	[smem:$0x3FB8] =	sst s10  }
0x38: {  	s10 =	sld [smem:$0x3FB9]  }
0x39: {  	_ = 	snop;
	(pc) =	sbr.ind lr, $3  }
0x3a: {  	_ = 	snop  }
0x3b: {  	_ = 	snop  }
0x3c: {  	p2 =	seq.s32 s10, $0x1;
	s10 =	sld [smem:$0x3FB8]  }
0x3d: {  	_ =	shalt  }
0x3e: {  	_ =	shalt  }
0x3f: {  	_ =	shalt  }
0x40: {  	_ =	shalt  }
0x41: {  	_ =	shalt  }
0x42: {  	_ =	shalt  }
0x43: {  	_ =	shalt  }
0x44: {  	_ =	shalt  }
0x45: {  	_ =	shalt  }
0x46: {  	_ =	shalt  }
0x47: {  	_ =	shalt  }
0x48: {  	_ =	shalt  }
0x49: {  	_ =	shalt  }
0x4a: {  	_ =	shalt  }
0x4b: {  	_ =	shalt  }
0x4c: {  	_ =	shalt  }
0x4d: {  	_ =	shalt  }
0x4e: {  	_ =	shalt  }
0x4f: {  	_ =	shalt  }
0x50: {  	_ =	shalt  }
0x51: {  	_ =	shalt  }
0x52: {  	_ =	shalt  }
0x53: {  	_ =	shalt  }
0x54: {  	_ =	shalt  }
0x55: {  	_ =	shalt  }
0x56: {  	_ =	shalt  }
0x57: {  	_ =	shalt  }
0x58: {  	_ =	shalt  }
0x59: {  	_ =	shalt  }
0x5a: {  	_ =	shalt  }
0x5b: {  	_ =	shalt  }
0x5c: {  	_ =	shalt  }
0x5d: {  	_ =	shalt  }
0x5e: {  	_ =	shalt  }
0x5f: {  	_ =	shalt  }
0x60: {  	_ =	shalt  }
0x61: {  	_ =	shalt  }
0x62: {  	_ =	shalt  }
0x63: {  	_ =	shalt  }
0x64: {  	_ =	shalt  }
0x65: {  	_ =	shalt  }
0x66: {  	_ =	shalt  }
0x67: {  	_ =	shalt  }
0x68: {  	_ =	shalt  }
0x69: {  	_ =	shalt  }
0x6a: {  	_ =	shalt  }
0x6b: {  	_ =	shalt  }
0x6c: {  	_ =	shalt  }
0x6d: {  	_ =	shalt  }
0x6e: {  	_ =	shalt  }
0x6f: {  	_ =	shalt  }
0x70: {  	_ =	shalt  }
0x71: {  	_ =	shalt  }
0x72: {  	_ =	shalt  }
0x73: {  	_ =	shalt  }
0x74: {  	_ =	shalt  }
0x75: {  	_ =	shalt  }
0x76: {  	_ =	shalt  }
0x77: {  	_ =	shalt  }
0x78: {  	_ =	shalt  }
0x79: {  	_ =	shalt  }
0x7a: {  	_ =	shalt  }
0x7b: {  	_ =	shalt  }
0x7c: {  	_ =	shalt  }
0x7d: {  	_ =	shalt  }
0x7e: {  	_ =	shalt  }
0x7f: {  	_ =	shalt  }
0x80: {  	_ =	shalt  }
0x81: {  	_ =	shalt  }
0x82: {  	_ =	shalt  }
0x83: {  	_ =	shalt  }
0x84: {  	_ =	shalt  }
0x85: {  	_ =	shalt  }
0x86: {  	_ =	shalt  }
0x87: {  	_ =	shalt  }
.Lfunc_end0:
.L_simem_size_0:
called_computation_lowered:
.L_overlay_start_0:
0x88: {  	s2 =	sld [smem:$0x3FD9]  }
0x89: {  	s3 =	sld [smem:$0x3FFE];
	_ =	sdelay $0x1  }
0x8a: {  	s1 =	srdreg.scid  }
0x8b: {  	s0 =	sand.u32 $0x1, s1  }
0x8c: {  	s16 =	sshll.u32 s0, $0xA;
	s2 =	sadd.s32 s3, s2  }
0x8d: {  	s2 =	sadd.s32 s2, s16  }
0x8e: {  	[smem:$0x3FC4] =	sst s2  }
0x8f: {  	_ = 	snop  }
0x90: {  	(tm) =	ssettm $0x1  }
0x91: {  	s17 =	sld [smem:$0x3FFB];
	_ =	sdelay $0x3  }
0x92: {  	_ =	strace s17  }
0x93: {  	s2 =	sld [smem:$0x3FFC];
	_ =	sdelay $0x3  }
0x94: {  	_ =	strace s2  }
0x95: {  	s2 =	sld [smem:$0x3FFD];
	_ =	sdelay $0x3  }
0x96: {  	_ =	strace s2  }
0x97: {  	_ =	strace $0x8FFFFFFF  }
0x98: {  	s18 =	sld [smem:$0x3FDB];
	_ =	sdelay $0x1  }
0x99: {  	s19 =	simm.s32 $_scs_section_size  }
0x9a: {  	s4 =	simm.s32 $_size__tile_overlayer_lowered;
	s5 =	simm.s32 $_tile_overlayer_lowered  }
0x9b: {  	s22 =	simm.s32 $0x1BFF;
	s21 =	sshll.u32 s5, $0x1;
	s2 =	sadd.s32 s19, s18  }
0x9c: {  	s6 =	simm.s32 $0x0;
	s20 =	sshll.u32 s4, $0x1;
	s4 =	sadd.s32 s21, s2  }
0x9d: {  	[timem:s6], [sflag:s22] =	dma.local [hbm:s4], s20  }
0x9e: {  	_ =	swait.ge [sflag:s22], s20  }
0x9f: {  	s3 =	ssub.s32 $0x0, s20;
	[sflag:s22] =	ssyncset.done $0x0  }
0xa0: {  	[sflag:s22] =	ssyncadd.s32 s3;
	_ =	sdelay $0x1  }
0xa1: {  	s23 =	simm.s32 $0x1B8B  }
0xa2: {  	_ =	swait.ge [sflag:s23], $0x1  }
0xa3: {  	[sflag:s23] =	ssyncset.done $0x0  }
0xa4: {  	s25 =	simm.s32 $0x1B8E;
	s24 =	sld [smem:$0x3FFE];
	[sflag:s23] =	ssyncadd.s32 $0xFFFFFFFF  }
0xa5: {  	s26 =	simm.s32 $execute0_lowered;
	[smem:$0x3FD2] =	sst s25  }
0xa6: {  	s4 =	sshll.u32 s26, $0x1;
	_ =	strace $0x80000046;
	[dreg:$0x1] =	wrdreg $0xFFFFFFFF  }
0xa7: {  	s28 =	simm.s32 $_size_execute0_lowered;
	s2 =	sadd.s32 s2, s4;
	[dreg:$0x0] =	wrdreg $0x0  }
0xa8: {  	s4 =	sshll.u32 s28, $0x1;
	[dreg:$0x2] =	wrdreg s2  }
0xa9: {  	[dreg:$0x3] =	wrdreg s4  }
0xaa: {  	[dreg:$0x4] =	wrdreg $0xC0  }
0xab: {  	_ =	task [dreg:s6], $0x5FFFF  }
0xac: {  	[dreg:$0x1] =	wrdreg $0xFFFFFFFF  }
0xad: {  	[dreg:$0x0] =	wrdreg $0x60  }
0xae: {  	[dreg:$0x2] =	wrdreg s24  }
0xaf: {  	[dreg:$0x3] =	wrdreg $0x9  }
0xb0: {  	_ =	task.clear_ibuf [dreg:s6], $0x4FFFF;
	_ =	strace $0x90000046  }
0xb1: {  	s29 =	simm.s32 $0x9;
	_ =	strace $0x80000048  }
0xb2: {  	_ =	swait.ge [sflag:s29], $0x1  }
0xb3: {  	[sflag:s29] =	ssyncadd.s32 $0xFFFFFFFF  }
0xb4: {  	_ =	strace $0x90000048  }
0xb5: {  	_ =	sfence  }
0xb6: {  	s30 =	sld [smem:$0x0];
	_ =	sdelay $0x2  }
0xb7: {  	s31 =	sshll.u32 s1, $0xD;
	s1 =	sshrl.u32 s1, $0x2  }
0xb8: {  	s3 =	sand.u32 $0x4000, s31;
	s1 =	sadd.s32 s1, s30  }
0xb9: {  	s0 =	sor.u32 s3, s0;
	s1 =	sshll.u32 s1, $0x11  }
0xba: {  	s0 =	sor.u32 s1, s0  }
0xbb: {  	s0 =	sadd.s32 $0x8F2B, s0  }
0xbc: {  	[sflag:s0] =	ssyncadd.remote.s32 $0x1  }
0xbd: {  	_ =	sfence.sel $0xFFFF  }
0xbe: {  	[dreg:$0x0] =	wrdreg $0xFFFFFFFF;
	(pc) =	sbr.abs _section_cstart, $3  }
0xbf: {  	[dreg:$0x1] =	wrdreg $0xFFFFFFFF  }
0xc0: {  	_ =	task.clear_ibuf [dreg:s6], $0x2FFFF;
	_ =	strace $0x9FFFFFFF  }
0xc1: {  	(tm) =	ssettm $0x7FFFFFFF  }
tec
execute0_lowered:
.L_overlay_start_1:
0x0: {  	(tag) =	ssettag $0x1  }
0x1: {  	s0 =	srdreg.scid;
	s23 =	stileid.u32  }
0x2: {  	s0 =	sand.u32 $0x1, s0;
	s1 =	sshll.u32 s23, $0x1  }
0x3: {  	s3 =	rddreg [dreg:$0x0];
	s2 =	simm.s32 $0x0;
	s1 =	sor.u32 s0, s1  }
0x4: {  	[smem:$0x7FF] =	sst s2;
	s6 =	sadd.s32 $0x824400, s3;
	s4 =	smul.u32 $0x180, s1  }
0x5: {  	s25 =	simm.s32 $0x100;
	_ =	strace $0x80000047;
	s5 =	smul.u32 $0xA000, s1  }
0x6: {  	[dreg:$0x16] =	wrdreg s25;
	s25 =	simm.s32 $0x600;
	s4 =	sadd.s32 s4, s3  }
0x7: {  	[smem:$0x7FC] =	sst s25;
	s29 =	sadd.s32 s6, s5;
	s4 =	sadd.s32 $0x821400, s4  }
0x8: {  	s1 =	smul.u32 $0x50000, s1;
	s26 =	sadd.s32 $0x800, s29;
	[dreg:$0x2] =	wrdreg s4  }
0x9: {  	s5 =	sadd.s32 $0x1000, s29;
	[dreg:$0x3] =	wrdreg s26  }
0xa: {  	s1 =	sshrl.u32 s1, $0x3;
	s7 =	sadd.s32 $0x1800, s29;
	[dreg:$0x4] =	wrdreg s5  }
0xb: {  	s1 =	sadd.s32 s6, s1;
	s6 =	simm.s32 $0x280;
	[dreg:$0x5] =	wrdreg s7  }
0xc: {  	s8 =	sadd.s32 $0x2000, s1;
	[dreg:$0x19] =	wrdreg s6  }
0xd: {  	s31 =	simm.s32 $0xD;
	s9 =	sadd.s32 $0x2800, s1;
	[dreg:$0x6] =	wrdreg s8  }
0xe: {  	p0 =	por $0x0, $0x0;
	s10 =	sadd.s32 $0x3000, s1;
	[dreg:$0x7] =	wrdreg s9  }
0xf: {  	s30 =	simm.s32 $0x780;
	s11 =	sadd.s32 $0x3800, s1;
	[dreg:$0x8] =	wrdreg s10  }
0x10: {  	s28 =	simm.s32 $0x800;
	s12 =	sadd.s32 $0x4000, s1;
	[dreg:$0x9] =	wrdreg s11  }
0x11: {  	s0 =	ssub.s32 $0x2, s0;
	s13 =	sadd.s32 $0x4800, s1;
	[dreg:$0xa] =	wrdreg s12  }
0x12: {  	s22 =	sshrl.u32 s0, $0x1;
	s14 =	sadd.s32 $0x5000, s1;
	[dreg:$0xb] =	wrdreg s13  }
0x13: {  	s25 =	simm.s32 $0x900;
	s15 =	sadd.s32 $0x5800, s1;
	[dreg:$0xc] =	wrdreg s14  }
0x14: {  	s0 =	ssub.s32 s0, s22;
	s16 =	sadd.s32 $0x6000, s1;
	[dreg:$0xd] =	wrdreg s15  }
0x15: {  	s22 =	simm.s32 $0x3;
	s17 =	sadd.s32 $0x6800, s1;
	[dreg:$0xe] =	wrdreg s16  }
0x16: {  	s0 =	smax.u32 s0, $0x1;
	s18 =	sadd.s32 $0x7000, s1;
	[dreg:$0xf] =	wrdreg s17  }
0x17: {  	p1 =	sne.s32 s0, $0x1;
	s19 =	sadd.s32 $0x7800, s1;
	[dreg:$0x10] =	wrdreg s18  }
0x18: {  	s20 =	sadd.s32 $0x8000, s1;
	s21 =	sadd.s32 $0x8800, s1;
	[dreg:$0x11] =	wrdreg s19  }
0x19: {  	s24 =	sadd.s32 $0x9000, s1;
	s1 =	sadd.s32 $0x9800, s1;
	[dreg:$0x12] =	wrdreg s20  }
0x1a: {  	s4 =	simm.s32 $0xC00;
	s26 =	simm.s32 $0x180;
	[dreg:$0x13] =	wrdreg s21  }
0x1b: {  	s5 =	simm.s32 $0x200;
	s7 =	simm.s32 $0x300;
	[dreg:$0x14] =	wrdreg s24  }
0x1c: {  	s6 =	simm.s32 $0x8;
	s11 =	sadd.s32 $0x1400, s3;
	[dreg:$0x15] =	wrdreg s1  }
0x1d: {  	s14 =	simm.s32 $0x80;
	s3 =	simm.s32 $0x4C00;
	[dreg:$0x17] =	wrdreg s26  }
0x1e: {  	s18 =	simm.s32 $0x8C00;
	s17 =	simm.s32 $0xCC00;
	[dreg:$0x18] =	wrdreg s5  }
0x1f: {  	s16 =	simm.s32 $0x10C00;
	s8 =	simm.s32 $0x1;
	s15 =	simm.s32 $0x14C00  }
0x20: {  	s9 =	simm.s32 $0x2;
	s5 =	simm.s32 $0x7;
	[dreg:$0x1a] =	wrdreg s7  }
0x21: {  	s10 =	simm.s32 $0x380;
	s1 =	sadd.s32 $0xFFFFFFFF, s0;
	s0 =	rddreg [dreg:$0x2]  }
0x22: {  	s19 =	simm.s32 $0x4;
	s12 =	simm.s32 $0x400;
	[dreg:$0x1b] =	wrdreg s10  }
0x23: {  	s7 =	simm.s32 $0x9;
	s13 =	simm.s32 $0x480;
	[dreg:$0x1c] =	wrdreg s12  }
.Ltmp0:
0x24: {  	s21 =	simm.s32 $0x500;
	[dreg:$0x1d] =	wrdreg s13;
	(pc) =	sbr.rel @!p1 .LBB2_1-.Ltmp0, $4  }
0x25: {  	s20 =	simm.s32 $0x5;
	s24 =	simm.s32 $0x580;
	[dreg:$0x1e] =	wrdreg s21  }
0x26: {  	s26 =	simm.s32 $0x680;
	s10 =	simm.s32 $0xA;
	[dreg:$0x1f] =	wrdreg s24  }
0x27: {  	s21 =	simm.s32 $0x6;
	s12 =	simm.s32 $0xB;
	[smem:$0x7FD] =	sst s26  }
0x28: {  	s13 =	simm.s32 $0xC;
	s26 =	simm.s32 $0x880;
	s24 =	simm.s32 $0x980  }
0x29: {  	[tilespmem:s2], [sflag:$0xD] =	stream.linear.gather [hbm4b:s0+s2], $0xA00, $0x38;
	[tilespmem:$0x18C00] =	vst v63  }
0x2a: {  	_ =	swait.ge [sflag:s31], $0xA00  }
0x2b: {  	[sflag:s31] =	ssyncset.done $0x0  }
0x2c: {  	[sflag:s31] =	ssyncadd.s32 $0xFFFFF600  }
0x2d: {  	[tilespmem:s4], [sflag:$0x1] =	stream.indirect.gather [hbm4b:s11+s14], $0x80, s2, s14, $0xb8;
	[tilespmem:$0x18C00] =	vst v63  }
0x2e: {  	_ = 	snop  }
0x2f: {  	[tilespmem:s3], [sflag:$0x2] =	stream.indirect.gather [hbm4b:s11+s14], $0x80, s14, s14, $0xb8;
	[tilespmem:$0x18C00] =	vst v63  }
0x30: {  	s0 =	rddreg [dreg:$0x16]  }
0x31: {  	[tilespmem:s18], [sflag:$0x3] =	stream.indirect.gather [hbm4b:s11+s14], $0x80, s0, s14, $0xb8;
	[tilespmem:$0x18C00] =	vst v63  }
0x32: {  	s23 =	smov.u32 s1;
	s1 =	rddreg [dreg:$0x17]  }
0x33: {  	[tilespmem:s17], [sflag:$0x4] =	stream.indirect.gather [hbm4b:s11+s14], $0x80, s1, s14, $0xb8;
	[tilespmem:$0x18C00] =	vst v63  }
0x34: {  	s0 =	rddreg [dreg:$0x18]  }
0x35: {  	[tilespmem:s16], [sflag:$0x5] =	stream.indirect.gather [hbm4b:s11+s14], $0x80, s0, s14, $0xb8;
	[tilespmem:$0x18C00] =	vst v63  }
0x36: {  	_ =	swait.ge [sflag:s8], $0x4000  }
0x37: {  	[sflag:s8] =	ssyncset.done $0x0  }
0x38: {  	[sflag:s8] =	ssyncadd.s32 $0xFFFFC000  }
0x39: {  	[hbm4b:s29+s2] =	stream.linear.scatter [tilespmem:s4], [sflag:$0x7], $0x4000, $0x38;
	[tilespmem:$0x18C00] =	vst v63  }
0x3a: {  	s1 =	rddreg [dreg:$0x19]  }
0x3b: {  	[tilespmem:s15], [sflag:$0x6] =	stream.indirect.gather [hbm4b:s11+s14], $0x80, s1, s14, $0xb8;
	[tilespmem:$0x18C00] =	vst v63  }
0x3c: {  	_ =	swait.ge [sflag:s9], $0x4000  }
0x3d: {  	[sflag:s9] =	ssyncset.done $0x0  }
0x3e: {  	s1 =	rddreg [dreg:$0x3];
	[sflag:s9] =	ssyncadd.s32 $0xFFFFC000  }
0x3f: {  	[hbm4b:s1+s2] =	stream.linear.scatter [tilespmem:s3], [sflag:$0x8], $0x4000, $0x38;
	[tilespmem:$0x18C00] =	vst v63  }
0x40: {  	_ =	swait.ge [sflag:s5], $0x4000  }
0x41: {  	[sflag:s5] =	ssyncset.done $0x0  }
0x42: {  	s1 =	rddreg [dreg:$0x1a];
	[sflag:s5] =	ssyncadd.s32 $0xFFFFC000  }
0x43: {  	[tilespmem:s4], [sflag:$0x1] =	stream.indirect.gather [hbm4b:s11+s14], $0x80, s1, s14, $0xb8;
	[tilespmem:$0x18C00] =	vst v63  }
0x44: {  	_ =	swait.ge [sflag:s22], $0x4000  }
0x45: {  	[sflag:s22] =	ssyncset.done $0x0  }
0x46: {  	s1 =	rddreg [dreg:$0x4];
	[sflag:s22] =	ssyncadd.s32 $0xFFFFC000  }
0x47: {  	[hbm4b:s1+s2] =	stream.linear.scatter [tilespmem:s18], [sflag:$0x9], $0x4000, $0x38;
	[tilespmem:$0x18C00] =	vst v63  }
0x48: {  	_ =	swait.ge [sflag:s6], $0x4000  }
0x49: {  	[sflag:s6] =	ssyncset.done $0x0  }
0x4a: {  	s1 =	rddreg [dreg:$0x1b];
	[sflag:s6] =	ssyncadd.s32 $0xFFFFC000  }
0x4b: {  	[tilespmem:s3], [sflag:$0x2] =	stream.indirect.gather [hbm4b:s11+s14], $0x80, s1, s14, $0xb8;
	[tilespmem:$0x18C00] =	vst v63  }
0x4c: {  	_ =	swait.ge [sflag:s19], $0x4000  }
0x4d: {  	[sflag:s19] =	ssyncset.done $0x0  }
0x4e: {  	s1 =	rddreg [dreg:$0x5];
	[sflag:s19] =	ssyncadd.s32 $0xFFFFC000  }
0x4f: {  	[hbm4b:s1+s2] =	stream.linear.scatter [tilespmem:s17], [sflag:$0xA], $0x4000, $0x38;
	[tilespmem:$0x18C00] =	vst v63  }
0x50: {  	_ =	swait.ge [sflag:s7], $0x4000  }
0x51: {  	[sflag:s7] =	ssyncset.done $0x0  }
0x52: {  	s1 =	rddreg [dreg:$0x1c];
	[sflag:s7] =	ssyncadd.s32 $0xFFFFC000  }
0x53: {  	[tilespmem:s18], [sflag:$0x3] =	stream.indirect.gather [hbm4b:s11+s14], $0x80, s1, s14, $0xb8;
	[tilespmem:$0x18C00] =	vst v63  }
0x54: {  	_ =	swait.ge [sflag:s20], $0x4000  }
0x55: {  	[sflag:s20] =	ssyncset.done $0x0  }
0x56: {  	s1 =	rddreg [dreg:$0x6];
	[sflag:s20] =	ssyncadd.s32 $0xFFFFC000  }
0x57: {  	[hbm4b:s1+s2] =	stream.linear.scatter [tilespmem:s16], [sflag:$0xB], $0x4000, $0x38;
	[tilespmem:$0x18C00] =	vst v63  }
0x58: {  	_ =	swait.ge [sflag:s10], $0x4000  }
0x59: {  	[sflag:s10] =	ssyncset.done $0x0  }
0x5a: {  	s1 =	rddreg [dreg:$0x1d];
	[sflag:s10] =	ssyncadd.s32 $0xFFFFC000  }
0x5b: {  	[tilespmem:s17], [sflag:$0x4] =	stream.indirect.gather [hbm4b:s11+s14], $0x80, s1, s14, $0xb8;
	[tilespmem:$0x18C00] =	vst v63  }
0x5c: {  	_ =	swait.ge [sflag:s21], $0x4000  }
0x5d: {  	[sflag:s21] =	ssyncset.done $0x0  }
0x5e: {  	s1 =	rddreg [dreg:$0x7];
	[sflag:s21] =	ssyncadd.s32 $0xFFFFC000  }
0x5f: {  	[hbm4b:s1+s2] =	stream.linear.scatter [tilespmem:s15], [sflag:$0xC], $0x4000, $0x38;
	[tilespmem:$0x18C00] =	vst v63  }
0x60: {  	_ =	swait.ge [sflag:s12], $0x4000  }
0x61: {  	[sflag:s12] =	ssyncset.done $0x0  }
0x62: {  	s1 =	rddreg [dreg:$0x1e];
	[sflag:s12] =	ssyncadd.s32 $0xFFFFC000  }
0x63: {  	[tilespmem:s16], [sflag:$0x5] =	stream.indirect.gather [hbm4b:s11+s14], $0x80, s1, s14, $0xb8;
	[tilespmem:$0x18C00] =	vst v63  }
0x64: {  	_ =	swait.ge [sflag:s8], $0x4000  }
0x65: {  	[sflag:s8] =	ssyncset.done $0x0  }
0x66: {  	s1 =	rddreg [dreg:$0x8];
	[sflag:s8] =	ssyncadd.s32 $0xFFFFC000  }
0x67: {  	[hbm4b:s1+s2] =	stream.linear.scatter [tilespmem:s4], [sflag:$0x7], $0x4000, $0x38;
	[tilespmem:$0x18C00] =	vst v63  }
0x68: {  	_ =	swait.ge [sflag:s13], $0x4000  }
0x69: {  	[sflag:s13] =	ssyncset.done $0x0  }
0x6a: {  	s1 =	rddreg [dreg:$0x1f];
	[sflag:s13] =	ssyncadd.s32 $0xFFFFC000  }
0x6b: {  	[tilespmem:s15], [sflag:$0x6] =	stream.indirect.gather [hbm4b:s11+s14], $0x80, s1, s14, $0xb8;
	[tilespmem:$0x18C00] =	vst v63  }
0x6c: {  	_ =	swait.ge [sflag:s9], $0x4000  }
0x6d: {  	[sflag:s9] =	ssyncset.done $0x0  }
0x6e: {  	s1 =	rddreg [dreg:$0x9];
	[sflag:s9] =	ssyncadd.s32 $0xFFFFC000  }
0x6f: {  	[hbm4b:s1+s2] =	stream.linear.scatter [tilespmem:s3], [sflag:$0x8], $0x4000, $0x38;
	[tilespmem:$0x18C00] =	vst v63  }
0x70: {  	_ =	swait.ge [sflag:s5], $0x4000  }
0x71: {  	s1 =	sld [smem:$0x7FC]  }
0x72: {  	[sflag:s5] =	ssyncset.done $0x0  }
0x73: {  	[sflag:s5] =	ssyncadd.s32 $0xFFFFC000  }
0x74: {  	[tilespmem:s4], [sflag:$0x1] =	stream.indirect.gather [hbm4b:s11+s14], $0x80, s1, s14, $0xb8;
	[tilespmem:$0x18C00] =	vst v63  }
0x75: {  	_ =	swait.ge [sflag:s22], $0x4000  }
0x76: {  	[sflag:s22] =	ssyncset.done $0x0  }
0x77: {  	s1 =	rddreg [dreg:$0xa];
	[sflag:s22] =	ssyncadd.s32 $0xFFFFC000  }
0x78: {  	[hbm4b:s1+s2] =	stream.linear.scatter [tilespmem:s18], [sflag:$0x9], $0x4000, $0x38;
	[tilespmem:$0x18C00] =	vst v63  }
0x79: {  	_ =	swait.ge [sflag:s6], $0x4000  }
0x7a: {  	s1 =	sld [smem:$0x7FD]  }
0x7b: {  	[sflag:s6] =	ssyncset.done $0x0  }
0x7c: {  	[sflag:s6] =	ssyncadd.s32 $0xFFFFC000  }
0x7d: {  	[tilespmem:s3], [sflag:$0x2] =	stream.indirect.gather [hbm4b:s11+s14], $0x80, s1, s14, $0xb8;
	[tilespmem:$0x18C00] =	vst v63  }
0x7e: {  	_ =	swait.ge [sflag:s19], $0x4000  }
0x7f: {  	[sflag:s19] =	ssyncset.done $0x0  }
0x80: {  	s1 =	rddreg [dreg:$0xb];
	[sflag:s19] =	ssyncadd.s32 $0xFFFFC000  }
0x81: {  	[hbm4b:s1+s2] =	stream.linear.scatter [tilespmem:s17], [sflag:$0xA], $0x4000, $0x38;
	[tilespmem:$0x18C00] =	vst v63  }
0x82: {  	_ =	swait.ge [sflag:s7], $0x4000  }
0x83: {  	[sflag:s7] =	ssyncset.done $0x0  }
0x84: {  	s1 =	simm.s32 $0x700;
	[sflag:s7] =	ssyncadd.s32 $0xFFFFC000  }
0x85: {  	[tilespmem:s18], [sflag:$0x3] =	stream.indirect.gather [hbm4b:s11+s14], $0x80, s1, s14, $0xb8;
	[tilespmem:$0x18C00] =	vst v63  }
0x86: {  	_ =	swait.ge [sflag:s20], $0x4000  }
0x87: {  	[sflag:s20] =	ssyncset.done $0x0  }
0x88: {  	s1 =	rddreg [dreg:$0xc];
	[sflag:s20] =	ssyncadd.s32 $0xFFFFC000  }
0x89: {  	[hbm4b:s1+s2] =	stream.linear.scatter [tilespmem:s16], [sflag:$0xB], $0x4000, $0x38;
	[tilespmem:$0x18C00] =	vst v63  }
0x8a: {  	_ =	swait.ge [sflag:s10], $0x4000  }
0x8b: {  	[sflag:s10] =	ssyncset.done $0x0  }
0x8c: {  	[sflag:s10] =	ssyncadd.s32 $0xFFFFC000  }
0x8d: {  	[tilespmem:s17], [sflag:$0x4] =	stream.indirect.gather [hbm4b:s11+s14], $0x80, s30, s14, $0xb8;
	[tilespmem:$0x18C00] =	vst v63  }
0x8e: {  	_ =	swait.ge [sflag:s21], $0x4000  }
0x8f: {  	[sflag:s21] =	ssyncset.done $0x0  }
0x90: {  	s1 =	rddreg [dreg:$0xd];
	[sflag:s21] =	ssyncadd.s32 $0xFFFFC000  }
0x91: {  	[hbm4b:s1+s2] =	stream.linear.scatter [tilespmem:s15], [sflag:$0xC], $0x4000, $0x38;
	[tilespmem:$0x18C00] =	vst v63  }
0x92: {  	_ =	swait.ge [sflag:s12], $0x4000  }
0x93: {  	[sflag:s12] =	ssyncset.done $0x0  }
0x94: {  	[sflag:s12] =	ssyncadd.s32 $0xFFFFC000  }
0x95: {  	[tilespmem:s16], [sflag:$0x5] =	stream.indirect.gather [hbm4b:s11+s14], $0x80, s28, s14, $0xb8;
	[tilespmem:$0x18C00] =	vst v63  }
0x96: {  	_ =	swait.ge [sflag:s8], $0x4000  }
0x97: {  	[sflag:s8] =	ssyncset.done $0x0  }
0x98: {  	s1 =	rddreg [dreg:$0xe];
	[sflag:s8] =	ssyncadd.s32 $0xFFFFC000  }
0x99: {  	[hbm4b:s1+s2] =	stream.linear.scatter [tilespmem:s4], [sflag:$0x7], $0x4000, $0x38;
	[tilespmem:$0x18C00] =	vst v63  }
0x9a: {  	_ =	swait.ge [sflag:s13], $0x4000  }
0x9b: {  	[sflag:s13] =	ssyncset.done $0x0  }
0x9c: {  	[sflag:s13] =	ssyncadd.s32 $0xFFFFC000  }
0x9d: {  	[tilespmem:s15], [sflag:$0x6] =	stream.indirect.gather [hbm4b:s11+s14], $0x80, s26, s14, $0xb8;
	[tilespmem:$0x18C00] =	vst v63  }
0x9e: {  	_ =	swait.ge [sflag:s9], $0x4000  }
0x9f: {  	[sflag:s9] =	ssyncset.done $0x0  }
0xa0: {  	s1 =	rddreg [dreg:$0xf];
	[sflag:s9] =	ssyncadd.s32 $0xFFFFC000  }
0xa1: {  	[hbm4b:s1+s2] =	stream.linear.scatter [tilespmem:s3], [sflag:$0x8], $0x4000, $0x38;
	[tilespmem:$0x18C00] =	vst v63  }
0xa2: {  	_ =	swait.ge [sflag:s5], $0x4000  }
0xa3: {  	[sflag:s5] =	ssyncset.done $0x0  }
0xa4: {  	[sflag:s5] =	ssyncadd.s32 $0xFFFFC000  }
0xa5: {  	[tilespmem:s4], [sflag:$0x1] =	stream.indirect.gather [hbm4b:s11+s14], $0x80, s25, s14, $0xb8;
	[tilespmem:$0x18C00] =	vst v63  }
0xa6: {  	_ =	swait.ge [sflag:s22], $0x4000  }
0xa7: {  	[sflag:s22] =	ssyncset.done $0x0  }
0xa8: {  	s1 =	rddreg [dreg:$0x10];
	[sflag:s22] =	ssyncadd.s32 $0xFFFFC000  }
0xa9: {  	[hbm4b:s1+s2] =	stream.linear.scatter [tilespmem:s18], [sflag:$0x9], $0x4000, $0x38;
	[tilespmem:$0x18C00] =	vst v63  }
0xaa: {  	_ =	swait.ge [sflag:s6], $0x4000  }
0xab: {  	[sflag:s6] =	ssyncset.done $0x0  }
0xac: {  	[sflag:s6] =	ssyncadd.s32 $0xFFFFC000  }
0xad: {  	[tilespmem:s3], [sflag:$0x2] =	stream.indirect.gather [hbm4b:s11+s14], $0x80, s24, s14, $0xb8;
	[tilespmem:$0x18C00] =	vst v63  }
0xae: {  	_ =	swait.ge [sflag:s19], $0x4000  }
0xaf: {  	[sflag:s19] =	ssyncset.done $0x0  }
0xb0: {  	s1 =	rddreg [dreg:$0x11];
	[sflag:s19] =	ssyncadd.s32 $0xFFFFC000  }
0xb1: {  	[hbm4b:s1+s2] =	stream.linear.scatter [tilespmem:s17], [sflag:$0xA], $0x4000, $0x38;
	[tilespmem:$0x18C00] =	vst v63  }
0xb2: {  	_ =	swait.ge [sflag:s20], $0x4000  }
0xb3: {  	[sflag:s20] =	ssyncset.done $0x0  }
0xb4: {  	s1 =	rddreg [dreg:$0x12];
	[sflag:s20] =	ssyncadd.s32 $0xFFFFC000  }
0xb5: {  	[hbm4b:s1+s2] =	stream.linear.scatter [tilespmem:s16], [sflag:$0xB], $0x4000, $0x38;
	[tilespmem:$0x18C00] =	vst v63  }
0xb6: {  	_ =	swait.ge [sflag:s21], $0x4000  }
0xb7: {  	[sflag:s21] =	ssyncset.done $0x0  }
0xb8: {  	s1 =	rddreg [dreg:$0x13];
	[sflag:s21] =	ssyncadd.s32 $0xFFFFC000  }
0xb9: {  	[hbm4b:s1+s2] =	stream.linear.scatter [tilespmem:s15], [sflag:$0xC], $0x4000, $0x38;
	[tilespmem:$0x18C00] =	vst v63  }
0xba: {  	_ =	swait.ge [sflag:s8], $0x4000  }
0xbb: {  	[sflag:s8] =	ssyncset.done $0x0  }
0xbc: {  	s1 =	rddreg [dreg:$0x14];
	[sflag:s8] =	ssyncadd.s32 $0xFFFFC000  }
0xbd: {  	[hbm4b:s1+s2] =	stream.linear.scatter [tilespmem:s4], [sflag:$0x7], $0x4000, $0x38;
	[tilespmem:$0x18C00] =	vst v63  }
0xbe: {  	_ =	swait.ge [sflag:s9], $0x4000  }
0xbf: {  	[sflag:s9] =	ssyncset.done $0x0  }
0xc0: {  	s1 =	rddreg [dreg:$0x15];
	[sflag:s9] =	ssyncadd.s32 $0xFFFFC000  }
0xc1: {  	[hbm4b:s1+s2] =	stream.linear.scatter [tilespmem:s3], [sflag:$0x8], $0x4000, $0x38;
	[tilespmem:$0x18C00] =	vst v63  }
0xc2: {  	_ =	swait.ge [sflag:s5], $0x4000  }
0xc3: {  	[sflag:s5] =	ssyncset.done $0x0  }
0xc4: {  	[sflag:s5] =	ssyncadd.s32 $0xFFFFC000  }
0xc5: {  	_ =	swait.ge [sflag:s6], $0x4000  }
0xc6: {  	[sflag:s6] =	ssyncset.done $0x0  }
0xc7: {  	[sflag:s6] =	ssyncadd.s32 $0xFFFFC000  }
0xc8: {  	_ =	swait.ge [sflag:s7], $0x4000  }
0xc9: {  	[sflag:s7] =	ssyncset.done $0x0  }
0xca: {  	[sflag:s7] =	ssyncadd.s32 $0xFFFFC000  }
0xcb: {  	_ =	swait.ge [sflag:s10], $0x4000  }
0xcc: {  	[sflag:s10] =	ssyncset.done $0x0  }
0xcd: {  	p1 =	sne.s32 s23, $0x1;
	[sflag:s10] =	ssyncadd.s32 $0xFFFFC000  }
.Ltmp1:
0xce: {  	_ =	swait.ge [sflag:s12], $0x4000;
	(pc) =	sbr.rel @!p1 .LBB2_3-.Ltmp1, $4  }
0xcf: {  	[sflag:s12] =	ssyncset.done $0x0  }
0xd0: {  	[sflag:s12] =	ssyncadd.s32 $0xFFFFC000  }
0xd1: {  	p0 =	por $0x1, $0x1;
	_ =	swait.ge [sflag:s13], $0x4000  }
0xd2: {  	s1 =	sadd.s32 $0xFFFFFFFF, s23;
	s0 =	rddreg [dreg:$0x2];
	[sflag:s13] =	ssyncset.done $0x0  }
.LBB2_4:
0xd3: {  	[sflag:s13] =	ssyncadd.s32 $0xFFFFC000  }
0xd4: {  	[tilespmem:s2], [sflag:$0xD] =	stream.linear.gather [hbm4b:s0+s2], $0xA00, $0x38;
	[tilespmem:$0x18C00] =	vst v63  }
0xd5: {  	_ =	swait.ge [sflag:s31], $0xA00  }
0xd6: {  	[sflag:s31] =	ssyncset.done $0x0  }
0xd7: {  	[sflag:s31] =	ssyncadd.s32 $0xFFFFF600  }
0xd8: {  	[tilespmem:s4], [sflag:$0x1] =	stream.indirect.gather [hbm4b:s11+s14], $0x80, s2, s14, $0xb8;
	[tilespmem:$0x18C00] =	vst v63  }
0xd9: {  	_ = 	snop  }
0xda: {  	[tilespmem:s3], [sflag:$0x2] =	stream.indirect.gather [hbm4b:s11+s14], $0x80, s14, s14, $0xb8;
	[tilespmem:$0x18C00] =	vst v63  }
0xdb: {  	s0 =	rddreg [dreg:$0x16]  }
0xdc: {  	[tilespmem:s18], [sflag:$0x3] =	stream.indirect.gather [hbm4b:s11+s14], $0x80, s0, s14, $0xb8;
	[tilespmem:$0x18C00] =	vst v63  }
0xdd: {  	s23 =	rddreg [dreg:$0x17]  }
0xde: {  	[tilespmem:s17], [sflag:$0x4] =	stream.indirect.gather [hbm4b:s11+s14], $0x80, s23, s14, $0xb8;
	[tilespmem:$0x18C00] =	vst v63  }
0xdf: {  	s0 =	rddreg [dreg:$0x18]  }
0xe0: {  	[tilespmem:s16], [sflag:$0x5] =	stream.indirect.gather [hbm4b:s11+s14], $0x80, s0, s14, $0xb8;
	[tilespmem:$0x18C00] =	vst v63  }
0xe1: {  	_ =	swait.ge [sflag:s8], $0x4000  }
0xe2: {  	[sflag:s8] =	ssyncset.done $0x0  }
0xe3: {  	[sflag:s8] =	ssyncadd.s32 $0xFFFFC000  }
0xe4: {  	[hbm4b:s29+s2] =	stream.linear.scatter [tilespmem:s4], [sflag:$0x7], $0x4000, $0x38;
	[tilespmem:$0x18C00] =	vst v63  }
0xe5: {  	s23 =	rddreg [dreg:$0x19]  }
0xe6: {  	[tilespmem:s15], [sflag:$0x6] =	stream.indirect.gather [hbm4b:s11+s14], $0x80, s23, s14, $0xb8;
	[tilespmem:$0x18C00] =	vst v63  }
0xe7: {  	_ =	swait.ge [sflag:s9], $0x4000  }
0xe8: {  	[sflag:s9] =	ssyncset.done $0x0  }
0xe9: {  	s23 =	rddreg [dreg:$0x3];
	[sflag:s9] =	ssyncadd.s32 $0xFFFFC000  }
0xea: {  	[hbm4b:s23+s2] =	stream.linear.scatter [tilespmem:s3], [sflag:$0x8], $0x4000, $0x38;
	[tilespmem:$0x18C00] =	vst v63  }
0xeb: {  	_ =	swait.ge [sflag:s5], $0x4000  }
0xec: {  	[sflag:s5] =	ssyncset.done $0x0  }
0xed: {  	s23 =	rddreg [dreg:$0x1a];
	[sflag:s5] =	ssyncadd.s32 $0xFFFFC000  }
0xee: {  	[tilespmem:s4], [sflag:$0x1] =	stream.indirect.gather [hbm4b:s11+s14], $0x80, s23, s14, $0xb8;
	[tilespmem:$0x18C00] =	vst v63  }
0xef: {  	_ =	swait.ge [sflag:s22], $0x4000  }
0xf0: {  	[sflag:s22] =	ssyncset.done $0x0  }
0xf1: {  	s23 =	rddreg [dreg:$0x4];
	[sflag:s22] =	ssyncadd.s32 $0xFFFFC000  }
0xf2: {  	[hbm4b:s23+s2] =	stream.linear.scatter [tilespmem:s18], [sflag:$0x9], $0x4000, $0x38;
	[tilespmem:$0x18C00] =	vst v63  }
0xf3: {  	_ =	swait.ge [sflag:s6], $0x4000  }
0xf4: {  	[sflag:s6] =	ssyncset.done $0x0  }
0xf5: {  	s23 =	rddreg [dreg:$0x1b];
	[sflag:s6] =	ssyncadd.s32 $0xFFFFC000  }
0xf6: {  	[tilespmem:s3], [sflag:$0x2] =	stream.indirect.gather [hbm4b:s11+s14], $0x80, s23, s14, $0xb8;
	[tilespmem:$0x18C00] =	vst v63  }
0xf7: {  	_ =	swait.ge [sflag:s19], $0x4000  }
0xf8: {  	[sflag:s19] =	ssyncset.done $0x0  }
0xf9: {  	s23 =	rddreg [dreg:$0x5];
	[sflag:s19] =	ssyncadd.s32 $0xFFFFC000  }
0xfa: {  	[hbm4b:s23+s2] =	stream.linear.scatter [tilespmem:s17], [sflag:$0xA], $0x4000, $0x38;
	[tilespmem:$0x18C00] =	vst v63  }
0xfb: {  	_ =	swait.ge [sflag:s7], $0x4000  }
0xfc: {  	[sflag:s7] =	ssyncset.done $0x0  }
0xfd: {  	s23 =	rddreg [dreg:$0x1c];
	[sflag:s7] =	ssyncadd.s32 $0xFFFFC000  }
0xfe: {  	[tilespmem:s18], [sflag:$0x3] =	stream.indirect.gather [hbm4b:s11+s14], $0x80, s23, s14, $0xb8;
	[tilespmem:$0x18C00] =	vst v63  }
0xff: {  	_ =	swait.ge [sflag:s20], $0x4000  }
0x100: {  	[sflag:s20] =	ssyncset.done $0x0  }
0x101: {  	s23 =	rddreg [dreg:$0x6];
	[sflag:s20] =	ssyncadd.s32 $0xFFFFC000  }
0x102: {  	[hbm4b:s23+s2] =	stream.linear.scatter [tilespmem:s16], [sflag:$0xB], $0x4000, $0x38;
	[tilespmem:$0x18C00] =	vst v63  }
0x103: {  	_ =	swait.ge [sflag:s10], $0x4000  }
0x104: {  	[sflag:s10] =	ssyncset.done $0x0  }
0x105: {  	s23 =	rddreg [dreg:$0x1d];
	[sflag:s10] =	ssyncadd.s32 $0xFFFFC000  }
0x106: {  	[tilespmem:s17], [sflag:$0x4] =	stream.indirect.gather [hbm4b:s11+s14], $0x80, s23, s14, $0xb8;
	[tilespmem:$0x18C00] =	vst v63  }
0x107: {  	_ =	swait.ge [sflag:s21], $0x4000  }
0x108: {  	[sflag:s21] =	ssyncset.done $0x0  }
0x109: {  	s23 =	rddreg [dreg:$0x7];
	[sflag:s21] =	ssyncadd.s32 $0xFFFFC000  }
0x10a: {  	[hbm4b:s23+s2] =	stream.linear.scatter [tilespmem:s15], [sflag:$0xC], $0x4000, $0x38;
	[tilespmem:$0x18C00] =	vst v63  }
0x10b: {  	_ =	swait.ge [sflag:s12], $0x4000  }
0x10c: {  	[sflag:s12] =	ssyncset.done $0x0  }
0x10d: {  	s23 =	rddreg [dreg:$0x1e];
	[sflag:s12] =	ssyncadd.s32 $0xFFFFC000  }
0x10e: {  	[tilespmem:s16], [sflag:$0x5] =	stream.indirect.gather [hbm4b:s11+s14], $0x80, s23, s14, $0xb8;
	[tilespmem:$0x18C00] =	vst v63  }
0x10f: {  	_ =	swait.ge [sflag:s8], $0x4000  }
0x110: {  	[sflag:s8] =	ssyncset.done $0x0  }
0x111: {  	s23 =	rddreg [dreg:$0x8];
	[sflag:s8] =	ssyncadd.s32 $0xFFFFC000  }
0x112: {  	[hbm4b:s23+s2] =	stream.linear.scatter [tilespmem:s4], [sflag:$0x7], $0x4000, $0x38;
	[tilespmem:$0x18C00] =	vst v63  }
0x113: {  	_ =	swait.ge [sflag:s13], $0x4000  }
0x114: {  	[sflag:s13] =	ssyncset.done $0x0  }
0x115: {  	s23 =	rddreg [dreg:$0x1f];
	[sflag:s13] =	ssyncadd.s32 $0xFFFFC000  }
0x116: {  	[tilespmem:s15], [sflag:$0x6] =	stream.indirect.gather [hbm4b:s11+s14], $0x80, s23, s14, $0xb8;
	[tilespmem:$0x18C00] =	vst v63  }
0x117: {  	_ =	swait.ge [sflag:s9], $0x4000  }
0x118: {  	[sflag:s9] =	ssyncset.done $0x0  }
0x119: {  	s23 =	rddreg [dreg:$0x9];
	[sflag:s9] =	ssyncadd.s32 $0xFFFFC000  }
0x11a: {  	[hbm4b:s23+s2] =	stream.linear.scatter [tilespmem:s3], [sflag:$0x8], $0x4000, $0x38;
	[tilespmem:$0x18C00] =	vst v63  }
0x11b: {  	_ =	swait.ge [sflag:s5], $0x4000  }
0x11c: {  	s23 =	sld [smem:$0x7FC]  }
0x11d: {  	[sflag:s5] =	ssyncset.done $0x0  }
0x11e: {  	[sflag:s5] =	ssyncadd.s32 $0xFFFFC000  }
0x11f: {  	[tilespmem:s4], [sflag:$0x1] =	stream.indirect.gather [hbm4b:s11+s14], $0x80, s23, s14, $0xb8;
	[tilespmem:$0x18C00] =	vst v63  }
0x120: {  	_ =	swait.ge [sflag:s22], $0x4000  }
0x121: {  	[sflag:s22] =	ssyncset.done $0x0  }
0x122: {  	s23 =	rddreg [dreg:$0xa];
	[sflag:s22] =	ssyncadd.s32 $0xFFFFC000  }
0x123: {  	[hbm4b:s23+s2] =	stream.linear.scatter [tilespmem:s18], [sflag:$0x9], $0x4000, $0x38;
	[tilespmem:$0x18C00] =	vst v63  }
0x124: {  	_ =	swait.ge [sflag:s6], $0x4000  }
0x125: {  	s23 =	sld [smem:$0x7FD]  }
0x126: {  	[sflag:s6] =	ssyncset.done $0x0  }
0x127: {  	[sflag:s6] =	ssyncadd.s32 $0xFFFFC000  }
0x128: {  	[tilespmem:s3], [sflag:$0x2] =	stream.indirect.gather [hbm4b:s11+s14], $0x80, s23, s14, $0xb8;
	[tilespmem:$0x18C00] =	vst v63  }
0x129: {  	_ =	swait.ge [sflag:s19], $0x4000  }
0x12a: {  	[sflag:s19] =	ssyncset.done $0x0  }
0x12b: {  	s23 =	rddreg [dreg:$0xb];
	[sflag:s19] =	ssyncadd.s32 $0xFFFFC000  }
0x12c: {  	[hbm4b:s23+s2] =	stream.linear.scatter [tilespmem:s17], [sflag:$0xA], $0x4000, $0x38;
	[tilespmem:$0x18C00] =	vst v63  }
0x12d: {  	_ =	swait.ge [sflag:s7], $0x4000  }
0x12e: {  	[sflag:s7] =	ssyncset.done $0x0  }
0x12f: {  	s23 =	simm.s32 $0x700;
	[sflag:s7] =	ssyncadd.s32 $0xFFFFC000  }
0x130: {  	[tilespmem:s18], [sflag:$0x3] =	stream.indirect.gather [hbm4b:s11+s14], $0x80, s23, s14, $0xb8;
	[tilespmem:$0x18C00] =	vst v63  }
0x131: {  	_ =	swait.ge [sflag:s20], $0x4000  }
0x132: {  	[sflag:s20] =	ssyncset.done $0x0  }
0x133: {  	s23 =	rddreg [dreg:$0xc];
	[sflag:s20] =	ssyncadd.s32 $0xFFFFC000  }
0x134: {  	[hbm4b:s23+s2] =	stream.linear.scatter [tilespmem:s16], [sflag:$0xB], $0x4000, $0x38;
	[tilespmem:$0x18C00] =	vst v63  }
0x135: {  	_ =	swait.ge [sflag:s10], $0x4000  }
0x136: {  	[sflag:s10] =	ssyncset.done $0x0  }
0x137: {  	[sflag:s10] =	ssyncadd.s32 $0xFFFFC000  }
0x138: {  	[tilespmem:s17], [sflag:$0x4] =	stream.indirect.gather [hbm4b:s11+s14], $0x80, s30, s14, $0xb8;
	[tilespmem:$0x18C00] =	vst v63  }
0x139: {  	_ =	swait.ge [sflag:s21], $0x4000  }
0x13a: {  	[sflag:s21] =	ssyncset.done $0x0  }
0x13b: {  	s23 =	rddreg [dreg:$0xd];
	[sflag:s21] =	ssyncadd.s32 $0xFFFFC000  }
0x13c: {  	[hbm4b:s23+s2] =	stream.linear.scatter [tilespmem:s15], [sflag:$0xC], $0x4000, $0x38;
	[tilespmem:$0x18C00] =	vst v63  }
0x13d: {  	_ =	swait.ge [sflag:s12], $0x4000  }
0x13e: {  	[sflag:s12] =	ssyncset.done $0x0  }
0x13f: {  	[sflag:s12] =	ssyncadd.s32 $0xFFFFC000  }
0x140: {  	[tilespmem:s16], [sflag:$0x5] =	stream.indirect.gather [hbm4b:s11+s14], $0x80, s28, s14, $0xb8;
	[tilespmem:$0x18C00] =	vst v63  }
0x141: {  	_ =	swait.ge [sflag:s8], $0x4000  }
0x142: {  	[sflag:s8] =	ssyncset.done $0x0  }
0x143: {  	s23 =	rddreg [dreg:$0xe];
	[sflag:s8] =	ssyncadd.s32 $0xFFFFC000  }
0x144: {  	[hbm4b:s23+s2] =	stream.linear.scatter [tilespmem:s4], [sflag:$0x7], $0x4000, $0x38;
	[tilespmem:$0x18C00] =	vst v63  }
0x145: {  	_ =	swait.ge [sflag:s13], $0x4000  }
0x146: {  	[sflag:s13] =	ssyncset.done $0x0  }
0x147: {  	[sflag:s13] =	ssyncadd.s32 $0xFFFFC000  }
0x148: {  	[tilespmem:s15], [sflag:$0x6] =	stream.indirect.gather [hbm4b:s11+s14], $0x80, s26, s14, $0xb8;
	[tilespmem:$0x18C00] =	vst v63  }
0x149: {  	_ =	swait.ge [sflag:s9], $0x4000  }
0x14a: {  	[sflag:s9] =	ssyncset.done $0x0  }
0x14b: {  	s23 =	rddreg [dreg:$0xf];
	[sflag:s9] =	ssyncadd.s32 $0xFFFFC000  }
0x14c: {  	[hbm4b:s23+s2] =	stream.linear.scatter [tilespmem:s3], [sflag:$0x8], $0x4000, $0x38;
	[tilespmem:$0x18C00] =	vst v63  }
0x14d: {  	_ =	swait.ge [sflag:s5], $0x4000  }
0x14e: {  	[sflag:s5] =	ssyncset.done $0x0  }
0x14f: {  	[sflag:s5] =	ssyncadd.s32 $0xFFFFC000  }
0x150: {  	[tilespmem:s4], [sflag:$0x1] =	stream.indirect.gather [hbm4b:s11+s14], $0x80, s25, s14, $0xb8;
	[tilespmem:$0x18C00] =	vst v63  }
0x151: {  	_ =	swait.ge [sflag:s22], $0x4000  }
0x152: {  	[sflag:s22] =	ssyncset.done $0x0  }
0x153: {  	s23 =	rddreg [dreg:$0x10];
	[sflag:s22] =	ssyncadd.s32 $0xFFFFC000  }
0x154: {  	[hbm4b:s23+s2] =	stream.linear.scatter [tilespmem:s18], [sflag:$0x9], $0x4000, $0x38;
	[tilespmem:$0x18C00] =	vst v63  }
0x155: {  	_ =	swait.ge [sflag:s6], $0x4000  }
0x156: {  	[sflag:s6] =	ssyncset.done $0x0  }
0x157: {  	[sflag:s6] =	ssyncadd.s32 $0xFFFFC000  }
0x158: {  	[tilespmem:s3], [sflag:$0x2] =	stream.indirect.gather [hbm4b:s11+s14], $0x80, s24, s14, $0xb8;
	[tilespmem:$0x18C00] =	vst v63  }
0x159: {  	_ =	swait.ge [sflag:s19], $0x4000  }
0x15a: {  	[sflag:s19] =	ssyncset.done $0x0  }
0x15b: {  	s23 =	rddreg [dreg:$0x11];
	[sflag:s19] =	ssyncadd.s32 $0xFFFFC000  }
0x15c: {  	[hbm4b:s23+s2] =	stream.linear.scatter [tilespmem:s17], [sflag:$0xA], $0x4000, $0x38;
	[tilespmem:$0x18C00] =	vst v63  }
0x15d: {  	_ =	swait.ge [sflag:s20], $0x4000  }
0x15e: {  	[sflag:s20] =	ssyncset.done $0x0  }
0x15f: {  	s23 =	rddreg [dreg:$0x12];
	[sflag:s20] =	ssyncadd.s32 $0xFFFFC000  }
0x160: {  	[hbm4b:s23+s2] =	stream.linear.scatter [tilespmem:s16], [sflag:$0xB], $0x4000, $0x38;
	[tilespmem:$0x18C00] =	vst v63  }
0x161: {  	_ =	swait.ge [sflag:s21], $0x4000  }
0x162: {  	[sflag:s21] =	ssyncset.done $0x0  }
0x163: {  	s23 =	rddreg [dreg:$0x13];
	[sflag:s21] =	ssyncadd.s32 $0xFFFFC000  }
0x164: {  	[hbm4b:s23+s2] =	stream.linear.scatter [tilespmem:s15], [sflag:$0xC], $0x4000, $0x38;
	[tilespmem:$0x18C00] =	vst v63  }
0x165: {  	_ =	swait.ge [sflag:s8], $0x4000  }
0x166: {  	[sflag:s8] =	ssyncset.done $0x0  }
0x167: {  	s23 =	rddreg [dreg:$0x14];
	[sflag:s8] =	ssyncadd.s32 $0xFFFFC000  }
0x168: {  	[hbm4b:s23+s2] =	stream.linear.scatter [tilespmem:s4], [sflag:$0x7], $0x4000, $0x38;
	[tilespmem:$0x18C00] =	vst v63  }
0x169: {  	_ =	swait.ge [sflag:s9], $0x4000  }
0x16a: {  	[sflag:s9] =	ssyncset.done $0x0  }
0x16b: {  	s23 =	rddreg [dreg:$0x15];
	[sflag:s9] =	ssyncadd.s32 $0xFFFFC000  }
0x16c: {  	[hbm4b:s23+s2] =	stream.linear.scatter [tilespmem:s3], [sflag:$0x8], $0x4000, $0x38;
	[tilespmem:$0x18C00] =	vst v63  }
0x16d: {  	_ =	swait.ge [sflag:s5], $0x4000  }
0x16e: {  	[sflag:s5] =	ssyncset.done $0x0  }
0x16f: {  	[sflag:s5] =	ssyncadd.s32 $0xFFFFC000  }
0x170: {  	_ =	swait.ge [sflag:s6], $0x4000  }
0x171: {  	[sflag:s6] =	ssyncset.done $0x0  }
0x172: {  	[sflag:s6] =	ssyncadd.s32 $0xFFFFC000  }
0x173: {  	_ =	swait.ge [sflag:s7], $0x4000  }
0x174: {  	[sflag:s7] =	ssyncset.done $0x0  }
0x175: {  	[sflag:s7] =	ssyncadd.s32 $0xFFFFC000  }
0x176: {  	_ =	swait.ge [sflag:s10], $0x4000  }
0x177: {  	[sflag:s10] =	ssyncset.done $0x0  }
0x178: {  	p1 =	sne.s32 s1, $0x1;
	[sflag:s10] =	ssyncadd.s32 $0xFFFFC000  }
.Ltmp2:
0x179: {  	_ =	swait.ge [sflag:s12], $0x4000;
	(pc) =	sbr.rel @p1 .LBB2_4-.Ltmp2, $4  }
0x17a: {  	[sflag:s12] =	ssyncset.done $0x0  }
0x17b: {  	[sflag:s12] =	ssyncadd.s32 $0xFFFFC000  }
0x17c: {  	_ =	swait.ge [sflag:s13], $0x4000  }
0x17d: {  	s1 =	sadd.s32 $0xFFFFFFFF, s1;
	s0 =	rddreg [dreg:$0x2];
	[sflag:s13] =	ssyncset.done $0x0  }
0x17e: {  	s24 =	simm.s32 $0x700;
	s30 =	simm.s32 $0x780;
	s28 =	simm.s32 $0x800  }
0x17f: {  	s26 =	simm.s32 $0x880;
	s25 =	simm.s32 $0x900;
	s23 =	stileid.u32  }
.LBB2_6:
0x180: {  	[sflag:s13] =	ssyncadd.s32 @p0 $0xFFFFC000  }
0x181: {  	[tilespmem:s2], [sflag:$0xD] =	stream.linear.gather [hbm4b:s0+s2], $0xA00, $0x38;
	[tilespmem:$0x18C00] =	vst v63  }
0x182: {  	_ =	swait.ge [sflag:s31], $0xA00  }
0x183: {  	[sflag:s31] =	ssyncset.done $0x0  }
0x184: {  	[sflag:s31] =	ssyncadd.s32 $0xFFFFF600  }
0x185: {  	[tilespmem:s4], [sflag:$0x1] =	stream.indirect.gather [hbm4b:s11+s14], $0x80, s2, s14, $0xb8;
	[tilespmem:$0x18C00] =	vst v63  }
0x186: {  	_ = 	snop  }
0x187: {  	[tilespmem:s3], [sflag:$0x2] =	stream.indirect.gather [hbm4b:s11+s14], $0x80, s14, s14, $0xb8;
	[tilespmem:$0x18C00] =	vst v63  }
0x188: {  	s31 =	rddreg [dreg:$0x16]  }
0x189: {  	[tilespmem:s18], [sflag:$0x3] =	stream.indirect.gather [hbm4b:s11+s14], $0x80, s31, s14, $0xb8;
	[tilespmem:$0x18C00] =	vst v63  }
0x18a: {  	s1 =	rddreg [dreg:$0x17]  }
0x18b: {  	[tilespmem:s17], [sflag:$0x4] =	stream.indirect.gather [hbm4b:s11+s14], $0x80, s1, s14, $0xb8;
	[tilespmem:$0x18C00] =	vst v63  }
0x18c: {  	s31 =	rddreg [dreg:$0x18]  }
0x18d: {  	[tilespmem:s16], [sflag:$0x5] =	stream.indirect.gather [hbm4b:s11+s14], $0x80, s31, s14, $0xb8;
	[tilespmem:$0x18C00] =	vst v63  }
0x18e: {  	_ =	swait.ge [sflag:s8], $0x4000  }
0x18f: {  	[sflag:s8] =	ssyncset.done $0x0  }
0x190: {  	[sflag:s8] =	ssyncadd.s32 $0xFFFFC000  }
0x191: {  	[hbm4b:s29+s2] =	stream.linear.scatter [tilespmem:s4], [sflag:$0x7], $0x4000, $0x38;
	[tilespmem:$0x18C00] =	vst v63  }
0x192: {  	s1 =	rddreg [dreg:$0x19]  }
0x193: {  	[tilespmem:s15], [sflag:$0x6] =	stream.indirect.gather [hbm4b:s11+s14], $0x80, s1, s14, $0xb8;
	[tilespmem:$0x18C00] =	vst v63  }
0x194: {  	_ =	swait.ge [sflag:s9], $0x4000  }
0x195: {  	[sflag:s9] =	ssyncset.done $0x0  }
0x196: {  	s31 =	rddreg [dreg:$0x3];
	[sflag:s9] =	ssyncadd.s32 $0xFFFFC000  }
0x197: {  	[hbm4b:s31+s2] =	stream.linear.scatter [tilespmem:s3], [sflag:$0x8], $0x4000, $0x38;
	[tilespmem:$0x18C00] =	vst v63  }
0x198: {  	_ =	swait.ge [sflag:s5], $0x4000  }
0x199: {  	[sflag:s5] =	ssyncset.done $0x0  }
0x19a: {  	s1 =	rddreg [dreg:$0x1a];
	[sflag:s5] =	ssyncadd.s32 $0xFFFFC000  }
0x19b: {  	[tilespmem:s4], [sflag:$0x1] =	stream.indirect.gather [hbm4b:s11+s14], $0x80, s1, s14, $0xb8;
	[tilespmem:$0x18C00] =	vst v63  }
0x19c: {  	_ =	swait.ge [sflag:s22], $0x4000  }
0x19d: {  	[sflag:s22] =	ssyncset.done $0x0  }
0x19e: {  	s29 =	rddreg [dreg:$0x4];
	[sflag:s22] =	ssyncadd.s32 $0xFFFFC000  }
0x19f: {  	[hbm4b:s29+s2] =	stream.linear.scatter [tilespmem:s18], [sflag:$0x9], $0x4000, $0x38;
	[tilespmem:$0x18C00] =	vst v63  }
0x1a0: {  	_ =	swait.ge [sflag:s6], $0x4000  }
0x1a1: {  	[sflag:s6] =	ssyncset.done $0x0  }
0x1a2: {  	s31 =	rddreg [dreg:$0x1b];
	[sflag:s6] =	ssyncadd.s32 $0xFFFFC000  }
0x1a3: {  	[tilespmem:s3], [sflag:$0x2] =	stream.indirect.gather [hbm4b:s11+s14], $0x80, s31, s14, $0xb8;
	[tilespmem:$0x18C00] =	vst v63  }
0x1a4: {  	_ =	swait.ge [sflag:s19], $0x4000  }
0x1a5: {  	[sflag:s19] =	ssyncset.done $0x0  }
0x1a6: {  	s1 =	rddreg [dreg:$0x5];
	[sflag:s19] =	ssyncadd.s32 $0xFFFFC000  }
0x1a7: {  	[hbm4b:s1+s2] =	stream.linear.scatter [tilespmem:s17], [sflag:$0xA], $0x4000, $0x38;
	[tilespmem:$0x18C00] =	vst v63  }
0x1a8: {  	_ =	swait.ge [sflag:s7], $0x4000  }
0x1a9: {  	[sflag:s7] =	ssyncset.done $0x0  }
0x1aa: {  	s29 =	rddreg [dreg:$0x1c];
	[sflag:s7] =	ssyncadd.s32 $0xFFFFC000  }
0x1ab: {  	[tilespmem:s18], [sflag:$0x3] =	stream.indirect.gather [hbm4b:s11+s14], $0x80, s29, s14, $0xb8;
	[tilespmem:$0x18C00] =	vst v63  }
0x1ac: {  	_ =	swait.ge [sflag:s20], $0x4000  }
0x1ad: {  	[sflag:s20] =	ssyncset.done $0x0  }
0x1ae: {  	s31 =	rddreg [dreg:$0x6];
	[sflag:s20] =	ssyncadd.s32 $0xFFFFC000  }
0x1af: {  	[hbm4b:s31+s2] =	stream.linear.scatter [tilespmem:s16], [sflag:$0xB], $0x4000, $0x38;
	[tilespmem:$0x18C00] =	vst v63  }
0x1b0: {  	_ =	swait.ge [sflag:s10], $0x4000  }
0x1b1: {  	[sflag:s10] =	ssyncset.done $0x0  }
0x1b2: {  	s1 =	rddreg [dreg:$0x1d];
	[sflag:s10] =	ssyncadd.s32 $0xFFFFC000  }
0x1b3: {  	[tilespmem:s17], [sflag:$0x4] =	stream.indirect.gather [hbm4b:s11+s14], $0x80, s1, s14, $0xb8;
	[tilespmem:$0x18C00] =	vst v63  }
0x1b4: {  	_ =	swait.ge [sflag:s21], $0x4000  }
0x1b5: {  	[sflag:s21] =	ssyncset.done $0x0  }
0x1b6: {  	s29 =	rddreg [dreg:$0x7];
	[sflag:s21] =	ssyncadd.s32 $0xFFFFC000  }
0x1b7: {  	[hbm4b:s29+s2] =	stream.linear.scatter [tilespmem:s15], [sflag:$0xC], $0x4000, $0x38;
	[tilespmem:$0x18C00] =	vst v63  }
0x1b8: {  	_ =	swait.ge [sflag:s12], $0x4000  }
0x1b9: {  	[sflag:s12] =	ssyncset.done $0x0  }
0x1ba: {  	s31 =	rddreg [dreg:$0x1e];
	[sflag:s12] =	ssyncadd.s32 $0xFFFFC000  }
0x1bb: {  	[tilespmem:s16], [sflag:$0x5] =	stream.indirect.gather [hbm4b:s11+s14], $0x80, s31, s14, $0xb8;
	[tilespmem:$0x18C00] =	vst v63  }
0x1bc: {  	_ =	swait.ge [sflag:s8], $0x4000  }
0x1bd: {  	[sflag:s8] =	ssyncset.done $0x0  }
0x1be: {  	s1 =	rddreg [dreg:$0x8];
	[sflag:s8] =	ssyncadd.s32 $0xFFFFC000  }
0x1bf: {  	[hbm4b:s1+s2] =	stream.linear.scatter [tilespmem:s4], [sflag:$0x7], $0x4000, $0x38;
	[tilespmem:$0x18C00] =	vst v63  }
0x1c0: {  	_ =	swait.ge [sflag:s13], $0x4000  }
0x1c1: {  	[sflag:s13] =	ssyncset.done $0x0  }
0x1c2: {  	s29 =	rddreg [dreg:$0x1f];
	[sflag:s13] =	ssyncadd.s32 $0xFFFFC000  }
0x1c3: {  	[tilespmem:s15], [sflag:$0x6] =	stream.indirect.gather [hbm4b:s11+s14], $0x80, s29, s14, $0xb8;
	[tilespmem:$0x18C00] =	vst v63  }
0x1c4: {  	_ =	swait.ge [sflag:s9], $0x4000  }
0x1c5: {  	[sflag:s9] =	ssyncset.done $0x0  }
0x1c6: {  	s31 =	rddreg [dreg:$0x9];
	[sflag:s9] =	ssyncadd.s32 $0xFFFFC000  }
0x1c7: {  	[hbm4b:s31+s2] =	stream.linear.scatter [tilespmem:s3], [sflag:$0x8], $0x4000, $0x38;
	[tilespmem:$0x18C00] =	vst v63  }
0x1c8: {  	_ =	swait.ge [sflag:s5], $0x4000  }
0x1c9: {  	s1 =	sld [smem:$0x7FC]  }
0x1ca: {  	[sflag:s5] =	ssyncset.done $0x0  }
0x1cb: {  	[sflag:s5] =	ssyncadd.s32 $0xFFFFC000  }
0x1cc: {  	[tilespmem:s4], [sflag:$0x1] =	stream.indirect.gather [hbm4b:s11+s14], $0x80, s1, s14, $0xb8;
	[tilespmem:$0x18C00] =	vst v63  }
0x1cd: {  	_ =	swait.ge [sflag:s22], $0x4000  }
0x1ce: {  	[sflag:s22] =	ssyncset.done $0x0  }
0x1cf: {  	s29 =	rddreg [dreg:$0xa];
	[sflag:s22] =	ssyncadd.s32 $0xFFFFC000  }
0x1d0: {  	[hbm4b:s29+s2] =	stream.linear.scatter [tilespmem:s18], [sflag:$0x9], $0x4000, $0x38;
	[tilespmem:$0x18C00] =	vst v63  }
0x1d1: {  	_ =	swait.ge [sflag:s6], $0x4000  }
0x1d2: {  	s31 =	sld [smem:$0x7FD]  }
0x1d3: {  	[sflag:s6] =	ssyncset.done $0x0  }
0x1d4: {  	[sflag:s6] =	ssyncadd.s32 $0xFFFFC000  }
0x1d5: {  	[tilespmem:s3], [sflag:$0x2] =	stream.indirect.gather [hbm4b:s11+s14], $0x80, s31, s14, $0xb8;
	[tilespmem:$0x18C00] =	vst v63  }
0x1d6: {  	_ =	swait.ge [sflag:s19], $0x4000  }
0x1d7: {  	[sflag:s19] =	ssyncset.done $0x0  }
0x1d8: {  	s1 =	rddreg [dreg:$0xb];
	[sflag:s19] =	ssyncadd.s32 $0xFFFFC000  }
0x1d9: {  	[hbm4b:s1+s2] =	stream.linear.scatter [tilespmem:s17], [sflag:$0xA], $0x4000, $0x38;
	[tilespmem:$0x18C00] =	vst v63  }
0x1da: {  	_ =	swait.ge [sflag:s7], $0x4000  }
0x1db: {  	[sflag:s7] =	ssyncset.done $0x0  }
0x1dc: {  	[sflag:s7] =	ssyncadd.s32 $0xFFFFC000  }
0x1dd: {  	[tilespmem:s18], [sflag:$0x3] =	stream.indirect.gather [hbm4b:s11+s14], $0x80, s24, s14, $0xb8;
	[tilespmem:$0x18C00] =	vst v63  }
0x1de: {  	_ =	swait.ge [sflag:s20], $0x4000  }
0x1df: {  	[sflag:s20] =	ssyncset.done $0x0  }
0x1e0: {  	s29 =	rddreg [dreg:$0xc];
	[sflag:s20] =	ssyncadd.s32 $0xFFFFC000  }
0x1e1: {  	[hbm4b:s29+s2] =	stream.linear.scatter [tilespmem:s16], [sflag:$0xB], $0x4000, $0x38;
	[tilespmem:$0x18C00] =	vst v63  }
0x1e2: {  	_ =	swait.ge [sflag:s10], $0x4000  }
0x1e3: {  	[sflag:s10] =	ssyncset.done $0x0  }
0x1e4: {  	[sflag:s10] =	ssyncadd.s32 $0xFFFFC000  }
0x1e5: {  	[tilespmem:s17], [sflag:$0x4] =	stream.indirect.gather [hbm4b:s11+s14], $0x80, s30, s14, $0xb8;
	[tilespmem:$0x18C00] =	vst v63  }
0x1e6: {  	_ =	swait.ge [sflag:s21], $0x4000  }
0x1e7: {  	[sflag:s21] =	ssyncset.done $0x0  }
0x1e8: {  	s30 =	rddreg [dreg:$0xd];
	[sflag:s21] =	ssyncadd.s32 $0xFFFFC000  }
0x1e9: {  	[hbm4b:s30+s2] =	stream.linear.scatter [tilespmem:s15], [sflag:$0xC], $0x4000, $0x38;
	[tilespmem:$0x18C00] =	vst v63  }
0x1ea: {  	_ =	swait.ge [sflag:s12], $0x4000  }
0x1eb: {  	[sflag:s12] =	ssyncset.done $0x0  }
0x1ec: {  	[sflag:s12] =	ssyncadd.s32 $0xFFFFC000  }
0x1ed: {  	[tilespmem:s16], [sflag:$0x5] =	stream.indirect.gather [hbm4b:s11+s14], $0x80, s28, s14, $0xb8;
	[tilespmem:$0x18C00] =	vst v63  }
0x1ee: {  	_ =	swait.ge [sflag:s8], $0x4000  }
0x1ef: {  	[sflag:s8] =	ssyncset.done $0x0  }
0x1f0: {  	s31 =	rddreg [dreg:$0xe];
	[sflag:s8] =	ssyncadd.s32 $0xFFFFC000  }
0x1f1: {  	[hbm4b:s31+s2] =	stream.linear.scatter [tilespmem:s4], [sflag:$0x7], $0x4000, $0x38;
	[tilespmem:$0x18C00] =	vst v63  }
0x1f2: {  	_ =	swait.ge [sflag:s13], $0x4000  }
0x1f3: {  	[sflag:s13] =	ssyncset.done $0x0  }
0x1f4: {  	[sflag:s13] =	ssyncadd.s32 $0xFFFFC000  }
0x1f5: {  	[tilespmem:s15], [sflag:$0x6] =	stream.indirect.gather [hbm4b:s11+s14], $0x80, s26, s14, $0xb8;
	[tilespmem:$0x18C00] =	vst v63  }
0x1f6: {  	_ =	swait.ge [sflag:s9], $0x4000  }
0x1f7: {  	[sflag:s9] =	ssyncset.done $0x0  }
0x1f8: {  	s1 =	rddreg [dreg:$0xf];
	[sflag:s9] =	ssyncadd.s32 $0xFFFFC000  }
0x1f9: {  	[hbm4b:s1+s2] =	stream.linear.scatter [tilespmem:s3], [sflag:$0x8], $0x4000, $0x38;
	[tilespmem:$0x18C00] =	vst v63  }
0x1fa: {  	_ =	swait.ge [sflag:s5], $0x4000  }
0x1fb: {  	[sflag:s5] =	ssyncset.done $0x0  }
0x1fc: {  	[sflag:s5] =	ssyncadd.s32 $0xFFFFC000  }
0x1fd: {  	[tilespmem:s4], [sflag:$0x1] =	stream.indirect.gather [hbm4b:s11+s14], $0x80, s25, s14, $0xb8;
	[tilespmem:$0x18C00] =	vst v63  }
0x1fe: {  	_ =	swait.ge [sflag:s22], $0x4000  }
0x1ff: {  	[sflag:s22] =	ssyncset.done $0x0  }
0x200: {  	s24 =	rddreg [dreg:$0x10];
	[sflag:s22] =	ssyncadd.s32 $0xFFFFC000  }
0x201: {  	[hbm4b:s24+s2] =	stream.linear.scatter [tilespmem:s18], [sflag:$0x9], $0x4000, $0x38;
	[tilespmem:$0x18C00] =	vst v63  }
0x202: {  	_ =	swait.ge [sflag:s6], $0x4000  }
0x203: {  	[sflag:s6] =	ssyncset.done $0x0  }
0x204: {  	s25 =	simm.s32 $0x980;
	[sflag:s6] =	ssyncadd.s32 $0xFFFFC000  }
0x205: {  	[tilespmem:s3], [sflag:$0x2] =	stream.indirect.gather [hbm4b:s11+s14], $0x80, s25, s14, $0xb8;
	[tilespmem:$0x18C00] =	vst v63  }
0x206: {  	_ =	swait.ge [sflag:s19], $0x4000  }
0x207: {  	[sflag:s19] =	ssyncset.done $0x0  }
0x208: {  	s26 =	rddreg [dreg:$0x11];
	[sflag:s19] =	ssyncadd.s32 $0xFFFFC000  }
0x209: {  	[hbm4b:s26+s2] =	stream.linear.scatter [tilespmem:s17], [sflag:$0xA], $0x4000, $0x38;
	[tilespmem:$0x18C00] =	vst v63  }
0x20a: {  	_ =	swait.ge [sflag:s20], $0x4000  }
0x20b: {  	[sflag:s20] =	ssyncset.done $0x0  }
0x20c: {  	s28 =	rddreg [dreg:$0x12];
	[sflag:s20] =	ssyncadd.s32 $0xFFFFC000  }
0x20d: {  	[hbm4b:s28+s2] =	stream.linear.scatter [tilespmem:s16], [sflag:$0xB], $0x4000, $0x38;
	[tilespmem:$0x18C00] =	vst v63  }
0x20e: {  	_ =	swait.ge [sflag:s21], $0x4000  }
0x20f: {  	[sflag:s21] =	ssyncset.done $0x0  }
0x210: {  	s29 =	rddreg [dreg:$0x13];
	[sflag:s21] =	ssyncadd.s32 $0xFFFFC000  }
0x211: {  	[hbm4b:s29+s2] =	stream.linear.scatter [tilespmem:s15], [sflag:$0xC], $0x4000, $0x38;
	[tilespmem:$0x18C00] =	vst v63  }
0x212: {  	_ =	swait.ge [sflag:s8], $0x4000  }
0x213: {  	[sflag:s8] =	ssyncset.done $0x0  }
0x214: {  	s30 =	rddreg [dreg:$0x14];
	[sflag:s8] =	ssyncadd.s32 $0xFFFFC000  }
0x215: {  	[hbm4b:s30+s2] =	stream.linear.scatter [tilespmem:s4], [sflag:$0x7], $0x4000, $0x38;
	[tilespmem:$0x18C00] =	vst v63  }
0x216: {  	_ =	swait.ge [sflag:s9], $0x4000  }
0x217: {  	[sflag:s9] =	ssyncset.done $0x0  }
0x218: {  	s31 =	rddreg [dreg:$0x15];
	[sflag:s9] =	ssyncadd.s32 $0xFFFFC000  }
0x219: {  	[hbm4b:s31+s2] =	stream.linear.scatter [tilespmem:s3], [sflag:$0x8], $0x4000, $0x38;
	[tilespmem:$0x18C00] =	vst v63  }
0x21a: {  	_ =	swait.ge [sflag:s5], $0x4000  }
0x21b: {  	[sflag:s5] =	ssyncset.done $0x0  }
0x21c: {  	[sflag:s5] =	ssyncadd.s32 $0xFFFFC000  }
0x21d: {  	_ =	swait.ge [sflag:s6], $0x4000  }
0x21e: {  	[sflag:s6] =	ssyncset.done $0x0  }
0x21f: {  	[sflag:s6] =	ssyncadd.s32 $0xFFFFC000  }
0x220: {  	_ =	swait.ge [sflag:s7], $0x4000  }
0x221: {  	[sflag:s7] =	ssyncset.done $0x0  }
0x222: {  	[sflag:s7] =	ssyncadd.s32 $0xFFFFC000  }
0x223: {  	_ =	swait.ge [sflag:s10], $0x4000  }
0x224: {  	[sflag:s10] =	ssyncset.done $0x0  }
0x225: {  	[sflag:s10] =	ssyncadd.s32 $0xFFFFC000  }
0x226: {  	_ =	swait.ge [sflag:s12], $0x4000  }
0x227: {  	[sflag:s12] =	ssyncset.done $0x0  }
0x228: {  	[sflag:s12] =	ssyncadd.s32 $0xFFFFC000  }
0x229: {  	_ =	swait.ge [sflag:s13], $0x4000  }
0x22a: {  	[sflag:s13] =	ssyncset.done $0x0  }
0x22b: {  	[sflag:s13] =	ssyncadd.s32 $0xFFFFC000  }
0x22c: {  	_ =	sfence.sel $0x180000  }
0x22d: {  	[bflag:$0x0] =	sbarrier.arrive $0xFFFF  }
0x22e: {  	_ =	strace $0x90000047  }
0x22f: {  	[bflag:$0x2] =	sbarrier.arrive $0xFFFF  }
0x230: {  	p0 =	sne.s32 s23, $0x0;
	s0 =	rddreg [dreg:$0x1]  }
0x231: {  	s0 =	sadd.s32 @!p0 $0x100000, s0  }
0x232: {  	[sflag:s0] =	ssyncadd.tile.s32 @!p0 $0x1;
	_ =	shalt  }
.LBB2_1:
.Ltmp3:
0x233: {  	(pc) =	sbr.rel .LBB2_6-.Ltmp3, $3  }
0x234: {  	_ =	sdelay $0x1  }
0x235: {  	s24 =	simm.s32 $0x700;
	s30 =	simm.s32 $0x780  }
0x236: {  	s28 =	simm.s32 $0x800;
	s26 =	simm.s32 $0x880;
	s25 =	simm.s32 $0x900  }
.LBB2_3:
.Ltmp4:
0x237: {  	(pc) =	sbr.rel .LBB2_6-.Ltmp4, $3  }
0x238: {  	_ =	sdelay $0x1  }
0x239: {  	s24 =	simm.s32 $0x700;
	s30 =	simm.s32 $0x780;
	s28 =	simm.s32 $0x800  }
0x23a: {  	s26 =	simm.s32 $0x880;
	s25 =	simm.s32 $0x900;
	s23 =	stileid.u32  }
.Lfunc_end2:
_tile_overlayer_lowered:
.L_overlay_start_2:
0x23b: {  	(tag) =	ssettag $0x2  }
0x23c: {  	s0 =	rddreg [dreg:$0x0];
	s2 =	stileid.u32  }
0x23d: {  	s1 =	rddreg [dreg:$0x1];
	p0 =	sne.s32 s2, $0x0  }
0x23e: {  	s3 =	rddreg [dreg:$0x2];
	[bflag:$0x3] =	sbarrier.arrive $0xFFFF;
	s2 =	simm.s32 @!p0 $0x1C0D  }
0x23f: {  	[timem:s3], [sflag:s2] =	dma.local @!p0 [hbm:s0], s1  }
0x240: {  	s0 =	simm.s32 @!p0 $0xD  }
0x241: {  	_ =	swait.ge @!p0 [sflag:s0], s1  }
0x242: {  	s1 =	ssub.s32 @!p0 $0x0, s1;
	[sflag:s0] =	ssyncset.done @!p0 $0x0  }
0x243: {  	[sflag:s0] =	ssyncadd.s32 @!p0 s1  }
0x244: {  	[bflag:$0x3] =	sbarrier.arrive $0xFFFF  }
0x245: {  	_ =	shalt  }

</sc_bundles>
